<compile_context>
chip_gen: v7x
topology: tpu7x:2x2x1
jax: 0.10.2.dev20260603
libtpu: 0.0.44.dev20260713+nightly
codegen_flags: <defaults>
</compile_context>

<pallas_src>
import functools

import jax
import jax.numpy as jnp
import numpy as np
from jax import lax
from jax.experimental import pallas as pl
from jax.experimental.pallas import tpu as pltpu
from jax.experimental.pallas import tpu_sc as plsc

R = 65536
S = 64
NB = S + 1
OUTW = 2 * S + 1
L = 16
HIST_PAD = 0.01
EPS = 1e-5

NC, NS = 2, 16
NW = NC * NS
GROUPS = R // L
GPW = GROUPS // NW

SPW = L * NB
WTW = L * S
NFW = 2 * L
OUW = L * OUTW

_f32 = jnp.float32
_i32 = jnp.int32

_UJ = (np.linspace(0.0, 1.0 - 1.0 / NB, NB, dtype=np.float32)
       + np.float32(1.0 / (2 * NB)))
_USTEP = float(np.float32(1.0 / NB))
_UHALF = float(np.float32(1.0 / (2 * NB)))


def _body(sp_hbm, wt_hbm, nf_hbm, out_hbm,
          sp_v, wt_v, nf_v, out_v, cdf_v, hi_v, hb_v,
          s_in0, s_in1, s_out0, s_out1):
    wid = lax.axis_index("c") * NS + lax.axis_index("s")
    lane = lax.iota(_i32, L)
    wlane = lane * S
    splane = lane * NB
    olane = lane * OUTW
    gbase = wid * GPW

    zeros_f = jnp.zeros((L,), _f32)
    zeros_i = jnp.zeros((L,), _i32)
    ones_i = jnp.ones((L,), _i32)
    one_f = jnp.full((L,), _f32(1.0), _f32)
    s64 = jnp.full((L,), _i32(S), _i32)

    for j in range(NB):
        hi_v[pl.ds(j * L, L)] = zeros_i
    for i in range(S):
        hb_v[pl.ds(i * L, L)] = zeros_i
    cdf_v[pl.ds(0, L)] = jnp.full((L,), _f32(0.5), _f32)

    def _in_copies(g, half, sem):
        base = gbase + g
        return (
            (sp_hbm.at[pl.ds(base * SPW, SPW)],
             sp_v.at[pl.ds(half * SPW, SPW)], sem),
            (wt_hbm.at[pl.ds(base * WTW, WTW)],
             wt_v.at[pl.ds(half * WTW, WTW)], sem),
            (nf_hbm.at[pl.ds(base * NFW, NFW)],
             nf_v.at[pl.ds(half * NFW, NFW)], sem),
        )

    def issue_in(g, half, sem):
        for src, dst, sm in _in_copies(g, half, sem):
            pltpu.async_copy(src, dst, sm)

    def wait_in(g, half, sem):
        for src, dst, sm in _in_copies(g, half, sem):
            pltpu.make_async_copy(src, dst, sm).wait()

    issue_in(0, 0, s_in0)

    def group(g, carry):
        b = jnp.bitwise_and(g, 1)
        is0 = b == 0
        gnext = jnp.minimum(g + 1, GPW - 1)

        @pl.when(is0)
        def _():
            wait_in(g, 0, s_in0)
            issue_in(gnext, 1, s_in1)

        @pl.when(jnp.logical_not(is0))
        def _():
            wait_in(g, 1, s_in1)
            issue_in(gnext, 0, s_in0)

        @pl.when(jnp.logical_and(g >= 2, is0))
        def _():
            pltpu.make_async_copy(
                out_v.at[pl.ds(0, OUW)],
                out_hbm.at[pl.ds((gbase + g - 2) * OUW, OUW)],
                s_out0).wait()

        @pl.when(jnp.logical_and(g >= 2, jnp.logical_not(is0)))
        def _():
            pltpu.make_async_copy(
                out_v.at[pl.ds(OUW, OUW)],
                out_hbm.at[pl.ds((gbase + g - 2) * OUW, OUW)],
                s_out1).wait()

        wlane_b = wlane + b * WTW
        splane_b = splane + b * SPW
        olane_b = olane + b * OUW
        nfoff = b * NFW
        near = plsc.load_gather(nf_v, [lane * 2 + nfoff])
        far = plsc.load_gather(nf_v, [lane * 2 + (nfoff + 1)])
        scale = far - near

        @plsc.parallel_loop(0, S, unroll=8, carry=zeros_f)
        def _p1(s, acc):
            w = plsc.load_gather(wt_v, [wlane_b + s])
            acc = acc + w
            cdf_v[pl.ds(s * L + L, L)] = acc
            return acc

        acc = _p1
        wsum = acc + jnp.full((L,), _f32(S) * _f32(HIST_PAD), _f32)
        padding = jnp.maximum(jnp.full((L,), _f32(EPS), _f32) - wsum, zeros_f)
        wsum = wsum + padding
        r65 = jnp.full((L,), _f32(NB), _f32) / wsum
        h65 = (jnp.full((L,), _f32(HIST_PAD), _f32)
               + padding * _f32(1.0 / S)) * r65
        ycap = jnp.full((L,), _f32(NB + 0.5), _f32)

        hi_v[pl.ds(0, L)] = ones_i

        @plsc.parallel_loop(0, S, unroll=8)
        def _p2(s):
            a = cdf_v[pl.ds(s * L + L, L)]
            sf = (s + 1).astype(_f32)
            y = jnp.minimum(ycap, a * r65 + (h65 * sf + _f32(0.5)))
            cdf_v[pl.ds(s * L + L, L)] = y
            ai = y.astype(_i32)
            plsc.addupdate_scatter(hi_v, [ai * L + lane], ones_i)

        @plsc.parallel_loop(0, S, unroll=8, carry=zeros_i)
        def _p3(j, indc):
            h = hi_v[pl.ds(j * L, L)]
            hi_v[pl.ds(j * L, L)] = zeros_i
            indc = indc + h
            ib = indc * L + (lane - L)
            isb = splane_b + (indc - 1)
            cdf0 = plsc.load_gather(cdf_v, [ib])
            cdf1 = plsc.load_gather(cdf_v, [ib + L])
            b0 = plsc.load_gather(sp_v, [isb])
            b1 = plsc.load_gather(sp_v, [isb + 1])
            yu = (j + 1).astype(_f32)
            q = (yu - cdf0) / jnp.maximum(cdf1 - cdf0, _f32(1e-30))
            t = jnp.clip(q, 0.0, 1.0)
            bnew = b0 + t * (b1 - b0)
            val = near + bnew * scale
            posb = indc + j
            plsc.store_scatter(out_v, [olane_b + posb], val)
            plsc.addupdate_scatter(hb_v, [ib], ones_i)
            return indc

        indc = _p3 + hi_v[pl.ds(S * L, L)]
        hi_v[pl.ds(S * L, L)] = zeros_i
        below = indc - 1
        above = jnp.minimum(indc, s64)
        cdf0 = plsc.load_gather(cdf_v, [below * L + lane])
        cdf1 = plsc.load_gather(cdf_v, [above * L + lane])
        b0 = plsc.load_gather(sp_v, [splane_b + below])
        b1 = plsc.load_gather(sp_v, [splane_b + above])
        yu = jnp.full((L,), _f32(NB * _UJ[S] + 0.5), _f32)
        q = (yu - cdf0) / jnp.maximum(cdf1 - cdf0, _f32(1e-30))
        t = jnp.clip(q, 0.0, 1.0)
        bnew = b0 + t * (b1 - b0)
        spend = plsc.load_gather(sp_v, [splane_b + S])
        val = near + jnp.maximum(spend, bnew) * scale
        plsc.store_scatter(out_v, [olane_b + _i32(OUTW - 1)], val)

        @plsc.parallel_loop(0, S, unroll=8, carry=zeros_i)
        def _p4(i, carrya):
            posa = carrya + i
            spi = plsc.load_gather(sp_v, [splane_b + i])
            val = near + spi * scale
            plsc.store_scatter(out_v, [olane_b + posa], val)
            h = hb_v[pl.ds(i * L, L)]
            hb_v[pl.ds(i * L, L)] = zeros_i
            return carrya + h

        @pl.when(is0)
        def _():
            pltpu.async_copy(out_v.at[pl.ds(0, OUW)],
                             out_hbm.at[pl.ds((gbase + g) * OUW, OUW)],
                             s_out0)

        @pl.when(jnp.logical_not(is0))
        def _():
            pltpu.async_copy(out_v.at[pl.ds(OUW, OUW)],
                             out_hbm.at[pl.ds((gbase + g) * OUW, OUW)],
                             s_out1)

        return carry

    lax.fori_loop(0, GPW, group, 0)

    pltpu.make_async_copy(
        out_v.at[pl.ds(0, OUW)],
        out_hbm.at[pl.ds((gbase + GPW - 2) * OUW, OUW)], s_out0).wait()
    pltpu.make_async_copy(
        out_v.at[pl.ds(OUW, OUW)],
        out_hbm.at[pl.ds((gbase + GPW - 1) * OUW, OUW)], s_out1).wait()
    wait_in(GPW - 1, 0, s_in0)


@functools.partial(jax.jit)
def kernel(spacing_bins, weights, nears, fars):
    nf = jnp.concatenate([nears, fars], axis=1)

    mesh = plsc.VectorSubcoreMesh(core_axis_name="c", subcore_axis_name="s")
    k = pl.kernel(
        _body,
        out_type=jax.ShapeDtypeStruct((R * OUTW,), _f32),
        mesh=mesh,
        compiler_params=pltpu.CompilerParams(needs_layout_passes=False),
        scratch_types=[
            pltpu.VMEM((2 * SPW,), _f32),
            pltpu.VMEM((2 * WTW,), _f32),
            pltpu.VMEM((2 * NFW,), _f32),
            pltpu.VMEM((2 * OUW,), _f32),
            pltpu.VMEM((NB * L,), _f32),
            pltpu.VMEM(((NB + 1) * L,), _i32),
            pltpu.VMEM((NB * L,), _i32),
            pltpu.SemaphoreType.DMA,
            pltpu.SemaphoreType.DMA,
            pltpu.SemaphoreType.DMA,
            pltpu.SemaphoreType.DMA,
        ],
    )
    out = k(spacing_bins.reshape(-1), weights.reshape(-1),
            nf.reshape(-1))
    return out.reshape(R, OUTW)

# --- scband reference (transcript-rebuilt; emitter-appended) ---
"""Pipeline reference for scband-neu-ssampler-30468497998319 (READ-ONLY COPY).

The authoritative reference and input builder live on the scoring server;
editing this copy changes nothing except your own understanding.
"""

import jax, jax.numpy as jnp
import numpy as np

NUM_IMPORTANCE = 64
HIST_PAD = 0.01


def setup_inputs(seed: int = 0) -> dict:
    key = jax.random.key(seed)
    k1, k2, k3, k4 = jax.random.split(key, 4)
    R, S = 65536, 64
    # spacing bins must be sorted/monotone along the ray (normalized [0,1] spacing)
    spacing_bins = jnp.sort(jax.random.uniform(k1, (R, S + 1), dtype=jnp.float32), axis=-1)
    weights = jax.random.uniform(k2, (R, S), dtype=jnp.float32)
    nears = jax.random.uniform(k3, (R, 1), dtype=jnp.float32) * 0.5 + 0.05
    fars = nears + 1.0 + jax.random.uniform(k4, (R, 1), dtype=jnp.float32) * 3.0
    return {"spacing_bins": spacing_bins, "weights": weights, "nears": nears, "fars": fars}


def _sample_pdf(spacing_bins, weights, eps=1e-5):
    # PDFSampler.generate_ray_samples core (eval mode: deterministic u, no jitter)
    num_bins = NUM_IMPORTANCE + 1
    w = weights + HIST_PAD
    wsum = jnp.sum(w, axis=-1, keepdims=True)
    padding = jax.nn.relu(eps - wsum)
    w = w + padding / w.shape[-1]
    wsum = wsum + padding
    pdf = w / wsum
    cdf = jnp.minimum(jnp.ones_like(pdf), jnp.cumsum(pdf, axis=-1))
    cdf = jnp.concatenate([jnp.zeros_like(cdf[..., :1]), cdf], axis=-1)
    u = jnp.linspace(0.0, 1.0 - 1.0 / num_bins, num_bins, dtype=cdf.dtype) + 1.0 / (2 * num_bins)
    u = jnp.broadcast_to(u, (*cdf.shape[:-1], num_bins))
    inds = jax.vmap(lambda c, uu: jnp.searchsorted(c, uu, side='right'))(cdf, u)
    last = spacing_bins.shape[-1] - 1
    below = jnp.clip(inds - 1, 0, last)
    above = jnp.clip(inds, 0, last)
    cdf_g0 = jnp.take_along_axis(cdf, below, axis=-1)
    bins_g0 = jnp.take_along_axis(spacing_bins, below, axis=-1)
    cdf_g1 = jnp.take_along_axis(cdf, above, axis=-1)
    bins_g1 = jnp.take_along_axis(spacing_bins, above, axis=-1)
    t = jnp.clip(jnp.nan_to_num((u - cdf_g0) / (cdf_g1 - cdf_g0), nan=0.0), 0.0, 1.0)
    new_bins = bins_g0 + t * (bins_g1 - bins_g0)
    return new_bins


def reference(spacing_bins, weights, nears, fars):
    # One NeuS up-sample step: PDF importance sampling + merge_ray_samples
    new_bins = _sample_pdf(spacing_bins, weights)
    starts_1 = spacing_bins[..., :-1]
    starts_2 = new_bins[..., :-1]
    ends = jnp.maximum(spacing_bins[..., -1:], new_bins[..., -1:])
    merged = jnp.sort(jnp.concatenate([starts_1, starts_2], axis=-1), axis=-1)
    merged = jnp.concatenate([merged, ends], axis=-1)
    merged = jax.lax.stop_gradient(merged)  # bins.detach() in torch
    # spacing_to_euclidean_fn: linear spacing between near and far
    euclidean_bins = nears + merged * (fars - nears)
    return euclidean_bins

if __name__ == "__main__":
    import jax
    _d = setup_inputs()
    print(jax.jit(kernel)(*tuple(_d.values())))

</pallas_src>

<mosaic_0001>
#map = affine_map<(d0, d1) -> (0)>
module attributes {stable_mosaic.version = 14 : i64} {
  func.func @_body(%arg0: i32, %arg1: i32, %arg2: memref<4259840xf32, #tpu.memory_space<hbm>>, %arg3: memref<4194304xf32, #tpu.memory_space<hbm>>, %arg4: memref<131072xf32, #tpu.memory_space<hbm>>, %arg5: memref<8454144xf32, #tpu.memory_space<hbm>>, %arg6: memref<2080xf32, #tpu.memory_space<vmem>>, %arg7: memref<2048xf32, #tpu.memory_space<vmem>>, %arg8: memref<64xf32, #tpu.memory_space<vmem>>, %arg9: memref<4128xf32, #tpu.memory_space<vmem>>, %arg10: memref<1040xf32, #tpu.memory_space<vmem>>, %arg11: memref<1056xi32, #tpu.memory_space<vmem>>, %arg12: memref<1040xi32, #tpu.memory_space<vmem>>, %arg13: memref<!tpu.dma_semaphore, #tpu.memory_space<semaphore_mem>>, %arg14: memref<!tpu.dma_semaphore, #tpu.memory_space<semaphore_mem>>, %arg15: memref<!tpu.dma_semaphore, #tpu.memory_space<semaphore_mem>>, %arg16: memref<!tpu.dma_semaphore, #tpu.memory_space<semaphore_mem>>) attributes {dimension_semantics = [#tpu.dimension_semantics<core_parallel>, #tpu.dimension_semantics<subcore_parallel>], iteration_bounds = array<i64: 2, 16>, scalar_prefetch = 0 : i64, scratch_operands = 11 : i64, tpu.core_type = #tpu.core_type<sc_vector_subcore>, window_params = [{transform_indices = #map}, {transform_indices = #map}, {transform_indices = #map}, {transform_indices = #map}]} {
    %mul3A = arith.constant 16 : i32
    %mul3A_0 = arith.muli %arg0, %mul3A : i32
    %add3A = arith.addi %mul3A_0, %arg1 : i32
    %iota3A = tpu.iota {dimensions = array<i32: 0>} : vector<16xi32>
    %mul3A_1 = arith.constant 64 : i32
    %mul3A_2 = vector.broadcast %mul3A_1 : i32 to vector<16xi32>
    %mul3A_3 = arith.muli %iota3A, %mul3A_2 : vector<16xi32>
    %mul3A_4 = arith.constant 65 : i32
    %mul3A_5 = vector.broadcast %mul3A_4 : i32 to vector<16xi32>
    %mul3A_6 = arith.muli %iota3A, %mul3A_5 : vector<16xi32>
    %mul3A_7 = arith.constant 129 : i32
    %mul3A_8 = vector.broadcast %mul3A_7 : i32 to vector<16xi32>
    %mul3A_9 = arith.muli %iota3A, %mul3A_8 : vector<16xi32>
    %mul3A_10 = arith.constant 128 : i32
    %mul3A_11 = arith.muli %add3A, %mul3A_10 : i32
    %broadcast_in_dim3A = arith.constant 0.000000e+00 : f32
    %broadcast_in_dim3A_12 = vector.broadcast %broadcast_in_dim3A : f32 to vector<16xf32>
    %broadcast_in_dim3A_13 = arith.constant 0 : i32
    %broadcast_in_dim3A_14 = vector.broadcast %broadcast_in_dim3A_13 : i32 to vector<16xi32>
    %broadcast_in_dim3A_15 = arith.constant 1 : i32
    %broadcast_in_dim3A_16 = vector.broadcast %broadcast_in_dim3A_15 : i32 to vector<16xi32>
    %broadcast_in_dim3A_17 = arith.constant 1.000000e+00 : f32
    %broadcast_in_dim3A_18 = vector.broadcast %broadcast_in_dim3A_17 : f32 to vector<16xf32>
    %broadcast_in_dim3A_19 = arith.constant 64 : i32
    %broadcast_in_dim3A_20 = vector.broadcast %broadcast_in_dim3A_19 : i32 to vector<16xi32>
    %swap3A = arith.constant 0 : index
    %swap3A_21 = tpu.vector_load %arg11[%swap3A] {strides = array<i32>} : memref<1056xi32, #tpu.memory_space<vmem>>, vector<16xi32>,
    tpu.vector_store %arg11[%swap3A], %broadcast_in_dim3A_14 {strides = array<i32>} : memref<1056xi32, #tpu.memory_space<vmem>>, vector<16xi32>,
    %swap3A_22 = arith.constant 16 : index
    %swap3A_23 = tpu.vector_load %arg11[%swap3A_22] {strides = array<i32>} : memref<1056xi32, #tpu.memory_space<vmem>>, vector<16xi32>,
    tpu.vector_store %arg11[%swap3A_22], %broadcast_in_dim3A_14 {strides = array<i32>} : memref<1056xi32, #tpu.memory_space<vmem>>, vector<16xi32>,
    %swap3A_24 = arith.constant 32 : index
    %swap3A_25 = tpu.vector_load %arg11[%swap3A_24] {strides = array<i32>} : memref<1056xi32, #tpu.memory_space<vmem>>, vector<16xi32>,
    tpu.vector_store %arg11[%swap3A_24], %broadcast_in_dim3A_14 {strides = array<i32>} : memref<1056xi32, #tpu.memory_space<vmem>>, vector<16xi32>,
    %swap3A_26 = arith.constant 48 : index
    %swap3A_27 = tpu.vector_load %arg11[%swap3A_26] {strides = array<i32>} : memref<1056xi32, #tpu.memory_space<vmem>>, vector<16xi32>,
    tpu.vector_store %arg11[%swap3A_26], %broadcast_in_dim3A_14 {strides = array<i32>} : memref<1056xi32, #tpu.memory_space<vmem>>, vector<16xi32>,
    %swap3A_28 = arith.constant 64 : index
    %swap3A_29 = tpu.vector_load %arg11[%swap3A_28] {strides = array<i32>} : memref<1056xi32, #tpu.memory_space<vmem>>, vector<16xi32>,
    tpu.vector_store %arg11[%swap3A_28], %broadcast_in_dim3A_14 {strides = array<i32>} : memref<1056xi32, #tpu.memory_space<vmem>>, vector<16xi32>,
    %swap3A_30 = arith.constant 80 : index
    %swap3A_31 = tpu.vector_load %arg11[%swap3A_30] {strides = array<i32>} : memref<1056xi32, #tpu.memory_space<vmem>>, vector<16xi32>,
    tpu.vector_store %arg11[%swap3A_30], %broadcast_in_dim3A_14 {strides = array<i32>} : memref<1056xi32, #tpu.memory_space<vmem>>, vector<16xi32>,
    %swap3A_32 = arith.constant 96 : index
    %swap3A_33 = tpu.vector_load %arg11[%swap3A_32] {strides = array<i32>} : memref<1056xi32, #tpu.memory_space<vmem>>, vector<16xi32>,
    tpu.vector_store %arg11[%swap3A_32], %broadcast_in_dim3A_14 {strides = array<i32>} : memref<1056xi32, #tpu.memory_space<vmem>>, vector<16xi32>,
    %swap3A_34 = arith.constant 112 : index
    %swap3A_35 = tpu.vector_load %arg11[%swap3A_34] {strides = array<i32>} : memref<1056xi32, #tpu.memory_space<vmem>>, vector<16xi32>,
    tpu.vector_store %arg11[%swap3A_34], %broadcast_in_dim3A_14 {strides = array<i32>} : memref<1056xi32, #tpu.memory_space<vmem>>, vector<16xi32>,
    %swap3A_36 = arith.constant 128 : index
    %swap3A_37 = tpu.vector_load %arg11[%swap3A_36] {strides = array<i32>} : memref<1056xi32, #tpu.memory_space<vmem>>, vector<16xi32>,
    tpu.vector_store %arg11[%swap3A_36], %broadcast_in_dim3A_14 {strides = array<i32>} : memref<1056xi32, #tpu.memory_space<vmem>>, vector<16xi32>,
    %swap3A_38 = arith.constant 144 : index
    %swap3A_39 = tpu.vector_load %arg11[%swap3A_38] {strides = array<i32>} : memref<1056xi32, #tpu.memory_space<vmem>>, vector<16xi32>,
    tpu.vector_store %arg11[%swap3A_38], %broadcast_in_dim3A_14 {strides = array<i32>} : memref<1056xi32, #tpu.memory_space<vmem>>, vector<16xi32>,
    %swap3A_40 = arith.constant 160 : index
    %swap3A_41 = tpu.vector_load %arg11[%swap3A_40] {strides = array<i32>} : memref<1056xi32, #tpu.memory_space<vmem>>, vector<16xi32>,
    tpu.vector_store %arg11[%swap3A_40], %broadcast_in_dim3A_14 {strides = array<i32>} : memref<1056xi32, #tpu.memory_space<vmem>>, vector<16xi32>,
    %swap3A_42 = arith.constant 176 : index
    %swap3A_43 = tpu.vector_load %arg11[%swap3A_42] {strides = array<i32>} : memref<1056xi32, #tpu.memory_space<vmem>>, vector<16xi32>,
    tpu.vector_store %arg11[%swap3A_42], %broadcast_in_dim3A_14 {strides = array<i32>} : memref<1056xi32, #tpu.memory_space<vmem>>, vector<16xi32>,
    %swap3A_44 = arith.constant 192 : index
    %swap3A_45 = tpu.vector_load %arg11[%swap3A_44] {strides = array<i32>} : memref<1056xi32, #tpu.memory_space<vmem>>, vector<16xi32>,
    tpu.vector_store %arg11[%swap3A_44], %broadcast_in_dim3A_14 {strides = array<i32>} : memref<1056xi32, #tpu.memory_space<vmem>>, vector<16xi32>,
    %swap3A_46 = arith.constant 208 : index
    %swap3A_47 = tpu.vector_load %arg11[%swap3A_46] {strides = array<i32>} : memref<1056xi32, #tpu.memory_space<vmem>>, vector<16xi32>,
    tpu.vector_store %arg11[%swap3A_46], %broadcast_in_dim3A_14 {strides = array<i32>} : memref<1056xi32, #tpu.memory_space<vmem>>, vector<16xi32>,
    %swap3A_48 = arith.constant 224 : index
    %swap3A_49 = tpu.vector_load %arg11[%swap3A_48] {strides = array<i32>} : memref<1056xi32, #tpu.memory_space<vmem>>, vector<16xi32>,
    tpu.vector_store %arg11[%swap3A_48], %broadcast_in_dim3A_14 {strides = array<i32>} : memref<1056xi32, #tpu.memory_space<vmem>>, vector<16xi32>,
    %swap3A_50 = arith.constant 240 : index
    %swap3A_51 = tpu.vector_load %arg11[%swap3A_50] {strides = array<i32>} : memref<1056xi32, #tpu.memory_space<vmem>>, vector<16xi32>,
    tpu.vector_store %arg11[%swap3A_50], %broadcast_in_dim3A_14 {strides = array<i32>} : memref<1056xi32, #tpu.memory_space<vmem>>, vector<16xi32>,
    %swap3A_52 = arith.constant 256 : index
    %swap3A_53 = tpu.vector_load %arg11[%swap3A_52] {strides = array<i32>} : memref<1056xi32, #tpu.memory_space<vmem>>, vector<16xi32>,
    tpu.vector_store %arg11[%swap3A_52], %broadcast_in_dim3A_14 {strides = array<i32>} : memref<1056xi32, #tpu.memory_space<vmem>>, vector<16xi32>,
    %swap3A_54 = arith.constant 272 : index
    %swap3A_55 = tpu.vector_load %arg11[%swap3A_54] {strides = array<i32>} : memref<1056xi32, #tpu.memory_space<vmem>>, vector<16xi32>,
    tpu.vector_store %arg11[%swap3A_54], %broadcast_in_dim3A_14 {strides = array<i32>} : memref<1056xi32, #tpu.memory_space<vmem>>, vector<16xi32>,
    %swap3A_56 = arith.constant 288 : index
    %swap3A_57 = tpu.vector_load %arg11[%swap3A_56] {strides = array<i32>} : memref<1056xi32, #tpu.memory_space<vmem>>, vector<16xi32>,
    tpu.vector_store %arg11[%swap3A_56], %broadcast_in_dim3A_14 {strides = array<i32>} : memref<1056xi32, #tpu.memory_space<vmem>>, vector<16xi32>,
    %swap3A_58 = arith.constant 304 : index
    %swap3A_59 = tpu.vector_load %arg11[%swap3A_58] {strides = array<i32>} : memref<1056xi32, #tpu.memory_space<vmem>>, vector<16xi32>,
    tpu.vector_store %arg11[%swap3A_58], %broadcast_in_dim3A_14 {strides = array<i32>} : memref<1056xi32, #tpu.memory_space<vmem>>, vector<16xi32>,
    %swap3A_60 = arith.constant 320 : index
    %swap3A_61 = tpu.vector_load %arg11[%swap3A_60] {strides = array<i32>} : memref<1056xi32, #tpu.memory_space<vmem>>, vector<16xi32>,
    tpu.vector_store %arg11[%swap3A_60], %broadcast_in_dim3A_14 {strides = array<i32>} : memref<1056xi32, #tpu.memory_space<vmem>>, vector<16xi32>,
    %swap3A_62 = arith.constant 336 : index
    %swap3A_63 = tpu.vector_load %arg11[%swap3A_62] {strides = array<i32>} : memref<1056xi32, #tpu.memory_space<vmem>>, vector<16xi32>,
    tpu.vector_store %arg11[%swap3A_62], %broadcast_in_dim3A_14 {strides = array<i32>} : memref<1056xi32, #tpu.memory_space<vmem>>, vector<16xi32>,
    %swap3A_64 = arith.constant 352 : index
    %swap3A_65 = tpu.vector_load %arg11[%swap3A_64] {strides = array<i32>} : memref<1056xi32, #tpu.memory_space<vmem>>, vector<16xi32>,
    tpu.vector_store %arg11[%swap3A_64], %broadcast_in_dim3A_14 {strides = array<i32>} : memref<1056xi32, #tpu.memory_space<vmem>>, vector<16xi32>,
    %swap3A_66 = arith.constant 368 : index
    %swap3A_67 = tpu.vector_load %arg11[%swap3A_66] {strides = array<i32>} : memref<1056xi32, #tpu.memory_space<vmem>>, vector<16xi32>,
    tpu.vector_store %arg11[%swap3A_66], %broadcast_in_dim3A_14 {strides = array<i32>} : memref<1056xi32, #tpu.memory_space<vmem>>, vector<16xi32>,
    %swap3A_68 = arith.constant 384 : index
    %swap3A_69 = tpu.vector_load %arg11[%swap3A_68] {strides = array<i32>} : memref<1056xi32, #tpu.memory_space<vmem>>, vector<16xi32>,
    tpu.vector_store %arg11[%swap3A_68], %broadcast_in_dim3A_14 {strides = array<i32>} : memref<1056xi32, #tpu.memory_space<vmem>>, vector<16xi32>,
    %swap3A_70 = arith.constant 400 : index
    %swap3A_71 = tpu.vector_load %arg11[%swap3A_70] {strides = array<i32>} : memref<1056xi32, #tpu.memory_space<vmem>>, vector<16xi32>,
    tpu.vector_store %arg11[%swap3A_70], %broadcast_in_dim3A_14 {strides = array<i32>} : memref<1056xi32, #tpu.memory_space<vmem>>, vector<16xi32>,
    %swap3A_72 = arith.constant 416 : index
    %swap3A_73 = tpu.vector_load %arg11[%swap3A_72] {strides = array<i32>} : memref<1056xi32, #tpu.memory_space<vmem>>, vector<16xi32>,
    tpu.vector_store %arg11[%swap3A_72], %broadcast_in_dim3A_14 {strides = array<i32>} : memref<1056xi32, #tpu.memory_space<vmem>>, vector<16xi32>,
    %swap3A_74 = arith.constant 432 : index
    %swap3A_75 = tpu.vector_load %arg11[%swap3A_74] {strides = array<i32>} : memref<1056xi32, #tpu.memory_space<vmem>>, vector<16xi32>,
    tpu.vector_store %arg11[%swap3A_74], %broadcast_in_dim3A_14 {strides = array<i32>} : memref<1056xi32, #tpu.memory_space<vmem>>, vector<16xi32>,
    %swap3A_76 = arith.constant 448 : index
    %swap3A_77 = tpu.vector_load %arg11[%swap3A_76] {strides = array<i32>} : memref<1056xi32, #tpu.memory_space<vmem>>, vector<16xi32>,
    tpu.vector_store %arg11[%swap3A_76], %broadcast_in_dim3A_14 {strides = array<i32>} : memref<1056xi32, #tpu.memory_space<vmem>>, vector<16xi32>,
    %swap3A_78 = arith.constant 464 : index
    %swap3A_79 = tpu.vector_load %arg11[%swap3A_78] {strides = array<i32>} : memref<1056xi32, #tpu.memory_space<vmem>>, vector<16xi32>,
    tpu.vector_store %arg11[%swap3A_78], %broadcast_in_dim3A_14 {strides = array<i32>} : memref<1056xi32, #tpu.memory_space<vmem>>, vector<16xi32>,
    %swap3A_80 = arith.constant 480 : index
    %swap3A_81 = tpu.vector_load %arg11[%swap3A_80] {strides = array<i32>} : memref<1056xi32, #tpu.memory_space<vmem>>, vector<16xi32>,
    tpu.vector_store %arg11[%swap3A_80], %broadcast_in_dim3A_14 {strides = array<i32>} : memref<1056xi32, #tpu.memory_space<vmem>>, vector<16xi32>,
    %swap3A_82 = arith.constant 496 : index
    %swap3A_83 = tpu.vector_load %arg11[%swap3A_82] {strides = array<i32>} : memref<1056xi32, #tpu.memory_space<vmem>>, vector<16xi32>,
    tpu.vector_store %arg11[%swap3A_82], %broadcast_in_dim3A_14 {strides = array<i32>} : memref<1056xi32, #tpu.memory_space<vmem>>, vector<16xi32>,
    %swap3A_84 = arith.constant 512 : index
    %swap3A_85 = tpu.vector_load %arg11[%swap3A_84] {strides = array<i32>} : memref<1056xi32, #tpu.memory_space<vmem>>, vector<16xi32>,
    tpu.vector_store %arg11[%swap3A_84], %broadcast_in_dim3A_14 {strides = array<i32>} : memref<1056xi32, #tpu.memory_space<vmem>>, vector<16xi32>,
    %swap3A_86 = arith.constant 528 : index
    %swap3A_87 = tpu.vector_load %arg11[%swap3A_86] {strides = array<i32>} : memref<1056xi32, #tpu.memory_space<vmem>>, vector<16xi32>,
    tpu.vector_store %arg11[%swap3A_86], %broadcast_in_dim3A_14 {strides = array<i32>} : memref<1056xi32, #tpu.memory_space<vmem>>, vector<16xi32>,
    %swap3A_88 = arith.constant 544 : index
    %swap3A_89 = tpu.vector_load %arg11[%swap3A_88] {strides = array<i32>} : memref<1056xi32, #tpu.memory_space<vmem>>, vector<16xi32>,
    tpu.vector_store %arg11[%swap3A_88], %broadcast_in_dim3A_14 {strides = array<i32>} : memref<1056xi32, #tpu.memory_space<vmem>>, vector<16xi32>,
    %swap3A_90 = arith.constant 560 : index
    %swap3A_91 = tpu.vector_load %arg11[%swap3A_90] {strides = array<i32>} : memref<1056xi32, #tpu.memory_space<vmem>>, vector<16xi32>,
    tpu.vector_store %arg11[%swap3A_90], %broadcast_in_dim3A_14 {strides = array<i32>} : memref<1056xi32, #tpu.memory_space<vmem>>, vector<16xi32>,
    %swap3A_92 = arith.constant 576 : index
    %swap3A_93 = tpu.vector_load %arg11[%swap3A_92] {strides = array<i32>} : memref<1056xi32, #tpu.memory_space<vmem>>, vector<16xi32>,
    tpu.vector_store %arg11[%swap3A_92], %broadcast_in_dim3A_14 {strides = array<i32>} : memref<1056xi32, #tpu.memory_space<vmem>>, vector<16xi32>,
    %swap3A_94 = arith.constant 592 : index
    %swap3A_95 = tpu.vector_load %arg11[%swap3A_94] {strides = array<i32>} : memref<1056xi32, #tpu.memory_space<vmem>>, vector<16xi32>,
    tpu.vector_store %arg11[%swap3A_94], %broadcast_in_dim3A_14 {strides = array<i32>} : memref<1056xi32, #tpu.memory_space<vmem>>, vector<16xi32>,
    %swap3A_96 = arith.constant 608 : index
    %swap3A_97 = tpu.vector_load %arg11[%swap3A_96] {strides = array<i32>} : memref<1056xi32, #tpu.memory_space<vmem>>, vector<16xi32>,
    tpu.vector_store %arg11[%swap3A_96], %broadcast_in_dim3A_14 {strides = array<i32>} : memref<1056xi32, #tpu.memory_space<vmem>>, vector<16xi32>,
    %swap3A_98 = arith.constant 624 : index
    %swap3A_99 = tpu.vector_load %arg11[%swap3A_98] {strides = array<i32>} : memref<1056xi32, #tpu.memory_space<vmem>>, vector<16xi32>,
    tpu.vector_store %arg11[%swap3A_98], %broadcast_in_dim3A_14 {strides = array<i32>} : memref<1056xi32, #tpu.memory_space<vmem>>, vector<16xi32>,
    %swap3A_100 = arith.constant 640 : index
    %swap3A_101 = tpu.vector_load %arg11[%swap3A_100] {strides = array<i32>} : memref<1056xi32, #tpu.memory_space<vmem>>, vector<16xi32>,
    tpu.vector_store %arg11[%swap3A_100], %broadcast_in_dim3A_14 {strides = array<i32>} : memref<1056xi32, #tpu.memory_space<vmem>>, vector<16xi32>,
    %swap3A_102 = arith.constant 656 : index
    %swap3A_103 = tpu.vector_load %arg11[%swap3A_102] {strides = array<i32>} : memref<1056xi32, #tpu.memory_space<vmem>>, vector<16xi32>,
    tpu.vector_store %arg11[%swap3A_102], %broadcast_in_dim3A_14 {strides = array<i32>} : memref<1056xi32, #tpu.memory_space<vmem>>, vector<16xi32>,
    %swap3A_104 = arith.constant 672 : index
    %swap3A_105 = tpu.vector_load %arg11[%swap3A_104] {strides = array<i32>} : memref<1056xi32, #tpu.memory_space<vmem>>, vector<16xi32>,
    tpu.vector_store %arg11[%swap3A_104], %broadcast_in_dim3A_14 {strides = array<i32>} : memref<1056xi32, #tpu.memory_space<vmem>>, vector<16xi32>,
    %swap3A_106 = arith.constant 688 : index
    %swap3A_107 = tpu.vector_load %arg11[%swap3A_106] {strides = array<i32>} : memref<1056xi32, #tpu.memory_space<vmem>>, vector<16xi32>,
    tpu.vector_store %arg11[%swap3A_106], %broadcast_in_dim3A_14 {strides = array<i32>} : memref<1056xi32, #tpu.memory_space<vmem>>, vector<16xi32>,
    %swap3A_108 = arith.constant 704 : index
    %swap3A_109 = tpu.vector_load %arg11[%swap3A_108] {strides = array<i32>} : memref<1056xi32, #tpu.memory_space<vmem>>, vector<16xi32>,
    tpu.vector_store %arg11[%swap3A_108], %broadcast_in_dim3A_14 {strides = array<i32>} : memref<1056xi32, #tpu.memory_space<vmem>>, vector<16xi32>,
    %swap3A_110 = arith.constant 720 : index
    %swap3A_111 = tpu.vector_load %arg11[%swap3A_110] {strides = array<i32>} : memref<1056xi32, #tpu.memory_space<vmem>>, vector<16xi32>,
    tpu.vector_store %arg11[%swap3A_110], %broadcast_in_dim3A_14 {strides = array<i32>} : memref<1056xi32, #tpu.memory_space<vmem>>, vector<16xi32>,
    %swap3A_112 = arith.constant 736 : index
    %swap3A_113 = tpu.vector_load %arg11[%swap3A_112] {strides = array<i32>} : memref<1056xi32, #tpu.memory_space<vmem>>, vector<16xi32>,
    tpu.vector_store %arg11[%swap3A_112], %broadcast_in_dim3A_14 {strides = array<i32>} : memref<1056xi32, #tpu.memory_space<vmem>>, vector<16xi32>,
    %swap3A_114 = arith.constant 752 : index
    %swap3A_115 = tpu.vector_load %arg11[%swap3A_114] {strides = array<i32>} : memref<1056xi32, #tpu.memory_space<vmem>>, vector<16xi32>,
    tpu.vector_store %arg11[%swap3A_114], %broadcast_in_dim3A_14 {strides = array<i32>} : memref<1056xi32, #tpu.memory_space<vmem>>, vector<16xi32>,
    %swap3A_116 = arith.constant 768 : index
    %swap3A_117 = tpu.vector_load %arg11[%swap3A_116] {strides = array<i32>} : memref<1056xi32, #tpu.memory_space<vmem>>, vector<16xi32>,
    tpu.vector_store %arg11[%swap3A_116], %broadcast_in_dim3A_14 {strides = array<i32>} : memref<1056xi32, #tpu.memory_space<vmem>>, vector<16xi32>,
    %swap3A_118 = arith.constant 784 : index
    %swap3A_119 = tpu.vector_load %arg11[%swap3A_118] {strides = array<i32>} : memref<1056xi32, #tpu.memory_space<vmem>>, vector<16xi32>,
    tpu.vector_store %arg11[%swap3A_118], %broadcast_in_dim3A_14 {strides = array<i32>} : memref<1056xi32, #tpu.memory_space<vmem>>, vector<16xi32>,
    %swap3A_120 = arith.constant 800 : index
    %swap3A_121 = tpu.vector_load %arg11[%swap3A_120] {strides = array<i32>} : memref<1056xi32, #tpu.memory_space<vmem>>, vector<16xi32>,
    tpu.vector_store %arg11[%swap3A_120], %broadcast_in_dim3A_14 {strides = array<i32>} : memref<1056xi32, #tpu.memory_space<vmem>>, vector<16xi32>,
    %swap3A_122 = arith.constant 816 : index
    %swap3A_123 = tpu.vector_load %arg11[%swap3A_122] {strides = array<i32>} : memref<1056xi32, #tpu.memory_space<vmem>>, vector<16xi32>,
    tpu.vector_store %arg11[%swap3A_122], %broadcast_in_dim3A_14 {strides = array<i32>} : memref<1056xi32, #tpu.memory_space<vmem>>, vector<16xi32>,
    %swap3A_124 = arith.constant 832 : index
    %swap3A_125 = tpu.vector_load %arg11[%swap3A_124] {strides = array<i32>} : memref<1056xi32, #tpu.memory_space<vmem>>, vector<16xi32>,
    tpu.vector_store %arg11[%swap3A_124], %broadcast_in_dim3A_14 {strides = array<i32>} : memref<1056xi32, #tpu.memory_space<vmem>>, vector<16xi32>,
    %swap3A_126 = arith.constant 848 : index
    %swap3A_127 = tpu.vector_load %arg11[%swap3A_126] {strides = array<i32>} : memref<1056xi32, #tpu.memory_space<vmem>>, vector<16xi32>,
    tpu.vector_store %arg11[%swap3A_126], %broadcast_in_dim3A_14 {strides = array<i32>} : memref<1056xi32, #tpu.memory_space<vmem>>, vector<16xi32>,
    %swap3A_128 = arith.constant 864 : index
    %swap3A_129 = tpu.vector_load %arg11[%swap3A_128] {strides = array<i32>} : memref<1056xi32, #tpu.memory_space<vmem>>, vector<16xi32>,
    tpu.vector_store %arg11[%swap3A_128], %broadcast_in_dim3A_14 {strides = array<i32>} : memref<1056xi32, #tpu.memory_space<vmem>>, vector<16xi32>,
    %swap3A_130 = arith.constant 880 : index
    %swap3A_131 = tpu.vector_load %arg11[%swap3A_130] {strides = array<i32>} : memref<1056xi32, #tpu.memory_space<vmem>>, vector<16xi32>,
    tpu.vector_store %arg11[%swap3A_130], %broadcast_in_dim3A_14 {strides = array<i32>} : memref<1056xi32, #tpu.memory_space<vmem>>, vector<16xi32>,
    %swap3A_132 = arith.constant 896 : index
    %swap3A_133 = tpu.vector_load %arg11[%swap3A_132] {strides = array<i32>} : memref<1056xi32, #tpu.memory_space<vmem>>, vector<16xi32>,
    tpu.vector_store %arg11[%swap3A_132], %broadcast_in_dim3A_14 {strides = array<i32>} : memref<1056xi32, #tpu.memory_space<vmem>>, vector<16xi32>,
    %swap3A_134 = arith.constant 912 : index
    %swap3A_135 = tpu.vector_load %arg11[%swap3A_134] {strides = array<i32>} : memref<1056xi32, #tpu.memory_space<vmem>>, vector<16xi32>,
    tpu.vector_store %arg11[%swap3A_134], %broadcast_in_dim3A_14 {strides = array<i32>} : memref<1056xi32, #tpu.memory_space<vmem>>, vector<16xi32>,
    %swap3A_136 = arith.constant 928 : index
    %swap3A_137 = tpu.vector_load %arg11[%swap3A_136] {strides = array<i32>} : memref<1056xi32, #tpu.memory_space<vmem>>, vector<16xi32>,
    tpu.vector_store %arg11[%swap3A_136], %broadcast_in_dim3A_14 {strides = array<i32>} : memref<1056xi32, #tpu.memory_space<vmem>>, vector<16xi32>,
    %swap3A_138 = arith.constant 944 : index
    %swap3A_139 = tpu.vector_load %arg11[%swap3A_138] {strides = array<i32>} : memref<1056xi32, #tpu.memory_space<vmem>>, vector<16xi32>,
    tpu.vector_store %arg11[%swap3A_138], %broadcast_in_dim3A_14 {strides = array<i32>} : memref<1056xi32, #tpu.memory_space<vmem>>, vector<16xi32>,
    %swap3A_140 = arith.constant 960 : index
    %swap3A_141 = tpu.vector_load %arg11[%swap3A_140] {strides = array<i32>} : memref<1056xi32, #tpu.memory_space<vmem>>, vector<16xi32>,
    tpu.vector_store %arg11[%swap3A_140], %broadcast_in_dim3A_14 {strides = array<i32>} : memref<1056xi32, #tpu.memory_space<vmem>>, vector<16xi32>,
    %swap3A_142 = arith.constant 976 : index
    %swap3A_143 = tpu.vector_load %arg11[%swap3A_142] {strides = array<i32>} : memref<1056xi32, #tpu.memory_space<vmem>>, vector<16xi32>,
    tpu.vector_store %arg11[%swap3A_142], %broadcast_in_dim3A_14 {strides = array<i32>} : memref<1056xi32, #tpu.memory_space<vmem>>, vector<16xi32>,
    %swap3A_144 = arith.constant 992 : index
    %swap3A_145 = tpu.vector_load %arg11[%swap3A_144] {strides = array<i32>} : memref<1056xi32, #tpu.memory_space<vmem>>, vector<16xi32>,
    tpu.vector_store %arg11[%swap3A_144], %broadcast_in_dim3A_14 {strides = array<i32>} : memref<1056xi32, #tpu.memory_space<vmem>>, vector<16xi32>,
    %swap3A_146 = arith.constant 1008 : index
    %swap3A_147 = tpu.vector_load %arg11[%swap3A_146] {strides = array<i32>} : memref<1056xi32, #tpu.memory_space<vmem>>, vector<16xi32>,
    tpu.vector_store %arg11[%swap3A_146], %broadcast_in_dim3A_14 {strides = array<i32>} : memref<1056xi32, #tpu.memory_space<vmem>>, vector<16xi32>,
    %swap3A_148 = arith.constant 1024 : index
    %swap3A_149 = tpu.vector_load %arg11[%swap3A_148] {strides = array<i32>} : memref<1056xi32, #tpu.memory_space<vmem>>, vector<16xi32>,
    tpu.vector_store %arg11[%swap3A_148], %broadcast_in_dim3A_14 {strides = array<i32>} : memref<1056xi32, #tpu.memory_space<vmem>>, vector<16xi32>,
    %swap3A_150 = arith.constant 0 : index
    %swap3A_151 = tpu.vector_load %arg12[%swap3A_150] {strides = array<i32>} : memref<1040xi32, #tpu.memory_space<vmem>>, vector<16xi32>,
    tpu.vector_store %arg12[%swap3A_150], %broadcast_in_dim3A_14 {strides = array<i32>} : memref<1040xi32, #tpu.memory_space<vmem>>, vector<16xi32>,
    %swap3A_152 = arith.constant 16 : index
    %swap3A_153 = tpu.vector_load %arg12[%swap3A_152] {strides = array<i32>} : memref<1040xi32, #tpu.memory_space<vmem>>, vector<16xi32>,
    tpu.vector_store %arg12[%swap3A_152], %broadcast_in_dim3A_14 {strides = array<i32>} : memref<1040xi32, #tpu.memory_space<vmem>>, vector<16xi32>,
    %swap3A_154 = arith.constant 32 : index
    %swap3A_155 = tpu.vector_load %arg12[%swap3A_154] {strides = array<i32>} : memref<1040xi32, #tpu.memory_space<vmem>>, vector<16xi32>,
    tpu.vector_store %arg12[%swap3A_154], %broadcast_in_dim3A_14 {strides = array<i32>} : memref<1040xi32, #tpu.memory_space<vmem>>, vector<16xi32>,
    %swap3A_156 = arith.constant 48 : index
    %swap3A_157 = tpu.vector_load %arg12[%swap3A_156] {strides = array<i32>} : memref<1040xi32, #tpu.memory_space<vmem>>, vector<16xi32>,
    tpu.vector_store %arg12[%swap3A_156], %broadcast_in_dim3A_14 {strides = array<i32>} : memref<1040xi32, #tpu.memory_space<vmem>>, vector<16xi32>,
    %swap3A_158 = arith.constant 64 : index
    %swap3A_159 = tpu.vector_load %arg12[%swap3A_158] {strides = array<i32>} : memref<1040xi32, #tpu.memory_space<vmem>>, vector<16xi32>,
    tpu.vector_store %arg12[%swap3A_158], %broadcast_in_dim3A_14 {strides = array<i32>} : memref<1040xi32, #tpu.memory_space<vmem>>, vector<16xi32>,
    %swap3A_160 = arith.constant 80 : index
    %swap3A_161 = tpu.vector_load %arg12[%swap3A_160] {strides = array<i32>} : memref<1040xi32, #tpu.memory_space<vmem>>, vector<16xi32>,
    tpu.vector_store %arg12[%swap3A_160], %broadcast_in_dim3A_14 {strides = array<i32>} : memref<1040xi32, #tpu.memory_space<vmem>>, vector<16xi32>,
    %swap3A_162 = arith.constant 96 : index
    %swap3A_163 = tpu.vector_load %arg12[%swap3A_162] {strides = array<i32>} : memref<1040xi32, #tpu.memory_space<vmem>>, vector<16xi32>,
    tpu.vector_store %arg12[%swap3A_162], %broadcast_in_dim3A_14 {strides = array<i32>} : memref<1040xi32, #tpu.memory_space<vmem>>, vector<16xi32>,
    %swap3A_164 = arith.constant 112 : index
    %swap3A_165 = tpu.vector_load %arg12[%swap3A_164] {strides = array<i32>} : memref<1040xi32, #tpu.memory_space<vmem>>, vector<16xi32>,
    tpu.vector_store %arg12[%swap3A_164], %broadcast_in_dim3A_14 {strides = array<i32>} : memref<1040xi32, #tpu.memory_space<vmem>>, vector<16xi32>,
    %swap3A_166 = arith.constant 128 : index
    %swap3A_167 = tpu.vector_load %arg12[%swap3A_166] {strides = array<i32>} : memref<1040xi32, #tpu.memory_space<vmem>>, vector<16xi32>,
    tpu.vector_store %arg12[%swap3A_166], %broadcast_in_dim3A_14 {strides = array<i32>} : memref<1040xi32, #tpu.memory_space<vmem>>, vector<16xi32>,
    %swap3A_168 = arith.constant 144 : index
    %swap3A_169 = tpu.vector_load %arg12[%swap3A_168] {strides = array<i32>} : memref<1040xi32, #tpu.memory_space<vmem>>, vector<16xi32>,
    tpu.vector_store %arg12[%swap3A_168], %broadcast_in_dim3A_14 {strides = array<i32>} : memref<1040xi32, #tpu.memory_space<vmem>>, vector<16xi32>,
    %swap3A_170 = arith.constant 160 : index
    %swap3A_171 = tpu.vector_load %arg12[%swap3A_170] {strides = array<i32>} : memref<1040xi32, #tpu.memory_space<vmem>>, vector<16xi32>,
    tpu.vector_store %arg12[%swap3A_170], %broadcast_in_dim3A_14 {strides = array<i32>} : memref<1040xi32, #tpu.memory_space<vmem>>, vector<16xi32>,
    %swap3A_172 = arith.constant 176 : index
    %swap3A_173 = tpu.vector_load %arg12[%swap3A_172] {strides = array<i32>} : memref<1040xi32, #tpu.memory_space<vmem>>, vector<16xi32>,
    tpu.vector_store %arg12[%swap3A_172], %broadcast_in_dim3A_14 {strides = array<i32>} : memref<1040xi32, #tpu.memory_space<vmem>>, vector<16xi32>,
    %swap3A_174 = arith.constant 192 : index
    %swap3A_175 = tpu.vector_load %arg12[%swap3A_174] {strides = array<i32>} : memref<1040xi32, #tpu.memory_space<vmem>>, vector<16xi32>,
    tpu.vector_store %arg12[%swap3A_174], %broadcast_in_dim3A_14 {strides = array<i32>} : memref<1040xi32, #tpu.memory_space<vmem>>, vector<16xi32>,
    %swap3A_176 = arith.constant 208 : index
    %swap3A_177 = tpu.vector_load %arg12[%swap3A_176] {strides = array<i32>} : memref<1040xi32, #tpu.memory_space<vmem>>, vector<16xi32>,
    tpu.vector_store %arg12[%swap3A_176], %broadcast_in_dim3A_14 {strides = array<i32>} : memref<1040xi32, #tpu.memory_space<vmem>>, vector<16xi32>,
    %swap3A_178 = arith.constant 224 : index
    %swap3A_179 = tpu.vector_load %arg12[%swap3A_178] {strides = array<i32>} : memref<1040xi32, #tpu.memory_space<vmem>>, vector<16xi32>,
    tpu.vector_store %arg12[%swap3A_178], %broadcast_in_dim3A_14 {strides = array<i32>} : memref<1040xi32, #tpu.memory_space<vmem>>, vector<16xi32>,
    %swap3A_180 = arith.constant 240 : index
    %swap3A_181 = tpu.vector_load %arg12[%swap3A_180] {strides = array<i32>} : memref<1040xi32, #tpu.memory_space<vmem>>, vector<16xi32>,
    tpu.vector_store %arg12[%swap3A_180], %broadcast_in_dim3A_14 {strides = array<i32>} : memref<1040xi32, #tpu.memory_space<vmem>>, vector<16xi32>,
    %swap3A_182 = arith.constant 256 : index
    %swap3A_183 = tpu.vector_load %arg12[%swap3A_182] {strides = array<i32>} : memref<1040xi32, #tpu.memory_space<vmem>>, vector<16xi32>,
    tpu.vector_store %arg12[%swap3A_182], %broadcast_in_dim3A_14 {strides = array<i32>} : memref<1040xi32, #tpu.memory_space<vmem>>, vector<16xi32>,
    %swap3A_184 = arith.constant 272 : index
    %swap3A_185 = tpu.vector_load %arg12[%swap3A_184] {strides = array<i32>} : memref<1040xi32, #tpu.memory_space<vmem>>, vector<16xi32>,
    tpu.vector_store %arg12[%swap3A_184], %broadcast_in_dim3A_14 {strides = array<i32>} : memref<1040xi32, #tpu.memory_space<vmem>>, vector<16xi32>,
    %swap3A_186 = arith.constant 288 : index
    %swap3A_187 = tpu.vector_load %arg12[%swap3A_186] {strides = array<i32>} : memref<1040xi32, #tpu.memory_space<vmem>>, vector<16xi32>,
    tpu.vector_store %arg12[%swap3A_186], %broadcast_in_dim3A_14 {strides = array<i32>} : memref<1040xi32, #tpu.memory_space<vmem>>, vector<16xi32>,
    %swap3A_188 = arith.constant 304 : index
    %swap3A_189 = tpu.vector_load %arg12[%swap3A_188] {strides = array<i32>} : memref<1040xi32, #tpu.memory_space<vmem>>, vector<16xi32>,
    tpu.vector_store %arg12[%swap3A_188], %broadcast_in_dim3A_14 {strides = array<i32>} : memref<1040xi32, #tpu.memory_space<vmem>>, vector<16xi32>,
    %swap3A_190 = arith.constant 320 : index
    %swap3A_191 = tpu.vector_load %arg12[%swap3A_190] {strides = array<i32>} : memref<1040xi32, #tpu.memory_space<vmem>>, vector<16xi32>,
    tpu.vector_store %arg12[%swap3A_190], %broadcast_in_dim3A_14 {strides = array<i32>} : memref<1040xi32, #tpu.memory_space<vmem>>, vector<16xi32>,
    %swap3A_192 = arith.constant 336 : index
    %swap3A_193 = tpu.vector_load %arg12[%swap3A_192] {strides = array<i32>} : memref<1040xi32, #tpu.memory_space<vmem>>, vector<16xi32>,
    tpu.vector_store %arg12[%swap3A_192], %broadcast_in_dim3A_14 {strides = array<i32>} : memref<1040xi32, #tpu.memory_space<vmem>>, vector<16xi32>,
    %swap3A_194 = arith.constant 352 : index
    %swap3A_195 = tpu.vector_load %arg12[%swap3A_194] {strides = array<i32>} : memref<1040xi32, #tpu.memory_space<vmem>>, vector<16xi32>,
    tpu.vector_store %arg12[%swap3A_194], %broadcast_in_dim3A_14 {strides = array<i32>} : memref<1040xi32, #tpu.memory_space<vmem>>, vector<16xi32>,
    %swap3A_196 = arith.constant 368 : index
    %swap3A_197 = tpu.vector_load %arg12[%swap3A_196] {strides = array<i32>} : memref<1040xi32, #tpu.memory_space<vmem>>, vector<16xi32>,
    tpu.vector_store %arg12[%swap3A_196], %broadcast_in_dim3A_14 {strides = array<i32>} : memref<1040xi32, #tpu.memory_space<vmem>>, vector<16xi32>,
    %swap3A_198 = arith.constant 384 : index
    %swap3A_199 = tpu.vector_load %arg12[%swap3A_198] {strides = array<i32>} : memref<1040xi32, #tpu.memory_space<vmem>>, vector<16xi32>,
    tpu.vector_store %arg12[%swap3A_198], %broadcast_in_dim3A_14 {strides = array<i32>} : memref<1040xi32, #tpu.memory_space<vmem>>, vector<16xi32>,
    %swap3A_200 = arith.constant 400 : index
    %swap3A_201 = tpu.vector_load %arg12[%swap3A_200] {strides = array<i32>} : memref<1040xi32, #tpu.memory_space<vmem>>, vector<16xi32>,
    tpu.vector_store %arg12[%swap3A_200], %broadcast_in_dim3A_14 {strides = array<i32>} : memref<1040xi32, #tpu.memory_space<vmem>>, vector<16xi32>,
    %swap3A_202 = arith.constant 416 : index
    %swap3A_203 = tpu.vector_load %arg12[%swap3A_202] {strides = array<i32>} : memref<1040xi32, #tpu.memory_space<vmem>>, vector<16xi32>,
    tpu.vector_store %arg12[%swap3A_202], %broadcast_in_dim3A_14 {strides = array<i32>} : memref<1040xi32, #tpu.memory_space<vmem>>, vector<16xi32>,
    %swap3A_204 = arith.constant 432 : index
    %swap3A_205 = tpu.vector_load %arg12[%swap3A_204] {strides = array<i32>} : memref<1040xi32, #tpu.memory_space<vmem>>, vector<16xi32>,
    tpu.vector_store %arg12[%swap3A_204], %broadcast_in_dim3A_14 {strides = array<i32>} : memref<1040xi32, #tpu.memory_space<vmem>>, vector<16xi32>,
    %swap3A_206 = arith.constant 448 : index
    %swap3A_207 = tpu.vector_load %arg12[%swap3A_206] {strides = array<i32>} : memref<1040xi32, #tpu.memory_space<vmem>>, vector<16xi32>,
    tpu.vector_store %arg12[%swap3A_206], %broadcast_in_dim3A_14 {strides = array<i32>} : memref<1040xi32, #tpu.memory_space<vmem>>, vector<16xi32>,
    %swap3A_208 = arith.constant 464 : index
    %swap3A_209 = tpu.vector_load %arg12[%swap3A_208] {strides = array<i32>} : memref<1040xi32, #tpu.memory_space<vmem>>, vector<16xi32>,
    tpu.vector_store %arg12[%swap3A_208], %broadcast_in_dim3A_14 {strides = array<i32>} : memref<1040xi32, #tpu.memory_space<vmem>>, vector<16xi32>,
    %swap3A_210 = arith.constant 480 : index
    %swap3A_211 = tpu.vector_load %arg12[%swap3A_210] {strides = array<i32>} : memref<1040xi32, #tpu.memory_space<vmem>>, vector<16xi32>,
    tpu.vector_store %arg12[%swap3A_210], %broadcast_in_dim3A_14 {strides = array<i32>} : memref<1040xi32, #tpu.memory_space<vmem>>, vector<16xi32>,
    %swap3A_212 = arith.constant 496 : index
    %swap3A_213 = tpu.vector_load %arg12[%swap3A_212] {strides = array<i32>} : memref<1040xi32, #tpu.memory_space<vmem>>, vector<16xi32>,
    tpu.vector_store %arg12[%swap3A_212], %broadcast_in_dim3A_14 {strides = array<i32>} : memref<1040xi32, #tpu.memory_space<vmem>>, vector<16xi32>,
    %swap3A_214 = arith.constant 512 : index
    %swap3A_215 = tpu.vector_load %arg12[%swap3A_214] {strides = array<i32>} : memref<1040xi32, #tpu.memory_space<vmem>>, vector<16xi32>,
    tpu.vector_store %arg12[%swap3A_214], %broadcast_in_dim3A_14 {strides = array<i32>} : memref<1040xi32, #tpu.memory_space<vmem>>, vector<16xi32>,
    %swap3A_216 = arith.constant 528 : index
    %swap3A_217 = tpu.vector_load %arg12[%swap3A_216] {strides = array<i32>} : memref<1040xi32, #tpu.memory_space<vmem>>, vector<16xi32>,
    tpu.vector_store %arg12[%swap3A_216], %broadcast_in_dim3A_14 {strides = array<i32>} : memref<1040xi32, #tpu.memory_space<vmem>>, vector<16xi32>,
    %swap3A_218 = arith.constant 544 : index
    %swap3A_219 = tpu.vector_load %arg12[%swap3A_218] {strides = array<i32>} : memref<1040xi32, #tpu.memory_space<vmem>>, vector<16xi32>,
    tpu.vector_store %arg12[%swap3A_218], %broadcast_in_dim3A_14 {strides = array<i32>} : memref<1040xi32, #tpu.memory_space<vmem>>, vector<16xi32>,
    %swap3A_220 = arith.constant 560 : index
    %swap3A_221 = tpu.vector_load %arg12[%swap3A_220] {strides = array<i32>} : memref<1040xi32, #tpu.memory_space<vmem>>, vector<16xi32>,
    tpu.vector_store %arg12[%swap3A_220], %broadcast_in_dim3A_14 {strides = array<i32>} : memref<1040xi32, #tpu.memory_space<vmem>>, vector<16xi32>,
    %swap3A_222 = arith.constant 576 : index
    %swap3A_223 = tpu.vector_load %arg12[%swap3A_222] {strides = array<i32>} : memref<1040xi32, #tpu.memory_space<vmem>>, vector<16xi32>,
    tpu.vector_store %arg12[%swap3A_222], %broadcast_in_dim3A_14 {strides = array<i32>} : memref<1040xi32, #tpu.memory_space<vmem>>, vector<16xi32>,
    %swap3A_224 = arith.constant 592 : index
    %swap3A_225 = tpu.vector_load %arg12[%swap3A_224] {strides = array<i32>} : memref<1040xi32, #tpu.memory_space<vmem>>, vector<16xi32>,
    tpu.vector_store %arg12[%swap3A_224], %broadcast_in_dim3A_14 {strides = array<i32>} : memref<1040xi32, #tpu.memory_space<vmem>>, vector<16xi32>,
    %swap3A_226 = arith.constant 608 : index
    %swap3A_227 = tpu.vector_load %arg12[%swap3A_226] {strides = array<i32>} : memref<1040xi32, #tpu.memory_space<vmem>>, vector<16xi32>,
    tpu.vector_store %arg12[%swap3A_226], %broadcast_in_dim3A_14 {strides = array<i32>} : memref<1040xi32, #tpu.memory_space<vmem>>, vector<16xi32>,
    %swap3A_228 = arith.constant 624 : index
    %swap3A_229 = tpu.vector_load %arg12[%swap3A_228] {strides = array<i32>} : memref<1040xi32, #tpu.memory_space<vmem>>, vector<16xi32>,
    tpu.vector_store %arg12[%swap3A_228], %broadcast_in_dim3A_14 {strides = array<i32>} : memref<1040xi32, #tpu.memory_space<vmem>>, vector<16xi32>,
    %swap3A_230 = arith.constant 640 : index
    %swap3A_231 = tpu.vector_load %arg12[%swap3A_230] {strides = array<i32>} : memref<1040xi32, #tpu.memory_space<vmem>>, vector<16xi32>,
    tpu.vector_store %arg12[%swap3A_230], %broadcast_in_dim3A_14 {strides = array<i32>} : memref<1040xi32, #tpu.memory_space<vmem>>, vector<16xi32>,
    %swap3A_232 = arith.constant 656 : index
    %swap3A_233 = tpu.vector_load %arg12[%swap3A_232] {strides = array<i32>} : memref<1040xi32, #tpu.memory_space<vmem>>, vector<16xi32>,
    tpu.vector_store %arg12[%swap3A_232], %broadcast_in_dim3A_14 {strides = array<i32>} : memref<1040xi32, #tpu.memory_space<vmem>>, vector<16xi32>,
    %swap3A_234 = arith.constant 672 : index
    %swap3A_235 = tpu.vector_load %arg12[%swap3A_234] {strides = array<i32>} : memref<1040xi32, #tpu.memory_space<vmem>>, vector<16xi32>,
    tpu.vector_store %arg12[%swap3A_234], %broadcast_in_dim3A_14 {strides = array<i32>} : memref<1040xi32, #tpu.memory_space<vmem>>, vector<16xi32>,
    %swap3A_236 = arith.constant 688 : index
    %swap3A_237 = tpu.vector_load %arg12[%swap3A_236] {strides = array<i32>} : memref<1040xi32, #tpu.memory_space<vmem>>, vector<16xi32>,
    tpu.vector_store %arg12[%swap3A_236], %broadcast_in_dim3A_14 {strides = array<i32>} : memref<1040xi32, #tpu.memory_space<vmem>>, vector<16xi32>,
    %swap3A_238 = arith.constant 704 : index
    %swap3A_239 = tpu.vector_load %arg12[%swap3A_238] {strides = array<i32>} : memref<1040xi32, #tpu.memory_space<vmem>>, vector<16xi32>,
    tpu.vector_store %arg12[%swap3A_238], %broadcast_in_dim3A_14 {strides = array<i32>} : memref<1040xi32, #tpu.memory_space<vmem>>, vector<16xi32>,
    %swap3A_240 = arith.constant 720 : index
    %swap3A_241 = tpu.vector_load %arg12[%swap3A_240] {strides = array<i32>} : memref<1040xi32, #tpu.memory_space<vmem>>, vector<16xi32>,
    tpu.vector_store %arg12[%swap3A_240], %broadcast_in_dim3A_14 {strides = array<i32>} : memref<1040xi32, #tpu.memory_space<vmem>>, vector<16xi32>,
    %swap3A_242 = arith.constant 736 : index
    %swap3A_243 = tpu.vector_load %arg12[%swap3A_242] {strides = array<i32>} : memref<1040xi32, #tpu.memory_space<vmem>>, vector<16xi32>,
    tpu.vector_store %arg12[%swap3A_242], %broadcast_in_dim3A_14 {strides = array<i32>} : memref<1040xi32, #tpu.memory_space<vmem>>, vector<16xi32>,
    %swap3A_244 = arith.constant 752 : index
    %swap3A_245 = tpu.vector_load %arg12[%swap3A_244] {strides = array<i32>} : memref<1040xi32, #tpu.memory_space<vmem>>, vector<16xi32>,
    tpu.vector_store %arg12[%swap3A_244], %broadcast_in_dim3A_14 {strides = array<i32>} : memref<1040xi32, #tpu.memory_space<vmem>>, vector<16xi32>,
    %swap3A_246 = arith.constant 768 : index
    %swap3A_247 = tpu.vector_load %arg12[%swap3A_246] {strides = array<i32>} : memref<1040xi32, #tpu.memory_space<vmem>>, vector<16xi32>,
    tpu.vector_store %arg12[%swap3A_246], %broadcast_in_dim3A_14 {strides = array<i32>} : memref<1040xi32, #tpu.memory_space<vmem>>, vector<16xi32>,
    %swap3A_248 = arith.constant 784 : index
    %swap3A_249 = tpu.vector_load %arg12[%swap3A_248] {strides = array<i32>} : memref<1040xi32, #tpu.memory_space<vmem>>, vector<16xi32>,
    tpu.vector_store %arg12[%swap3A_248], %broadcast_in_dim3A_14 {strides = array<i32>} : memref<1040xi32, #tpu.memory_space<vmem>>, vector<16xi32>,
    %swap3A_250 = arith.constant 800 : index
    %swap3A_251 = tpu.vector_load %arg12[%swap3A_250] {strides = array<i32>} : memref<1040xi32, #tpu.memory_space<vmem>>, vector<16xi32>,
    tpu.vector_store %arg12[%swap3A_250], %broadcast_in_dim3A_14 {strides = array<i32>} : memref<1040xi32, #tpu.memory_space<vmem>>, vector<16xi32>,
    %swap3A_252 = arith.constant 816 : index
    %swap3A_253 = tpu.vector_load %arg12[%swap3A_252] {strides = array<i32>} : memref<1040xi32, #tpu.memory_space<vmem>>, vector<16xi32>,
    tpu.vector_store %arg12[%swap3A_252], %broadcast_in_dim3A_14 {strides = array<i32>} : memref<1040xi32, #tpu.memory_space<vmem>>, vector<16xi32>,
    %swap3A_254 = arith.constant 832 : index
    %swap3A_255 = tpu.vector_load %arg12[%swap3A_254] {strides = array<i32>} : memref<1040xi32, #tpu.memory_space<vmem>>, vector<16xi32>,
    tpu.vector_store %arg12[%swap3A_254], %broadcast_in_dim3A_14 {strides = array<i32>} : memref<1040xi32, #tpu.memory_space<vmem>>, vector<16xi32>,
    %swap3A_256 = arith.constant 848 : index
    %swap3A_257 = tpu.vector_load %arg12[%swap3A_256] {strides = array<i32>} : memref<1040xi32, #tpu.memory_space<vmem>>, vector<16xi32>,
    tpu.vector_store %arg12[%swap3A_256], %broadcast_in_dim3A_14 {strides = array<i32>} : memref<1040xi32, #tpu.memory_space<vmem>>, vector<16xi32>,
    %swap3A_258 = arith.constant 864 : index
    %swap3A_259 = tpu.vector_load %arg12[%swap3A_258] {strides = array<i32>} : memref<1040xi32, #tpu.memory_space<vmem>>, vector<16xi32>,
    tpu.vector_store %arg12[%swap3A_258], %broadcast_in_dim3A_14 {strides = array<i32>} : memref<1040xi32, #tpu.memory_space<vmem>>, vector<16xi32>,
    %swap3A_260 = arith.constant 880 : index
    %swap3A_261 = tpu.vector_load %arg12[%swap3A_260] {strides = array<i32>} : memref<1040xi32, #tpu.memory_space<vmem>>, vector<16xi32>,
    tpu.vector_store %arg12[%swap3A_260], %broadcast_in_dim3A_14 {strides = array<i32>} : memref<1040xi32, #tpu.memory_space<vmem>>, vector<16xi32>,
    %swap3A_262 = arith.constant 896 : index
    %swap3A_263 = tpu.vector_load %arg12[%swap3A_262] {strides = array<i32>} : memref<1040xi32, #tpu.memory_space<vmem>>, vector<16xi32>,
    tpu.vector_store %arg12[%swap3A_262], %broadcast_in_dim3A_14 {strides = array<i32>} : memref<1040xi32, #tpu.memory_space<vmem>>, vector<16xi32>,
    %swap3A_264 = arith.constant 912 : index
    %swap3A_265 = tpu.vector_load %arg12[%swap3A_264] {strides = array<i32>} : memref<1040xi32, #tpu.memory_space<vmem>>, vector<16xi32>,
    tpu.vector_store %arg12[%swap3A_264], %broadcast_in_dim3A_14 {strides = array<i32>} : memref<1040xi32, #tpu.memory_space<vmem>>, vector<16xi32>,
    %swap3A_266 = arith.constant 928 : index
    %swap3A_267 = tpu.vector_load %arg12[%swap3A_266] {strides = array<i32>} : memref<1040xi32, #tpu.memory_space<vmem>>, vector<16xi32>,
    tpu.vector_store %arg12[%swap3A_266], %broadcast_in_dim3A_14 {strides = array<i32>} : memref<1040xi32, #tpu.memory_space<vmem>>, vector<16xi32>,
    %swap3A_268 = arith.constant 944 : index
    %swap3A_269 = tpu.vector_load %arg12[%swap3A_268] {strides = array<i32>} : memref<1040xi32, #tpu.memory_space<vmem>>, vector<16xi32>,
    tpu.vector_store %arg12[%swap3A_268], %broadcast_in_dim3A_14 {strides = array<i32>} : memref<1040xi32, #tpu.memory_space<vmem>>, vector<16xi32>,
    %swap3A_270 = arith.constant 960 : index
    %swap3A_271 = tpu.vector_load %arg12[%swap3A_270] {strides = array<i32>} : memref<1040xi32, #tpu.memory_space<vmem>>, vector<16xi32>,
    tpu.vector_store %arg12[%swap3A_270], %broadcast_in_dim3A_14 {strides = array<i32>} : memref<1040xi32, #tpu.memory_space<vmem>>, vector<16xi32>,
    %swap3A_272 = arith.constant 976 : index
    %swap3A_273 = tpu.vector_load %arg12[%swap3A_272] {strides = array<i32>} : memref<1040xi32, #tpu.memory_space<vmem>>, vector<16xi32>,
    tpu.vector_store %arg12[%swap3A_272], %broadcast_in_dim3A_14 {strides = array<i32>} : memref<1040xi32, #tpu.memory_space<vmem>>, vector<16xi32>,
    %swap3A_274 = arith.constant 992 : index
    %swap3A_275 = tpu.vector_load %arg12[%swap3A_274] {strides = array<i32>} : memref<1040xi32, #tpu.memory_space<vmem>>, vector<16xi32>,
    tpu.vector_store %arg12[%swap3A_274], %broadcast_in_dim3A_14 {strides = array<i32>} : memref<1040xi32, #tpu.memory_space<vmem>>, vector<16xi32>,
    %swap3A_276 = arith.constant 1008 : index
    %swap3A_277 = tpu.vector_load %arg12[%swap3A_276] {strides = array<i32>} : memref<1040xi32, #tpu.memory_space<vmem>>, vector<16xi32>,
    tpu.vector_store %arg12[%swap3A_276], %broadcast_in_dim3A_14 {strides = array<i32>} : memref<1040xi32, #tpu.memory_space<vmem>>, vector<16xi32>,
    %broadcast_in_dim3A_278 = arith.constant 5.000000e-01 : f32
    %broadcast_in_dim3A_279 = vector.broadcast %broadcast_in_dim3A_278 : f32 to vector<16xf32>
    %swap3A_280 = arith.constant 0 : index
    %swap3A_281 = tpu.vector_load %arg10[%swap3A_280] {strides = array<i32>} : memref<1040xf32, #tpu.memory_space<vmem>>, vector<16xf32>,
    tpu.vector_store %arg10[%swap3A_280], %broadcast_in_dim3A_279 {strides = array<i32>} : memref<1040xf32, #tpu.memory_space<vmem>>, vector<16xf32>,
    %add3A_282 = arith.constant 0 : i32
    %add3A_283 = arith.addi %mul3A_11, %add3A_282 : i32
    %mul3A_284 = arith.constant 1040 : i32
    %mul3A_285 = arith.muli %add3A_283, %mul3A_284 : i32
    %mul3A_286 = arith.constant 1024 : i32
    %mul3A_287 = arith.muli %add3A_283, %mul3A_286 : i32
    %mul3A_288 = arith.constant 32 : i32
    %mul3A_289 = arith.muli %add3A_283, %mul3A_288 : i32
    %dma_start3A = arith.constant 0 : i32
    %dma_start3A_290 = tpu.memref_slice %arg6[%dma_start3A] : memref<2080xf32, #tpu.memory_space<vmem>> -> memref<1040xf32, #tpu.memory_space<vmem>>
    %dma_start3A_291 = tpu.memref_slice %arg2[%mul3A_285] : memref<4259840xf32, #tpu.memory_space<hbm>> -> memref<1040xf32, #tpu.memory_space<hbm>>
    %dma_start3A_292 = arith.constant 0 : i32
    %dma_start3A_293 = tpu.memref_slice %arg6[%dma_start3A_292] : memref<2080xf32, #tpu.memory_space<vmem>> -> memref<1040xf32, #tpu.memory_space<vmem>>
    %dma_start3A_294 = tpu.memref_slice %arg2[%mul3A_285] : memref<4259840xf32, #tpu.memory_space<hbm>> -> memref<1040xf32, #tpu.memory_space<hbm>>
    tpu.enqueue_dma source(%dma_start3A_294 : memref<1040xf32, #tpu.memory_space<hbm>>) target(%dma_start3A_293 : memref<1040xf32, #tpu.memory_space<vmem>>) target_semaphore(%arg13 : memref<!tpu.dma_semaphore, #tpu.memory_space<semaphore_mem>>)
    %dma_start3A_295 = arith.constant 0 : i32
    %dma_start3A_296 = tpu.memref_slice %arg7[%dma_start3A_295] : memref<2048xf32, #tpu.memory_space<vmem>> -> memref<1024xf32, #tpu.memory_space<vmem>>
    %dma_start3A_297 = tpu.memref_slice %arg3[%mul3A_287] : memref<4194304xf32, #tpu.memory_space<hbm>> -> memref<1024xf32, #tpu.memory_space<hbm>>
    %dma_start3A_298 = arith.constant 0 : i32
    %dma_start3A_299 = tpu.memref_slice %arg7[%dma_start3A_298] : memref<2048xf32, #tpu.memory_space<vmem>> -> memref<1024xf32, #tpu.memory_space<vmem>>
    %dma_start3A_300 = tpu.memref_slice %arg3[%mul3A_287] : memref<4194304xf32, #tpu.memory_space<hbm>> -> memref<1024xf32, #tpu.memory_space<hbm>>
    tpu.enqueue_dma source(%dma_start3A_300 : memref<1024xf32, #tpu.memory_space<hbm>>) target(%dma_start3A_299 : memref<1024xf32, #tpu.memory_space<vmem>>) target_semaphore(%arg13 : memref<!tpu.dma_semaphore, #tpu.memory_space<semaphore_mem>>)
    %dma_start3A_301 = arith.constant 0 : i32
    %dma_start3A_302 = tpu.memref_slice %arg8[%dma_start3A_301] : memref<64xf32, #tpu.memory_space<vmem>> -> memref<32xf32, #tpu.memory_space<vmem>>
    %dma_start3A_303 = tpu.memref_slice %arg4[%mul3A_289] : memref<131072xf32, #tpu.memory_space<hbm>> -> memref<32xf32, #tpu.memory_space<hbm>>
    %dma_start3A_304 = arith.constant 0 : i32
    %dma_start3A_305 = tpu.memref_slice %arg8[%dma_start3A_304] : memref<64xf32, #tpu.memory_space<vmem>> -> memref<32xf32, #tpu.memory_space<vmem>>
    %dma_start3A_306 = tpu.memref_slice %arg4[%mul3A_289] : memref<131072xf32, #tpu.memory_space<hbm>> -> memref<32xf32, #tpu.memory_space<hbm>>
    tpu.enqueue_dma source(%dma_start3A_306 : memref<32xf32, #tpu.memory_space<hbm>>) target(%dma_start3A_305 : memref<32xf32, #tpu.memory_space<vmem>>) target_semaphore(%arg13 : memref<!tpu.dma_semaphore, #tpu.memory_space<semaphore_mem>>)
    %scan3A = arith.constant 0 : i32
    %scan3A_307 = arith.constant 0 : i32
    %scan3A_308 = arith.constant 128 : i32
    %scan3A_309 = arith.addi %scan3A_307, %scan3A_308 : i32
    %scan3A_310 = arith.constant 1 : i32
    scf.for %scan3A_360 = %scan3A_307 to %scan3A_309 step %scan3A_310  : i32 {
      %and3A = arith.constant 1 : i32
      %and3A_361 = arith.andi %scan3A_360, %and3A : i32
      %eq3A = arith.constant 0 : i32
      %eq3A_362 = arith.cmpi eq, %and3A_361, %eq3A : i32
      %add3A_363 = arith.constant 1 : i32
      %add3A_364 = arith.addi %scan3A_360, %add3A_363 : i32
      %min3A = arith.constant 127 : i32
      %min3A_365 = arith.minsi %add3A_364, %min3A : i32
      %convert_element_type3A = arith.extui %eq3A_362 : i1 to i32
      %cond3A = arith.constant 0 : i32
      %cond3A_366 = arith.cmpi ne, %convert_element_type3A, %cond3A : i32
      scf.if %cond3A_366 {
        %add3A_504 = arith.addi %mul3A_11, %scan3A_360 : i32
        %mul3A_505 = arith.constant 1040 : i32
        %mul3A_506 = arith.muli %add3A_504, %mul3A_505 : i32
        %mul3A_507 = arith.constant 1024 : i32
        %mul3A_508 = arith.muli %add3A_504, %mul3A_507 : i32
        %mul3A_509 = arith.constant 32 : i32
        %mul3A_510 = arith.muli %add3A_504, %mul3A_509 : i32
        %dma_wait3A_511 = arith.constant 0 : i32
        %dma_wait3A_512 = tpu.memref_slice %arg6[%dma_wait3A_511] : memref<2080xf32, #tpu.memory_space<vmem>> -> memref<1040xf32, #tpu.memory_space<vmem>>
        %dma_wait3A_513 = tpu.memref_slice %arg2[%mul3A_506] : memref<4259840xf32, #tpu.memory_space<hbm>> -> memref<1040xf32, #tpu.memory_space<hbm>>
        %dma_wait3A_514 = arith.constant 0 : i32
        %dma_wait3A_515 = tpu.memref_slice %arg6[%dma_wait3A_514] : memref<2080xf32, #tpu.memory_space<vmem>> -> memref<1040xf32, #tpu.memory_space<vmem>>
        %dma_wait3A_516 = tpu.memref_slice %arg2[%mul3A_506] : memref<4259840xf32, #tpu.memory_space<hbm>> -> memref<1040xf32, #tpu.memory_space<hbm>>
        tpu.wait_dma2 semaphore(%arg13 : memref<!tpu.dma_semaphore, #tpu.memory_space<semaphore_mem>>) src(%dma_wait3A_516 : memref<1040xf32, #tpu.memory_space<hbm>>) dst(%dma_wait3A_515 : memref<1040xf32, #tpu.memory_space<vmem>>)
        %dma_wait3A_517 = arith.constant 0 : i32
        %dma_wait3A_518 = tpu.memref_slice %arg7[%dma_wait3A_517] : memref<2048xf32, #tpu.memory_space<vmem>> -> memref<1024xf32, #tpu.memory_space<vmem>>
        %dma_wait3A_519 = tpu.memref_slice %arg3[%mul3A_508] : memref<4194304xf32, #tpu.memory_space<hbm>> -> memref<1024xf32, #tpu.memory_space<hbm>>
        %dma_wait3A_520 = arith.constant 0 : i32
        %dma_wait3A_521 = tpu.memref_slice %arg7[%dma_wait3A_520] : memref<2048xf32, #tpu.memory_space<vmem>> -> memref<1024xf32, #tpu.memory_space<vmem>>
        %dma_wait3A_522 = tpu.memref_slice %arg3[%mul3A_508] : memref<4194304xf32, #tpu.memory_space<hbm>> -> memref<1024xf32, #tpu.memory_space<hbm>>
        tpu.wait_dma2 semaphore(%arg13 : memref<!tpu.dma_semaphore, #tpu.memory_space<semaphore_mem>>) src(%dma_wait3A_522 : memref<1024xf32, #tpu.memory_space<hbm>>) dst(%dma_wait3A_521 : memref<1024xf32, #tpu.memory_space<vmem>>)
        %dma_wait3A_523 = arith.constant 0 : i32
        %dma_wait3A_524 = tpu.memref_slice %arg8[%dma_wait3A_523] : memref<64xf32, #tpu.memory_space<vmem>> -> memref<32xf32, #tpu.memory_space<vmem>>
        %dma_wait3A_525 = tpu.memref_slice %arg4[%mul3A_510] : memref<131072xf32, #tpu.memory_space<hbm>> -> memref<32xf32, #tpu.memory_space<hbm>>
        %dma_wait3A_526 = arith.constant 0 : i32
        %dma_wait3A_527 = tpu.memref_slice %arg8[%dma_wait3A_526] : memref<64xf32, #tpu.memory_space<vmem>> -> memref<32xf32, #tpu.memory_space<vmem>>
        %dma_wait3A_528 = tpu.memref_slice %arg4[%mul3A_510] : memref<131072xf32, #tpu.memory_space<hbm>> -> memref<32xf32, #tpu.memory_space<hbm>>
        tpu.wait_dma2 semaphore(%arg13 : memref<!tpu.dma_semaphore, #tpu.memory_space<semaphore_mem>>) src(%dma_wait3A_528 : memref<32xf32, #tpu.memory_space<hbm>>) dst(%dma_wait3A_527 : memref<32xf32, #tpu.memory_space<vmem>>)
        %add3A_529 = arith.addi %mul3A_11, %min3A_365 : i32
        %mul3A_530 = arith.constant 1040 : i32
        %mul3A_531 = arith.muli %add3A_529, %mul3A_530 : i32
        %mul3A_532 = arith.constant 1024 : i32
        %mul3A_533 = arith.muli %add3A_529, %mul3A_532 : i32
        %mul3A_534 = arith.constant 32 : i32
        %mul3A_535 = arith.muli %add3A_529, %mul3A_534 : i32
        %dma_start3A_536 = arith.constant 1040 : i32
        %dma_start3A_537 = tpu.memref_slice %arg6[%dma_start3A_536] : memref<2080xf32, #tpu.memory_space<vmem>> -> memref<1040xf32, #tpu.memory_space<vmem>>
        %dma_start3A_538 = tpu.memref_slice %arg2[%mul3A_531] : memref<4259840xf32, #tpu.memory_space<hbm>> -> memref<1040xf32, #tpu.memory_space<hbm>>
        %dma_start3A_539 = arith.constant 1040 : i32
        %dma_start3A_540 = tpu.memref_slice %arg6[%dma_start3A_539] : memref<2080xf32, #tpu.memory_space<vmem>> -> memref<1040xf32, #tpu.memory_space<vmem>>
        %dma_start3A_541 = tpu.memref_slice %arg2[%mul3A_531] : memref<4259840xf32, #tpu.memory_space<hbm>> -> memref<1040xf32, #tpu.memory_space<hbm>>
        tpu.enqueue_dma source(%dma_start3A_541 : memref<1040xf32, #tpu.memory_space<hbm>>) target(%dma_start3A_540 : memref<1040xf32, #tpu.memory_space<vmem>>) target_semaphore(%arg14 : memref<!tpu.dma_semaphore, #tpu.memory_space<semaphore_mem>>)
        %dma_start3A_542 = arith.constant 1024 : i32
        %dma_start3A_543 = tpu.memref_slice %arg7[%dma_start3A_542] : memref<2048xf32, #tpu.memory_space<vmem>> -> memref<1024xf32, #tpu.memory_space<vmem>>
        %dma_start3A_544 = tpu.memref_slice %arg3[%mul3A_533] : memref<4194304xf32, #tpu.memory_space<hbm>> -> memref<1024xf32, #tpu.memory_space<hbm>>
        %dma_start3A_545 = arith.constant 1024 : i32
        %dma_start3A_546 = tpu.memref_slice %arg7[%dma_start3A_545] : memref<2048xf32, #tpu.memory_space<vmem>> -> memref<1024xf32, #tpu.memory_space<vmem>>
        %dma_start3A_547 = tpu.memref_slice %arg3[%mul3A_533] : memref<4194304xf32, #tpu.memory_space<hbm>> -> memref<1024xf32, #tpu.memory_space<hbm>>
        tpu.enqueue_dma source(%dma_start3A_547 : memref<1024xf32, #tpu.memory_space<hbm>>) target(%dma_start3A_546 : memref<1024xf32, #tpu.memory_space<vmem>>) target_semaphore(%arg14 : memref<!tpu.dma_semaphore, #tpu.memory_space<semaphore_mem>>)
        %dma_start3A_548 = arith.constant 32 : i32
        %dma_start3A_549 = tpu.memref_slice %arg8[%dma_start3A_548] : memref<64xf32, #tpu.memory_space<vmem>> -> memref<32xf32, #tpu.memory_space<vmem>>
        %dma_start3A_550 = tpu.memref_slice %arg4[%mul3A_535] : memref<131072xf32, #tpu.memory_space<hbm>> -> memref<32xf32, #tpu.memory_space<hbm>>
        %dma_start3A_551 = arith.constant 32 : i32
        %dma_start3A_552 = tpu.memref_slice %arg8[%dma_start3A_551] : memref<64xf32, #tpu.memory_space<vmem>> -> memref<32xf32, #tpu.memory_space<vmem>>
        %dma_start3A_553 = tpu.memref_slice %arg4[%mul3A_535] : memref<131072xf32, #tpu.memory_space<hbm>> -> memref<32xf32, #tpu.memory_space<hbm>>
        tpu.enqueue_dma source(%dma_start3A_553 : memref<32xf32, #tpu.memory_space<hbm>>) target(%dma_start3A_552 : memref<32xf32, #tpu.memory_space<vmem>>) target_semaphore(%arg14 : memref<!tpu.dma_semaphore, #tpu.memory_space<semaphore_mem>>)
      } else {
      }
      %not3A = arith.constant true
      %not3A_367 = arith.xori %eq3A_362, %not3A : i1
      %convert_element_type3A_368 = arith.extui %not3A_367 : i1 to i32
      %cond3A_369 = arith.constant 0 : i32
      %cond3A_370 = arith.cmpi ne, %convert_element_type3A_368, %cond3A_369 : i32
      scf.if %cond3A_370 {
        %add3A_504 = arith.addi %mul3A_11, %scan3A_360 : i32
        %mul3A_505 = arith.constant 1040 : i32
        %mul3A_506 = arith.muli %add3A_504, %mul3A_505 : i32
        %mul3A_507 = arith.constant 1024 : i32
        %mul3A_508 = arith.muli %add3A_504, %mul3A_507 : i32
        %mul3A_509 = arith.constant 32 : i32
        %mul3A_510 = arith.muli %add3A_504, %mul3A_509 : i32
        %dma_wait3A_511 = arith.constant 1040 : i32
        %dma_wait3A_512 = tpu.memref_slice %arg6[%dma_wait3A_511] : memref<2080xf32, #tpu.memory_space<vmem>> -> memref<1040xf32, #tpu.memory_space<vmem>>
        %dma_wait3A_513 = tpu.memref_slice %arg2[%mul3A_506] : memref<4259840xf32, #tpu.memory_space<hbm>> -> memref<1040xf32, #tpu.memory_space<hbm>>
        %dma_wait3A_514 = arith.constant 1040 : i32
        %dma_wait3A_515 = tpu.memref_slice %arg6[%dma_wait3A_514] : memref<2080xf32, #tpu.memory_space<vmem>> -> memref<1040xf32, #tpu.memory_space<vmem>>
        %dma_wait3A_516 = tpu.memref_slice %arg2[%mul3A_506] : memref<4259840xf32, #tpu.memory_space<hbm>> -> memref<1040xf32, #tpu.memory_space<hbm>>
        tpu.wait_dma2 semaphore(%arg14 : memref<!tpu.dma_semaphore, #tpu.memory_space<semaphore_mem>>) src(%dma_wait3A_516 : memref<1040xf32, #tpu.memory_space<hbm>>) dst(%dma_wait3A_515 : memref<1040xf32, #tpu.memory_space<vmem>>)
        %dma_wait3A_517 = arith.constant 1024 : i32
        %dma_wait3A_518 = tpu.memref_slice %arg7[%dma_wait3A_517] : memref<2048xf32, #tpu.memory_space<vmem>> -> memref<1024xf32, #tpu.memory_space<vmem>>
        %dma_wait3A_519 = tpu.memref_slice %arg3[%mul3A_508] : memref<4194304xf32, #tpu.memory_space<hbm>> -> memref<1024xf32, #tpu.memory_space<hbm>>
        %dma_wait3A_520 = arith.constant 1024 : i32
        %dma_wait3A_521 = tpu.memref_slice %arg7[%dma_wait3A_520] : memref<2048xf32, #tpu.memory_space<vmem>> -> memref<1024xf32, #tpu.memory_space<vmem>>
        %dma_wait3A_522 = tpu.memref_slice %arg3[%mul3A_508] : memref<4194304xf32, #tpu.memory_space<hbm>> -> memref<1024xf32, #tpu.memory_space<hbm>>
        tpu.wait_dma2 semaphore(%arg14 : memref<!tpu.dma_semaphore, #tpu.memory_space<semaphore_mem>>) src(%dma_wait3A_522 : memref<1024xf32, #tpu.memory_space<hbm>>) dst(%dma_wait3A_521 : memref<1024xf32, #tpu.memory_space<vmem>>)
        %dma_wait3A_523 = arith.constant 32 : i32
        %dma_wait3A_524 = tpu.memref_slice %arg8[%dma_wait3A_523] : memref<64xf32, #tpu.memory_space<vmem>> -> memref<32xf32, #tpu.memory_space<vmem>>
        %dma_wait3A_525 = tpu.memref_slice %arg4[%mul3A_510] : memref<131072xf32, #tpu.memory_space<hbm>> -> memref<32xf32, #tpu.memory_space<hbm>>
        %dma_wait3A_526 = arith.constant 32 : i32
        %dma_wait3A_527 = tpu.memref_slice %arg8[%dma_wait3A_526] : memref<64xf32, #tpu.memory_space<vmem>> -> memref<32xf32, #tpu.memory_space<vmem>>
        %dma_wait3A_528 = tpu.memref_slice %arg4[%mul3A_510] : memref<131072xf32, #tpu.memory_space<hbm>> -> memref<32xf32, #tpu.memory_space<hbm>>
        tpu.wait_dma2 semaphore(%arg14 : memref<!tpu.dma_semaphore, #tpu.memory_space<semaphore_mem>>) src(%dma_wait3A_528 : memref<32xf32, #tpu.memory_space<hbm>>) dst(%dma_wait3A_527 : memref<32xf32, #tpu.memory_space<vmem>>)
        %add3A_529 = arith.addi %mul3A_11, %min3A_365 : i32
        %mul3A_530 = arith.constant 1040 : i32
        %mul3A_531 = arith.muli %add3A_529, %mul3A_530 : i32
        %mul3A_532 = arith.constant 1024 : i32
        %mul3A_533 = arith.muli %add3A_529, %mul3A_532 : i32
        %mul3A_534 = arith.constant 32 : i32
        %mul3A_535 = arith.muli %add3A_529, %mul3A_534 : i32
        %dma_start3A_536 = arith.constant 0 : i32
        %dma_start3A_537 = tpu.memref_slice %arg6[%dma_start3A_536] : memref<2080xf32, #tpu.memory_space<vmem>> -> memref<1040xf32, #tpu.memory_space<vmem>>
        %dma_start3A_538 = tpu.memref_slice %arg2[%mul3A_531] : memref<4259840xf32, #tpu.memory_space<hbm>> -> memref<1040xf32, #tpu.memory_space<hbm>>
        %dma_start3A_539 = arith.constant 0 : i32
        %dma_start3A_540 = tpu.memref_slice %arg6[%dma_start3A_539] : memref<2080xf32, #tpu.memory_space<vmem>> -> memref<1040xf32, #tpu.memory_space<vmem>>
        %dma_start3A_541 = tpu.memref_slice %arg2[%mul3A_531] : memref<4259840xf32, #tpu.memory_space<hbm>> -> memref<1040xf32, #tpu.memory_space<hbm>>
        tpu.enqueue_dma source(%dma_start3A_541 : memref<1040xf32, #tpu.memory_space<hbm>>) target(%dma_start3A_540 : memref<1040xf32, #tpu.memory_space<vmem>>) target_semaphore(%arg13 : memref<!tpu.dma_semaphore, #tpu.memory_space<semaphore_mem>>)
        %dma_start3A_542 = arith.constant 0 : i32
        %dma_start3A_543 = tpu.memref_slice %arg7[%dma_start3A_542] : memref<2048xf32, #tpu.memory_space<vmem>> -> memref<1024xf32, #tpu.memory_space<vmem>>
        %dma_start3A_544 = tpu.memref_slice %arg3[%mul3A_533] : memref<4194304xf32, #tpu.memory_space<hbm>> -> memref<1024xf32, #tpu.memory_space<hbm>>
        %dma_start3A_545 = arith.constant 0 : i32
        %dma_start3A_546 = tpu.memref_slice %arg7[%dma_start3A_545] : memref<2048xf32, #tpu.memory_space<vmem>> -> memref<1024xf32, #tpu.memory_space<vmem>>
        %dma_start3A_547 = tpu.memref_slice %arg3[%mul3A_533] : memref<4194304xf32, #tpu.memory_space<hbm>> -> memref<1024xf32, #tpu.memory_space<hbm>>
        tpu.enqueue_dma source(%dma_start3A_547 : memref<1024xf32, #tpu.memory_space<hbm>>) target(%dma_start3A_546 : memref<1024xf32, #tpu.memory_space<vmem>>) target_semaphore(%arg13 : memref<!tpu.dma_semaphore, #tpu.memory_space<semaphore_mem>>)
        %dma_start3A_548 = arith.constant 0 : i32
        %dma_start3A_549 = tpu.memref_slice %arg8[%dma_start3A_548] : memref<64xf32, #tpu.memory_space<vmem>> -> memref<32xf32, #tpu.memory_space<vmem>>
        %dma_start3A_550 = tpu.memref_slice %arg4[%mul3A_535] : memref<131072xf32, #tpu.memory_space<hbm>> -> memref<32xf32, #tpu.memory_space<hbm>>
        %dma_start3A_551 = arith.constant 0 : i32
        %dma_start3A_552 = tpu.memref_slice %arg8[%dma_start3A_551] : memref<64xf32, #tpu.memory_space<vmem>> -> memref<32xf32, #tpu.memory_space<vmem>>
        %dma_start3A_553 = tpu.memref_slice %arg4[%mul3A_535] : memref<131072xf32, #tpu.memory_space<hbm>> -> memref<32xf32, #tpu.memory_space<hbm>>
        tpu.enqueue_dma source(%dma_start3A_553 : memref<32xf32, #tpu.memory_space<hbm>>) target(%dma_start3A_552 : memref<32xf32, #tpu.memory_space<vmem>>) target_semaphore(%arg13 : memref<!tpu.dma_semaphore, #tpu.memory_space<semaphore_mem>>)
      } else {
      }
      %ge3A = arith.constant 2 : i32
      %ge3A_371 = arith.cmpi sge, %scan3A_360, %ge3A : i32
      %and3A_372 = arith.andi %ge3A_371, %eq3A_362 : i1
      %convert_element_type3A_373 = arith.extui %and3A_372 : i1 to i32
      %cond3A_374 = arith.constant 0 : i32
      %cond3A_375 = arith.cmpi ne, %convert_element_type3A_373, %cond3A_374 : i32
      scf.if %cond3A_375 {
        %add3A_504 = arith.addi %mul3A_11, %scan3A_360 : i32
        %sub3A_505 = arith.constant 2 : i32
        %sub3A_506 = arith.subi %add3A_504, %sub3A_505 : i32
        %mul3A_507 = arith.constant 2064 : i32
        %mul3A_508 = arith.muli %sub3A_506, %mul3A_507 : i32
        %dma_wait3A_509 = arith.constant 0 : i32
        %dma_wait3A_510 = tpu.memref_slice %arg9[%dma_wait3A_509] : memref<4128xf32, #tpu.memory_space<vmem>> -> memref<2064xf32, #tpu.memory_space<vmem>>
        %dma_wait3A_511 = tpu.memref_slice %arg5[%mul3A_508] : memref<8454144xf32, #tpu.memory_space<hbm>> -> memref<2064xf32, #tpu.memory_space<hbm>>
        %dma_wait3A_512 = tpu.memref_slice %arg5[%mul3A_508] : memref<8454144xf32, #tpu.memory_space<hbm>> -> memref<2064xf32, #tpu.memory_space<hbm>>
        %dma_wait3A_513 = arith.constant 0 : i32
        %dma_wait3A_514 = tpu.memref_slice %arg9[%dma_wait3A_513] : memref<4128xf32, #tpu.memory_space<vmem>> -> memref<2064xf32, #tpu.memory_space<vmem>>
        tpu.wait_dma2 semaphore(%arg15 : memref<!tpu.dma_semaphore, #tpu.memory_space<semaphore_mem>>) src(%dma_wait3A_514 : memref<2064xf32, #tpu.memory_space<vmem>>) dst(%dma_wait3A_512 : memref<2064xf32, #tpu.memory_space<hbm>>)
      } else {
      }
      %ge3A_376 = arith.constant 2 : i32
      %ge3A_377 = arith.cmpi sge, %scan3A_360, %ge3A_376 : i32
      %not3A_378 = arith.constant true
      %not3A_379 = arith.xori %eq3A_362, %not3A_378 : i1
      %and3A_380 = arith.andi %ge3A_377, %not3A_379 : i1
      %convert_element_type3A_381 = arith.extui %and3A_380 : i1 to i32
      %cond3A_382 = arith.constant 0 : i32
      %cond3A_383 = arith.cmpi ne, %convert_element_type3A_381, %cond3A_382 : i32
      scf.if %cond3A_383 {
        %add3A_504 = arith.addi %mul3A_11, %scan3A_360 : i32
        %sub3A_505 = arith.constant 2 : i32
        %sub3A_506 = arith.subi %add3A_504, %sub3A_505 : i32
        %mul3A_507 = arith.constant 2064 : i32
        %mul3A_508 = arith.muli %sub3A_506, %mul3A_507 : i32
        %dma_wait3A_509 = arith.constant 2064 : i32
        %dma_wait3A_510 = tpu.memref_slice %arg9[%dma_wait3A_509] : memref<4128xf32, #tpu.memory_space<vmem>> -> memref<2064xf32, #tpu.memory_space<vmem>>
        %dma_wait3A_511 = tpu.memref_slice %arg5[%mul3A_508] : memref<8454144xf32, #tpu.memory_space<hbm>> -> memref<2064xf32, #tpu.memory_space<hbm>>
        %dma_wait3A_512 = tpu.memref_slice %arg5[%mul3A_508] : memref<8454144xf32, #tpu.memory_space<hbm>> -> memref<2064xf32, #tpu.memory_space<hbm>>
        %dma_wait3A_513 = arith.constant 2064 : i32
        %dma_wait3A_514 = tpu.memref_slice %arg9[%dma_wait3A_513] : memref<4128xf32, #tpu.memory_space<vmem>> -> memref<2064xf32, #tpu.memory_space<vmem>>
        tpu.wait_dma2 semaphore(%arg16 : memref<!tpu.dma_semaphore, #tpu.memory_space<semaphore_mem>>) src(%dma_wait3A_514 : memref<2064xf32, #tpu.memory_space<vmem>>) dst(%dma_wait3A_512 : memref<2064xf32, #tpu.memory_space<hbm>>)
      } else {
      }
      %mul3A_384 = arith.constant 1024 : i32
      %mul3A_385 = arith.muli %and3A_361, %mul3A_384 : i32
      %add3A_386 = vector.broadcast %mul3A_385 : i32 to vector<16xi32>
      %add3A_387 = arith.addi %mul3A_3, %add3A_386 : vector<16xi32>
      %mul3A_388 = arith.constant 1040 : i32
      %mul3A_389 = arith.muli %and3A_361, %mul3A_388 : i32
      %add3A_390 = vector.broadcast %mul3A_389 : i32 to vector<16xi32>
      %add3A_391 = arith.addi %mul3A_6, %add3A_390 : vector<16xi32>
      %mul3A_392 = arith.constant 2064 : i32
      %mul3A_393 = arith.muli %and3A_361, %mul3A_392 : i32
      %add3A_394 = vector.broadcast %mul3A_393 : i32 to vector<16xi32>
      %add3A_395 = arith.addi %mul3A_9, %add3A_394 : vector<16xi32>
      %mul3A_396 = arith.constant 32 : i32
      %mul3A_397 = arith.muli %and3A_361, %mul3A_396 : i32
      %mul3A_398 = arith.constant 2 : i32
      %mul3A_399 = vector.broadcast %mul3A_398 : i32 to vector<16xi32>
      %mul3A_400 = arith.muli %iota3A, %mul3A_399 : vector<16xi32>
      %add3A_401 = vector.broadcast %mul3A_397 : i32 to vector<16xi32>
      %add3A_402 = arith.addi %mul3A_400, %add3A_401 : vector<16xi32>
      %gather3A = tpu.vector_load_idx %arg8[%add3A_402] : memref<64xf32, #tpu.memory_space<vmem>>[vector<16xi32>], vector<16xf32>,
      %mul3A_403 = arith.constant 2 : i32
      %mul3A_404 = vector.broadcast %mul3A_403 : i32 to vector<16xi32>
      %mul3A_405 = arith.muli %iota3A, %mul3A_404 : vector<16xi32>
      %add3A_406 = arith.constant 1 : i32
      %add3A_407 = arith.addi %mul3A_397, %add3A_406 : i32
      %add3A_408 = vector.broadcast %add3A_407 : i32 to vector<16xi32>
      %add3A_409 = arith.addi %mul3A_405, %add3A_408 : vector<16xi32>
      %gather3A_410 = tpu.vector_load_idx %arg8[%add3A_409] : memref<64xf32, #tpu.memory_space<vmem>>[vector<16xi32>], vector<16xf32>,
      %sub3A_411 = arith.subf %gather3A_410, %gather3A : vector<16xf32>
      %parallel_loop3A = arith.constant 0 : i32
      %parallel_loop3A_412 = arith.constant 64 : i32
      %parallel_loop3A_413 = arith.constant 1 : i32
      %parallel_loop3A_414 = scf.for %parallel_loop3A_504 = %parallel_loop3A to %parallel_loop3A_412 step %parallel_loop3A_413 iter_args(%parallel_loop3A_505 = %broadcast_in_dim3A_12) -> (vector<16xf32>)  : i32 {
        %parallel_loop3A_506 = vector.broadcast %parallel_loop3A_504 : i32 to vector<16xi32>
        %parallel_loop3A_507 = arith.addi %add3A_387, %parallel_loop3A_506 : vector<16xi32>
        %parallel_loop3A_508 = tpu.vector_load_idx %arg7[%parallel_loop3A_507] : memref<2048xf32, #tpu.memory_space<vmem>>[vector<16xi32>], vector<16xf32>,
        %parallel_loop3A_509 = arith.addf %parallel_loop3A_505, %parallel_loop3A_508 : vector<16xf32>
        %parallel_loop3A_510 = arith.constant 16 : i32
        %parallel_loop3A_511 = arith.muli %parallel_loop3A_504, %parallel_loop3A_510 : i32
        %parallel_loop3A_512 = arith.constant 16 : i32
        %parallel_loop3A_513 = arith.addi %parallel_loop3A_511, %parallel_loop3A_512 : i32
        %parallel_loop3A_514 = arith.index_cast %parallel_loop3A_513 : i32 to index
        %parallel_loop3A_515 = tpu.vector_load %arg10[%parallel_loop3A_514] {strides = array<i32>} : memref<1040xf32, #tpu.memory_space<vmem>>, vector<16xf32>,
        tpu.vector_store %arg10[%parallel_loop3A_514], %parallel_loop3A_509 {strides = array<i32>} : memref<1040xf32, #tpu.memory_space<vmem>>, vector<16xf32>,
        scf.yield %parallel_loop3A_509 : vector<16xf32>
      } {sc.loop_unroll_factor = 8 : i64, sc.parallel_access}
      %mul3A_415 = arith.constant 6.400000e+01 : f32
      %mul3A_416 = arith.constant 0.00999999977 : f32
      %mul3A_417 = arith.mulf %mul3A_415, %mul3A_416 : f32
      %broadcast_in_dim3A_418 = vector.broadcast %mul3A_417 : f32 to vector<16xf32>
      %add3A_419 = arith.addf %parallel_loop3A_414, %broadcast_in_dim3A_418 : vector<16xf32>
      %broadcast_in_dim3A_420 = arith.constant 9.99999974E-6 : f32
      %broadcast_in_dim3A_421 = vector.broadcast %broadcast_in_dim3A_420 : f32 to vector<16xf32>
      %sub3A_422 = arith.subf %broadcast_in_dim3A_421, %add3A_419 : vector<16xf32>
      %max3A = arith.maximumf %sub3A_422, %broadcast_in_dim3A_12 : vector<16xf32>
      %add3A_423 = arith.addf %add3A_419, %max3A : vector<16xf32>
      %broadcast_in_dim3A_424 = arith.constant 6.500000e+01 : f32
      %broadcast_in_dim3A_425 = vector.broadcast %broadcast_in_dim3A_424 : f32 to vector<16xf32>
      %div3A = arith.divf %broadcast_in_dim3A_425, %add3A_423 : vector<16xf32>
      %broadcast_in_dim3A_426 = arith.constant 0.00999999977 : f32
      %broadcast_in_dim3A_427 = vector.broadcast %broadcast_in_dim3A_426 : f32 to vector<16xf32>
      %mul3A_428 = arith.constant 1.562500e-02 : f32
      %mul3A_429 = vector.broadcast %mul3A_428 : f32 to vector<16xf32>
      %mul3A_430 = arith.mulf %max3A, %mul3A_429 : vector<16xf32>
      %add3A_431 = arith.addf %broadcast_in_dim3A_427, %mul3A_430 : vector<16xf32>
      %mul3A_432 = arith.mulf %add3A_431, %div3A : vector<16xf32>
      %broadcast_in_dim3A_433 = arith.constant 6.550000e+01 : f32
      %broadcast_in_dim3A_434 = vector.broadcast %broadcast_in_dim3A_433 : f32 to vector<16xf32>
      %swap3A_435 = arith.constant 0 : index
      %swap3A_436 = tpu.vector_load %arg11[%swap3A_435] {strides = array<i32>} : memref<1056xi32, #tpu.memory_space<vmem>>, vector<16xi32>,
      tpu.vector_store %arg11[%swap3A_435], %broadcast_in_dim3A_16 {strides = array<i32>} : memref<1056xi32, #tpu.memory_space<vmem>>, vector<16xi32>,
      %parallel_loop3A_437 = arith.constant 0 : i32
      %parallel_loop3A_438 = arith.constant 64 : i32
      %parallel_loop3A_439 = arith.constant 1 : i32
      scf.for %parallel_loop3A_504 = %parallel_loop3A_437 to %parallel_loop3A_438 step %parallel_loop3A_439  : i32 {
        %parallel_loop3A_505 = arith.constant 16 : i32
        %parallel_loop3A_506 = arith.muli %parallel_loop3A_504, %parallel_loop3A_505 : i32
        %parallel_loop3A_507 = arith.constant 16 : i32
        %parallel_loop3A_508 = arith.addi %parallel_loop3A_506, %parallel_loop3A_507 : i32
        %parallel_loop3A_509 = arith.index_cast %parallel_loop3A_508 : i32 to index
        %parallel_loop3A_510 = tpu.vector_load %arg10[%parallel_loop3A_509] {strides = array<i32>} : memref<1040xf32, #tpu.memory_space<vmem>>, vector<16xf32>,
        %parallel_loop3A_511 = arith.constant 1 : i32
        %parallel_loop3A_512 = arith.addi %parallel_loop3A_504, %parallel_loop3A_511 : i32
        %parallel_loop3A_513 = arith.sitofp %parallel_loop3A_512 : i32 to f32
        %parallel_loop3A_514 = arith.mulf %parallel_loop3A_510, %div3A : vector<16xf32>
        %parallel_loop3A_515 = vector.broadcast %parallel_loop3A_513 : f32 to vector<16xf32>
        %parallel_loop3A_516 = arith.mulf %mul3A_432, %parallel_loop3A_515 : vector<16xf32>
        %parallel_loop3A_517 = arith.constant 5.000000e-01 : f32
        %parallel_loop3A_518 = vector.broadcast %parallel_loop3A_517 : f32 to vector<16xf32>
        %parallel_loop3A_519 = arith.addf %parallel_loop3A_516, %parallel_loop3A_518 : vector<16xf32>
        %parallel_loop3A_520 = arith.addf %parallel_loop3A_514, %parallel_loop3A_519 : vector<16xf32>
        %parallel_loop3A_521 = arith.minimumf %broadcast_in_dim3A_434, %parallel_loop3A_520 : vector<16xf32>
        %parallel_loop3A_522 = arith.constant 16 : i32
        %parallel_loop3A_523 = arith.muli %parallel_loop3A_504, %parallel_loop3A_522 : i32
        %parallel_loop3A_524 = arith.constant 16 : i32
        %parallel_loop3A_525 = arith.addi %parallel_loop3A_523, %parallel_loop3A_524 : i32
        %parallel_loop3A_526 = arith.index_cast %parallel_loop3A_525 : i32 to index
        %parallel_loop3A_527 = tpu.vector_load %arg10[%parallel_loop3A_526] {strides = array<i32>} : memref<1040xf32, #tpu.memory_space<vmem>>, vector<16xf32>,
        tpu.vector_store %arg10[%parallel_loop3A_526], %parallel_loop3A_521 {strides = array<i32>} : memref<1040xf32, #tpu.memory_space<vmem>>, vector<16xf32>,
        %parallel_loop3A_528 = arith.fptosi %parallel_loop3A_521 : vector<16xf32> to vector<16xi32>
        %parallel_loop3A_529 = arith.constant 16 : i32
        %parallel_loop3A_530 = vector.broadcast %parallel_loop3A_529 : i32 to vector<16xi32>
        %parallel_loop3A_531 = arith.muli %parallel_loop3A_528, %parallel_loop3A_530 : vector<16xi32>
        %parallel_loop3A_532 = arith.addi %parallel_loop3A_531, %iota3A : vector<16xi32>
        tpu.vector_store_idx %arg11[%parallel_loop3A_532], %broadcast_in_dim3A_16 {add = true} : memref<1056xi32, #tpu.memory_space<vmem>>[vector<16xi32>], vector<16xi32>,
      } {sc.loop_unroll_factor = 8 : i64, sc.parallel_access}
      %parallel_loop3A_440 = arith.constant 0 : i32
      %parallel_loop3A_441 = arith.constant 64 : i32
      %parallel_loop3A_442 = arith.constant 1 : i32
      %parallel_loop3A_443 = scf.for %parallel_loop3A_504 = %parallel_loop3A_440 to %parallel_loop3A_441 step %parallel_loop3A_442 iter_args(%parallel_loop3A_505 = %broadcast_in_dim3A_14) -> (vector<16xi32>)  : i32 {
        %parallel_loop3A_506 = arith.constant 16 : i32
        %parallel_loop3A_507 = arith.muli %parallel_loop3A_504, %parallel_loop3A_506 : i32
        %parallel_loop3A_508 = arith.index_cast %parallel_loop3A_507 : i32 to index
        %parallel_loop3A_509 = tpu.vector_load %arg11[%parallel_loop3A_508] {strides = array<i32>} : memref<1056xi32, #tpu.memory_space<vmem>>, vector<16xi32>,
        %parallel_loop3A_510 = arith.constant 16 : i32
        %parallel_loop3A_511 = arith.muli %parallel_loop3A_504, %parallel_loop3A_510 : i32
        %parallel_loop3A_512 = arith.index_cast %parallel_loop3A_511 : i32 to index
        %parallel_loop3A_513 = tpu.vector_load %arg11[%parallel_loop3A_512] {strides = array<i32>} : memref<1056xi32, #tpu.memory_space<vmem>>, vector<16xi32>,
        tpu.vector_store %arg11[%parallel_loop3A_512], %broadcast_in_dim3A_14 {strides = array<i32>} : memref<1056xi32, #tpu.memory_space<vmem>>, vector<16xi32>,
        %parallel_loop3A_514 = arith.addi %parallel_loop3A_505, %parallel_loop3A_509 : vector<16xi32>
        %parallel_loop3A_515 = arith.constant 16 : i32
        %parallel_loop3A_516 = vector.broadcast %parallel_loop3A_515 : i32 to vector<16xi32>
        %parallel_loop3A_517 = arith.muli %parallel_loop3A_514, %parallel_loop3A_516 : vector<16xi32>
        %parallel_loop3A_518 = arith.constant 16 : i32
        %parallel_loop3A_519 = vector.broadcast %parallel_loop3A_518 : i32 to vector<16xi32>
        %parallel_loop3A_520 = arith.subi %iota3A, %parallel_loop3A_519 : vector<16xi32>
        %parallel_loop3A_521 = arith.addi %parallel_loop3A_517, %parallel_loop3A_520 : vector<16xi32>
        %parallel_loop3A_522 = arith.constant 1 : i32
        %parallel_loop3A_523 = vector.broadcast %parallel_loop3A_522 : i32 to vector<16xi32>
        %parallel_loop3A_524 = arith.subi %parallel_loop3A_514, %parallel_loop3A_523 : vector<16xi32>
        %parallel_loop3A_525 = arith.addi %add3A_391, %parallel_loop3A_524 : vector<16xi32>
        %parallel_loop3A_526 = tpu.vector_load_idx %arg10[%parallel_loop3A_521] : memref<1040xf32, #tpu.memory_space<vmem>>[vector<16xi32>], vector<16xf32>,
        %parallel_loop3A_527 = arith.constant 16 : i32
        %parallel_loop3A_528 = vector.broadcast %parallel_loop3A_527 : i32 to vector<16xi32>
        %parallel_loop3A_529 = arith.addi %parallel_loop3A_521, %parallel_loop3A_528 : vector<16xi32>
        %parallel_loop3A_530 = tpu.vector_load_idx %arg10[%parallel_loop3A_529] : memref<1040xf32, #tpu.memory_space<vmem>>[vector<16xi32>], vector<16xf32>,
        %parallel_loop3A_531 = tpu.vector_load_idx %arg6[%parallel_loop3A_525] : memref<2080xf32, #tpu.memory_space<vmem>>[vector<16xi32>], vector<16xf32>,
        %parallel_loop3A_532 = arith.constant 1 : i32
        %parallel_loop3A_533 = vector.broadcast %parallel_loop3A_532 : i32 to vector<16xi32>
        %parallel_loop3A_534 = arith.addi %parallel_loop3A_525, %parallel_loop3A_533 : vector<16xi32>
        %parallel_loop3A_535 = tpu.vector_load_idx %arg6[%parallel_loop3A_534] : memref<2080xf32, #tpu.memory_space<vmem>>[vector<16xi32>], vector<16xf32>,
        %parallel_loop3A_536 = arith.constant 1 : i32
        %parallel_loop3A_537 = arith.addi %parallel_loop3A_504, %parallel_loop3A_536 : i32
        %parallel_loop3A_538 = arith.sitofp %parallel_loop3A_537 : i32 to f32
        %parallel_loop3A_539 = vector.broadcast %parallel_loop3A_538 : f32 to vector<16xf32>
        %parallel_loop3A_540 = arith.subf %parallel_loop3A_539, %parallel_loop3A_526 : vector<16xf32>
        %parallel_loop3A_541 = arith.subf %parallel_loop3A_530, %parallel_loop3A_526 : vector<16xf32>
        %parallel_loop3A_542 = arith.constant 1.000000e-30 : f32
        %parallel_loop3A_543 = vector.broadcast %parallel_loop3A_542 : f32 to vector<16xf32>
        %parallel_loop3A_544 = arith.maximumf %parallel_loop3A_541, %parallel_loop3A_543 : vector<16xf32>
        %parallel_loop3A_545 = arith.divf %parallel_loop3A_540, %parallel_loop3A_544 : vector<16xf32>
        %parallel_loop3A_546 = arith.constant 0.000000e+00 : f32
        %parallel_loop3A_547 = arith.constant 1.000000e+00 : f32
        %parallel_loop3A_548 = vector.broadcast %parallel_loop3A_546 : f32 to vector<16xf32>
        %parallel_loop3A_549 = arith.maximumf %parallel_loop3A_548, %parallel_loop3A_545 : vector<16xf32>
        %parallel_loop3A_550 = vector.broadcast %parallel_loop3A_547 : f32 to vector<16xf32>
        %parallel_loop3A_551 = arith.minimumf %parallel_loop3A_550, %parallel_loop3A_549 : vector<16xf32>
        %parallel_loop3A_552 = arith.subf %parallel_loop3A_535, %parallel_loop3A_531 : vector<16xf32>
        %parallel_loop3A_553 = arith.mulf %parallel_loop3A_551, %parallel_loop3A_552 : vector<16xf32>
        %parallel_loop3A_554 = arith.addf %parallel_loop3A_531, %parallel_loop3A_553 : vector<16xf32>
        %parallel_loop3A_555 = arith.mulf %parallel_loop3A_554, %sub3A_411 : vector<16xf32>
        %parallel_loop3A_556 = arith.addf %gather3A, %parallel_loop3A_555 : vector<16xf32>
        %parallel_loop3A_557 = vector.broadcast %parallel_loop3A_504 : i32 to vector<16xi32>
        %parallel_loop3A_558 = arith.addi %parallel_loop3A_514, %parallel_loop3A_557 : vector<16xi32>
        %parallel_loop3A_559 = arith.addi %add3A_395, %parallel_loop3A_558 : vector<16xi32>
        tpu.vector_store_idx %arg9[%parallel_loop3A_559], %parallel_loop3A_556 : memref<4128xf32, #tpu.memory_space<vmem>>[vector<16xi32>], vector<16xf32>,
        tpu.vector_store_idx %arg12[%parallel_loop3A_521], %broadcast_in_dim3A_16 {add = true} : memref<1040xi32, #tpu.memory_space<vmem>>[vector<16xi32>], vector<16xi32>,
        scf.yield %parallel_loop3A_514 : vector<16xi32>
      } {sc.loop_unroll_factor = 8 : i64, sc.parallel_access}
      %get3A = arith.constant 1024 : index
      %get3A_444 = tpu.vector_load %arg11[%get3A] {strides = array<i32>} : memref<1056xi32, #tpu.memory_space<vmem>>, vector<16xi32>,
      %add3A_445 = arith.addi %parallel_loop3A_443, %get3A_444 : vector<16xi32>
      %swap3A_446 = arith.constant 1024 : index
      %swap3A_447 = tpu.vector_load %arg11[%swap3A_446] {strides = array<i32>} : memref<1056xi32, #tpu.memory_space<vmem>>, vector<16xi32>,
      tpu.vector_store %arg11[%swap3A_446], %broadcast_in_dim3A_14 {strides = array<i32>} : memref<1056xi32, #tpu.memory_space<vmem>>, vector<16xi32>,
      %sub3A_448 = arith.constant 1 : i32
      %sub3A_449 = vector.broadcast %sub3A_448 : i32 to vector<16xi32>
      %sub3A_450 = arith.subi %add3A_445, %sub3A_449 : vector<16xi32>
      %min3A_451 = arith.minsi %add3A_445, %broadcast_in_dim3A_20 : vector<16xi32>
      %mul3A_452 = arith.constant 16 : i32
      %mul3A_453 = vector.broadcast %mul3A_452 : i32 to vector<16xi32>
      %mul3A_454 = arith.muli %sub3A_450, %mul3A_453 : vector<16xi32>
      %add3A_455 = arith.addi %mul3A_454, %iota3A : vector<16xi32>
      %gather3A_456 = tpu.vector_load_idx %arg10[%add3A_455] : memref<1040xf32, #tpu.memory_space<vmem>>[vector<16xi32>], vector<16xf32>,
      %mul3A_457 = arith.constant 16 : i32
      %mul3A_458 = vector.broadcast %mul3A_457 : i32 to vector<16xi32>
      %mul3A_459 = arith.muli %min3A_451, %mul3A_458 : vector<16xi32>
      %add3A_460 = arith.addi %mul3A_459, %iota3A : vector<16xi32>
      %gather3A_461 = tpu.vector_load_idx %arg10[%add3A_460] : memref<1040xf32, #tpu.memory_space<vmem>>[vector<16xi32>], vector<16xf32>,
      %add3A_462 = arith.addi %add3A_391, %sub3A_450 : vector<16xi32>
      %gather3A_463 = tpu.vector_load_idx %arg6[%add3A_462] : memref<2080xf32, #tpu.memory_space<vmem>>[vector<16xi32>], vector<16xf32>,
      %add3A_464 = arith.addi %add3A_391, %min3A_451 : vector<16xi32>
      %gather3A_465 = tpu.vector_load_idx %arg6[%add3A_464] : memref<2080xf32, #tpu.memory_space<vmem>>[vector<16xi32>], vector<16xf32>,
      %broadcast_in_dim3A_466 = arith.constant 6.500000e+01 : f32
      %broadcast_in_dim3A_467 = vector.broadcast %broadcast_in_dim3A_466 : f32 to vector<16xf32>
      %sub3A_468 = arith.subf %broadcast_in_dim3A_467, %gather3A_456 : vector<16xf32>
      %sub3A_469 = arith.subf %gather3A_461, %gather3A_456 : vector<16xf32>
      %max3A_470 = arith.constant 1.000000e-30 : f32
      %max3A_471 = vector.broadcast %max3A_470 : f32 to vector<16xf32>
      %max3A_472 = arith.maximumf %sub3A_469, %max3A_471 : vector<16xf32>
      %div3A_473 = arith.divf %sub3A_468, %max3A_472 : vector<16xf32>
      %jit3A = arith.constant 0.000000e+00 : f32
      %jit3A_474 = arith.constant 1.000000e+00 : f32
      %max3A_475 = vector.broadcast %jit3A : f32 to vector<16xf32>
      %max3A_476 = arith.maximumf %max3A_475, %div3A_473 : vector<16xf32>
      %min3A_477 = vector.broadcast %jit3A_474 : f32 to vector<16xf32>
      %min3A_478 = arith.minimumf %min3A_477, %max3A_476 : vector<16xf32>
      %sub3A_479 = arith.subf %gather3A_465, %gather3A_463 : vector<16xf32>
      %mul3A_480 = arith.mulf %min3A_478, %sub3A_479 : vector<16xf32>
      %add3A_481 = arith.addf %gather3A_463, %mul3A_480 : vector<16xf32>
      %add3A_482 = arith.constant 64 : i32
      %add3A_483 = vector.broadcast %add3A_482 : i32 to vector<16xi32>
      %add3A_484 = arith.addi %add3A_391, %add3A_483 : vector<16xi32>
      %gather3A_485 = tpu.vector_load_idx %arg6[%add3A_484] : memref<2080xf32, #tpu.memory_space<vmem>>[vector<16xi32>], vector<16xf32>,
      %max3A_486 = arith.maximumf %gather3A_485, %add3A_481 : vector<16xf32>
      %mul3A_487 = arith.mulf %max3A_486, %sub3A_411 : vector<16xf32>
      %add3A_488 = arith.addf %gather3A, %mul3A_487 : vector<16xf32>
      %add3A_489 = arith.constant 128 : i32
      %add3A_490 = vector.broadcast %add3A_489 : i32 to vector<16xi32>
      %add3A_491 = arith.addi %add3A_395, %add3A_490 : vector<16xi32>
      tpu.vector_store_idx %arg9[%add3A_491], %add3A_488 : memref<4128xf32, #tpu.memory_space<vmem>>[vector<16xi32>], vector<16xf32>,
      %parallel_loop3A_492 = arith.constant 0 : i32
      %parallel_loop3A_493 = arith.constant 64 : i32
      %parallel_loop3A_494 = arith.constant 1 : i32
      %parallel_loop3A_495 = scf.for %parallel_loop3A_504 = %parallel_loop3A_492 to %parallel_loop3A_493 step %parallel_loop3A_494 iter_args(%parallel_loop3A_505 = %broadcast_in_dim3A_14) -> (vector<16xi32>)  : i32 {
        %parallel_loop3A_506 = vector.broadcast %parallel_loop3A_504 : i32 to vector<16xi32>
        %parallel_loop3A_507 = arith.addi %parallel_loop3A_505, %parallel_loop3A_506 : vector<16xi32>
        %parallel_loop3A_508 = vector.broadcast %parallel_loop3A_504 : i32 to vector<16xi32>
        %parallel_loop3A_509 = arith.addi %add3A_391, %parallel_loop3A_508 : vector<16xi32>
        %parallel_loop3A_510 = tpu.vector_load_idx %arg6[%parallel_loop3A_509] : memref<2080xf32, #tpu.memory_space<vmem>>[vector<16xi32>], vector<16xf32>,
        %parallel_loop3A_511 = arith.mulf %parallel_loop3A_510, %sub3A_411 : vector<16xf32>
        %parallel_loop3A_512 = arith.addf %gather3A, %parallel_loop3A_511 : vector<16xf32>
        %parallel_loop3A_513 = arith.addi %add3A_395, %parallel_loop3A_507 : vector<16xi32>
        tpu.vector_store_idx %arg9[%parallel_loop3A_513], %parallel_loop3A_512 : memref<4128xf32, #tpu.memory_space<vmem>>[vector<16xi32>], vector<16xf32>,
        %parallel_loop3A_514 = arith.constant 16 : i32
        %parallel_loop3A_515 = arith.muli %parallel_loop3A_504, %parallel_loop3A_514 : i32
        %parallel_loop3A_516 = arith.index_cast %parallel_loop3A_515 : i32 to index
        %parallel_loop3A_517 = tpu.vector_load %arg12[%parallel_loop3A_516] {strides = array<i32>} : memref<1040xi32, #tpu.memory_space<vmem>>, vector<16xi32>,
        %parallel_loop3A_518 = arith.constant 16 : i32
        %parallel_loop3A_519 = arith.muli %parallel_loop3A_504, %parallel_loop3A_518 : i32
        %parallel_loop3A_520 = arith.index_cast %parallel_loop3A_519 : i32 to index
        %parallel_loop3A_521 = tpu.vector_load %arg12[%parallel_loop3A_520] {strides = array<i32>} : memref<1040xi32, #tpu.memory_space<vmem>>, vector<16xi32>,
        tpu.vector_store %arg12[%parallel_loop3A_520], %broadcast_in_dim3A_14 {strides = array<i32>} : memref<1040xi32, #tpu.memory_space<vmem>>, vector<16xi32>,
        %parallel_loop3A_522 = arith.addi %parallel_loop3A_505, %parallel_loop3A_517 : vector<16xi32>
        scf.yield %parallel_loop3A_522 : vector<16xi32>
      } {sc.loop_unroll_factor = 8 : i64, sc.parallel_access}
      %convert_element_type3A_496 = arith.extui %eq3A_362 : i1 to i32
      %cond3A_497 = arith.constant 0 : i32
      %cond3A_498 = arith.cmpi ne, %convert_element_type3A_496, %cond3A_497 : i32
      scf.if %cond3A_498 {
        %add3A_504 = arith.addi %mul3A_11, %scan3A_360 : i32
        %mul3A_505 = arith.constant 2064 : i32
        %mul3A_506 = arith.muli %add3A_504, %mul3A_505 : i32
        %dma_start3A_507 = arith.constant 0 : i32
        %dma_start3A_508 = tpu.memref_slice %arg9[%dma_start3A_507] : memref<4128xf32, #tpu.memory_space<vmem>> -> memref<2064xf32, #tpu.memory_space<vmem>>
        %dma_start3A_509 = tpu.memref_slice %arg5[%mul3A_506] : memref<8454144xf32, #tpu.memory_space<hbm>> -> memref<2064xf32, #tpu.memory_space<hbm>>
        %dma_start3A_510 = tpu.memref_slice %arg5[%mul3A_506] : memref<8454144xf32, #tpu.memory_space<hbm>> -> memref<2064xf32, #tpu.memory_space<hbm>>
        %dma_start3A_511 = arith.constant 0 : i32
        %dma_start3A_512 = tpu.memref_slice %arg9[%dma_start3A_511] : memref<4128xf32, #tpu.memory_space<vmem>> -> memref<2064xf32, #tpu.memory_space<vmem>>
        tpu.enqueue_dma source(%dma_start3A_512 : memref<2064xf32, #tpu.memory_space<vmem>>) target(%dma_start3A_510 : memref<2064xf32, #tpu.memory_space<hbm>>) target_semaphore(%arg15 : memref<!tpu.dma_semaphore, #tpu.memory_space<semaphore_mem>>)
      } else {
      }
      %not3A_499 = arith.constant true
      %not3A_500 = arith.xori %eq3A_362, %not3A_499 : i1
      %convert_element_type3A_501 = arith.extui %not3A_500 : i1 to i32
      %cond3A_502 = arith.constant 0 : i32
      %cond3A_503 = arith.cmpi ne, %convert_element_type3A_501, %cond3A_502 : i32
      scf.if %cond3A_503 {
        %add3A_504 = arith.addi %mul3A_11, %scan3A_360 : i32
        %mul3A_505 = arith.constant 2064 : i32
        %mul3A_506 = arith.muli %add3A_504, %mul3A_505 : i32
        %dma_start3A_507 = arith.constant 2064 : i32
        %dma_start3A_508 = tpu.memref_slice %arg9[%dma_start3A_507] : memref<4128xf32, #tpu.memory_space<vmem>> -> memref<2064xf32, #tpu.memory_space<vmem>>
        %dma_start3A_509 = tpu.memref_slice %arg5[%mul3A_506] : memref<8454144xf32, #tpu.memory_space<hbm>> -> memref<2064xf32, #tpu.memory_space<hbm>>
        %dma_start3A_510 = tpu.memref_slice %arg5[%mul3A_506] : memref<8454144xf32, #tpu.memory_space<hbm>> -> memref<2064xf32, #tpu.memory_space<hbm>>
        %dma_start3A_511 = arith.constant 2064 : i32
        %dma_start3A_512 = tpu.memref_slice %arg9[%dma_start3A_511] : memref<4128xf32, #tpu.memory_space<vmem>> -> memref<2064xf32, #tpu.memory_space<vmem>>
        tpu.enqueue_dma source(%dma_start3A_512 : memref<2064xf32, #tpu.memory_space<vmem>>) target(%dma_start3A_510 : memref<2064xf32, #tpu.memory_space<hbm>>) target_semaphore(%arg16 : memref<!tpu.dma_semaphore, #tpu.memory_space<semaphore_mem>>)
      } else {
      }
    }
    %scan3A_311 = arith.constant 128 : i32
    %add3A_312 = arith.constant 128 : i32
    %add3A_313 = arith.addi %mul3A_11, %add3A_312 : i32
    %sub3A = arith.constant 2 : i32
    %sub3A_314 = arith.subi %add3A_313, %sub3A : i32
    %mul3A_315 = arith.constant 2064 : i32
    %mul3A_316 = arith.muli %sub3A_314, %mul3A_315 : i32
    %dma_wait3A = arith.constant 0 : i32
    %dma_wait3A_317 = tpu.memref_slice %arg9[%dma_wait3A] : memref<4128xf32, #tpu.memory_space<vmem>> -> memref<2064xf32, #tpu.memory_space<vmem>>
    %dma_wait3A_318 = tpu.memref_slice %arg5[%mul3A_316] : memref<8454144xf32, #tpu.memory_space<hbm>> -> memref<2064xf32, #tpu.memory_space<hbm>>
    %dma_wait3A_319 = tpu.memref_slice %arg5[%mul3A_316] : memref<8454144xf32, #tpu.memory_space<hbm>> -> memref<2064xf32, #tpu.memory_space<hbm>>
    %dma_wait3A_320 = arith.constant 0 : i32
    %dma_wait3A_321 = tpu.memref_slice %arg9[%dma_wait3A_320] : memref<4128xf32, #tpu.memory_space<vmem>> -> memref<2064xf32, #tpu.memory_space<vmem>>
    tpu.wait_dma2 semaphore(%arg15 : memref<!tpu.dma_semaphore, #tpu.memory_space<semaphore_mem>>) src(%dma_wait3A_321 : memref<2064xf32, #tpu.memory_space<vmem>>) dst(%dma_wait3A_319 : memref<2064xf32, #tpu.memory_space<hbm>>)
    %add3A_322 = arith.constant 128 : i32
    %add3A_323 = arith.addi %mul3A_11, %add3A_322 : i32
    %sub3A_324 = arith.constant 1 : i32
    %sub3A_325 = arith.subi %add3A_323, %sub3A_324 : i32
    %mul3A_326 = arith.constant 2064 : i32
    %mul3A_327 = arith.muli %sub3A_325, %mul3A_326 : i32
    %dma_wait3A_328 = arith.constant 2064 : i32
    %dma_wait3A_329 = tpu.memref_slice %arg9[%dma_wait3A_328] : memref<4128xf32, #tpu.memory_space<vmem>> -> memref<2064xf32, #tpu.memory_space<vmem>>
    %dma_wait3A_330 = tpu.memref_slice %arg5[%mul3A_327] : memref<8454144xf32, #tpu.memory_space<hbm>> -> memref<2064xf32, #tpu.memory_space<hbm>>
    %dma_wait3A_331 = tpu.memref_slice %arg5[%mul3A_327] : memref<8454144xf32, #tpu.memory_space<hbm>> -> memref<2064xf32, #tpu.memory_space<hbm>>
    %dma_wait3A_332 = arith.constant 2064 : i32
    %dma_wait3A_333 = tpu.memref_slice %arg9[%dma_wait3A_332] : memref<4128xf32, #tpu.memory_space<vmem>> -> memref<2064xf32, #tpu.memory_space<vmem>>
    tpu.wait_dma2 semaphore(%arg16 : memref<!tpu.dma_semaphore, #tpu.memory_space<semaphore_mem>>) src(%dma_wait3A_333 : memref<2064xf32, #tpu.memory_space<vmem>>) dst(%dma_wait3A_331 : memref<2064xf32, #tpu.memory_space<hbm>>)
    %add3A_334 = arith.constant 127 : i32
    %add3A_335 = arith.addi %mul3A_11, %add3A_334 : i32
    %mul3A_336 = arith.constant 1040 : i32
    %mul3A_337 = arith.muli %add3A_335, %mul3A_336 : i32
    %mul3A_338 = arith.constant 1024 : i32
    %mul3A_339 = arith.muli %add3A_335, %mul3A_338 : i32
    %mul3A_340 = arith.constant 32 : i32
    %mul3A_341 = arith.muli %add3A_335, %mul3A_340 : i32
    %dma_wait3A_342 = arith.constant 0 : i32
    %dma_wait3A_343 = tpu.memref_slice %arg6[%dma_wait3A_342] : memref<2080xf32, #tpu.memory_space<vmem>> -> memref<1040xf32, #tpu.memory_space<vmem>>
    %dma_wait3A_344 = tpu.memref_slice %arg2[%mul3A_337] : memref<4259840xf32, #tpu.memory_space<hbm>> -> memref<1040xf32, #tpu.memory_space<hbm>>
    %dma_wait3A_345 = arith.constant 0 : i32
    %dma_wait3A_346 = tpu.memref_slice %arg6[%dma_wait3A_345] : memref<2080xf32, #tpu.memory_space<vmem>> -> memref<1040xf32, #tpu.memory_space<vmem>>
    %dma_wait3A_347 = tpu.memref_slice %arg2[%mul3A_337] : memref<4259840xf32, #tpu.memory_space<hbm>> -> memref<1040xf32, #tpu.memory_space<hbm>>
    tpu.wait_dma2 semaphore(%arg13 : memref<!tpu.dma_semaphore, #tpu.memory_space<semaphore_mem>>) src(%dma_wait3A_347 : memref<1040xf32, #tpu.memory_space<hbm>>) dst(%dma_wait3A_346 : memref<1040xf32, #tpu.memory_space<vmem>>)
    %dma_wait3A_348 = arith.constant 0 : i32
    %dma_wait3A_349 = tpu.memref_slice %arg7[%dma_wait3A_348] : memref<2048xf32, #tpu.memory_space<vmem>> -> memref<1024xf32, #tpu.memory_space<vmem>>
    %dma_wait3A_350 = tpu.memref_slice %arg3[%mul3A_339] : memref<4194304xf32, #tpu.memory_space<hbm>> -> memref<1024xf32, #tpu.memory_space<hbm>>
    %dma_wait3A_351 = arith.constant 0 : i32
    %dma_wait3A_352 = tpu.memref_slice %arg7[%dma_wait3A_351] : memref<2048xf32, #tpu.memory_space<vmem>> -> memref<1024xf32, #tpu.memory_space<vmem>>
    %dma_wait3A_353 = tpu.memref_slice %arg3[%mul3A_339] : memref<4194304xf32, #tpu.memory_space<hbm>> -> memref<1024xf32, #tpu.memory_space<hbm>>
    tpu.wait_dma2 semaphore(%arg13 : memref<!tpu.dma_semaphore, #tpu.memory_space<semaphore_mem>>) src(%dma_wait3A_353 : memref<1024xf32, #tpu.memory_space<hbm>>) dst(%dma_wait3A_352 : memref<1024xf32, #tpu.memory_space<vmem>>)
    %dma_wait3A_354 = arith.constant 0 : i32
    %dma_wait3A_355 = tpu.memref_slice %arg8[%dma_wait3A_354] : memref<64xf32, #tpu.memory_space<vmem>> -> memref<32xf32, #tpu.memory_space<vmem>>
    %dma_wait3A_356 = tpu.memref_slice %arg4[%mul3A_341] : memref<131072xf32, #tpu.memory_space<hbm>> -> memref<32xf32, #tpu.memory_space<hbm>>
    %dma_wait3A_357 = arith.constant 0 : i32
    %dma_wait3A_358 = tpu.memref_slice %arg8[%dma_wait3A_357] : memref<64xf32, #tpu.memory_space<vmem>> -> memref<32xf32, #tpu.memory_space<vmem>>
    %dma_wait3A_359 = tpu.memref_slice %arg4[%mul3A_341] : memref<131072xf32, #tpu.memory_space<hbm>> -> memref<32xf32, #tpu.memory_space<hbm>>
    tpu.wait_dma2 semaphore(%arg13 : memref<!tpu.dma_semaphore, #tpu.memory_space<semaphore_mem>>) src(%dma_wait3A_359 : memref<32xf32, #tpu.memory_space<hbm>>) dst(%dma_wait3A_358 : memref<32xf32, #tpu.memory_space<vmem>>)
    return
  }
}

</mosaic_0001>

<sc_bundles>
// kernel: kernel.3.cloned.1.call-start
scs
__scs_entry_jumppad:
0x0: {  	(pc) =	sbr.rel $0x88, $3  }
0x1: {  	(tag) =	ssettag $0x0;
	lr =	simm.s32 $0x1  }
0x2: {  	[smem:$0x3F9D] =	sst lr;
	_ =	strace $0xD0000000  }
0x3: {  	_ = 	snop  }
0x4: {  	_ = 	snop  }
0x5: {  	_ = 	snop  }
0x6: {  	_ = 	snop  }
0x7: {  	_ = 	snop  }
__scs_overlays_trampoline_lowered:
0x8: {  	[smem:$0x3FAC] =	sst s0  }
0x9: {  	[smem:$0x3FAD] =	sst s1  }
0xa: {  	[smem:$0x3FAE] =	sst s2  }
0xb: {  	[smem:$0x3FAF] =	sst s3  }
0xc: {  	[smem:$0x3FB0] =	sst s4  }
0xd: {  	[smem:$0x3FB1] =	sst s5  }
0xe: {  	[smem:$0x3FB2] =	sst s6  }
0xf: {  	[smem:$0x3FB3] =	sst s7  }
0x10: {  	[smem:$0x3FB4] =	sst s8  }
0x11: {  	[smem:$0x3FB5] =	sst s9;
	s0 =	simm.s32 @!p0 $0x0  }
0x12: {  	s1 =	sld [smem:$0x3F9B];
	s0 =	simm.s32 @p0 $0x1  }
0x13: {  	[smem:$0x3FB6] =	sst s0;
	s0 =	simm.s32 @!p1 $0x0  }
0x14: {  	s2 =	sld [smem:$0x3F9A];
	s0 =	simm.s32 @p1 $0x1  }
0x15: {  	[smem:$0x3FB7] =	sst s0;
	s0 =	simm.s32 @!p2 $0x0  }
0x16: {  	s3 =	sld [smem:$0x3FDB];
	s0 =	simm.s32 @p2 $0x1  }
0x17: {  	s4 =	simm.s32 $0x1BF5;
	[smem:$0x3FB9] =	sst s0  }
0x18: {  	s0 =	sld [smem:$0x3F9C];
	_ =	swait.ge [sflag:s4], $0x0  }
0x19: {  	s7 =	sld [smem:$0x3F9D]  }
0x1a: {  	s8 =	sadd.s32 $0xFFFFE003, lr  }
0x1b: {  	s9 =	sadd.s32 $0xFFFFFEF7, lr;
	s5 =	simm.s32 $0xFFFFFFFF;
	p2 =	slt.u32 s8, $0xFFFFF086  }
0x1c: {  	p1 =	slt.u32 s9, $0xF7A;
	s5 =	simm.s32 @!p2 $0x0  }
0x1d: {  	s5 =	simm.s32 @p1 $0x1;
	p0 =	seq.s32 s7, s2  }
0x1e: {  	s7 =	smul.u32 @!p0 $0xF7A, s2;
	p2 =	seq.s32 @!p0 s5, $0x0  }
0x1f: {  	s9 =	smul.u32 $0xF7A, s1;
	s8 =	simm.s32 @!p0 $0x1BF5;
	p2 =	por !p2, p0  }
0x20: {  	[sflag:s8] =	ssyncset.s32 @!p0 $0xFFFFF086;
	s6 =	sadd.s32 @!p0 s3, s7;
	s7 =	simm.s32 @!p0 $0x108  }
0x21: {  	s3 =	sadd.s32 s3, s9;
	s6 =	sadd.s32 @!p0 $0x88, s6;
	s7 =	simm.s32 @p2 $0x1082  }
0x22: {  	[simem:s7], [sflag:s8] =	dma.local @!p0 [hbm:s6], $0xF7A  }
0x23: {  	s9 =	sor.u32 $0xD0000000, s2;
	s6 =	simm.s32 $0x108;
	_ =	swait.ge @!p0 [sflag:s8], $0x0  }
0x24: {  	s3 =	sadd.s32 $0x88, s3;
	s6 =	simm.s32 @!p1 $0x1082;
	[sflag:s4] =	ssyncset.s32 $0xFFFFF086  }
0x25: {  	[simem:s6], [sflag:s4] =	dma.local [hbm:s3], $0xF7A  }
0x26: {  	[smem:$0x3F9D] =	sst s1;
	(tag) =	ssettag s2;
	_ =	strace s9  }
0x27: {  	s1 =	sld [smem:$0x3FAD]  }
0x28: {  	s2 =	sld [smem:$0x3FAE]  }
0x29: {  	s4 =	sld [smem:$0x3FB0]  }
0x2a: {  	p0 =	seq.s32 s5, $0x0;
	s5 =	sld [smem:$0x3FB1]  }
0x2b: {  	s6 =	sld [smem:$0x3FB2]  }
0x2c: {  	s7 =	sld [smem:$0x3FB3]  }
0x2d: {  	s3 =	simm.s32 $0x108;
	s8 =	sld [smem:$0x3FB4]  }
0x2e: {  	s3 =	simm.s32 @!p0 $0x1082;
	s9 =	sld [smem:$0x3FB5]  }
0x2f: {  	lr =	sadd.s32 s0, s3;
	s0 =	sld [smem:$0x3FAC]  }
0x30: {  	s3 =	sld [smem:$0x3FAF]  }
0x31: {  	[smem:$0x3FB8] =	sst s10  }
0x32: {  	s10 =	sld [smem:$0x3FB6];
	_ =	sdelay $0x3  }
0x33: {  	p0 =	seq.s32 s10, $0x1;
	s10 =	sld [smem:$0x3FB8];
	_ =	sdelay $0x3  }
0x34: {  	[smem:$0x3FB8] =	sst s10  }
0x35: {  	s10 =	sld [smem:$0x3FB7];
	_ =	sdelay $0x3  }
0x36: {  	p1 =	seq.s32 s10, $0x1;
	s10 =	sld [smem:$0x3FB8];
	_ =	sdelay $0x3  }
0x37: {  	[smem:$0x3FB8] =	sst s10  }
0x38: {  	s10 =	sld [smem:$0x3FB9]  }
0x39: {  	_ = 	snop;
	(pc) =	sbr.ind lr, $3  }
0x3a: {  	_ = 	snop  }
0x3b: {  	_ = 	snop  }
0x3c: {  	p2 =	seq.s32 s10, $0x1;
	s10 =	sld [smem:$0x3FB8]  }
0x3d: {  	_ =	shalt  }
0x3e: {  	_ =	shalt  }
0x3f: {  	_ =	shalt  }
0x40: {  	_ =	shalt  }
0x41: {  	_ =	shalt  }
0x42: {  	_ =	shalt  }
0x43: {  	_ =	shalt  }
0x44: {  	_ =	shalt  }
0x45: {  	_ =	shalt  }
0x46: {  	_ =	shalt  }
0x47: {  	_ =	shalt  }
0x48: {  	_ =	shalt  }
0x49: {  	_ =	shalt  }
0x4a: {  	_ =	shalt  }
0x4b: {  	_ =	shalt  }
0x4c: {  	_ =	shalt  }
0x4d: {  	_ =	shalt  }
0x4e: {  	_ =	shalt  }
0x4f: {  	_ =	shalt  }
0x50: {  	_ =	shalt  }
0x51: {  	_ =	shalt  }
0x52: {  	_ =	shalt  }
0x53: {  	_ =	shalt  }
0x54: {  	_ =	shalt  }
0x55: {  	_ =	shalt  }
0x56: {  	_ =	shalt  }
0x57: {  	_ =	shalt  }
0x58: {  	_ =	shalt  }
0x59: {  	_ =	shalt  }
0x5a: {  	_ =	shalt  }
0x5b: {  	_ =	shalt  }
0x5c: {  	_ =	shalt  }
0x5d: {  	_ =	shalt  }
0x5e: {  	_ =	shalt  }
0x5f: {  	_ =	shalt  }
0x60: {  	_ =	shalt  }
0x61: {  	_ =	shalt  }
0x62: {  	_ =	shalt  }
0x63: {  	_ =	shalt  }
0x64: {  	_ =	shalt  }
0x65: {  	_ =	shalt  }
0x66: {  	_ =	shalt  }
0x67: {  	_ =	shalt  }
0x68: {  	_ =	shalt  }
0x69: {  	_ =	shalt  }
0x6a: {  	_ =	shalt  }
0x6b: {  	_ =	shalt  }
0x6c: {  	_ =	shalt  }
0x6d: {  	_ =	shalt  }
0x6e: {  	_ =	shalt  }
0x6f: {  	_ =	shalt  }
0x70: {  	_ =	shalt  }
0x71: {  	_ =	shalt  }
0x72: {  	_ =	shalt  }
0x73: {  	_ =	shalt  }
0x74: {  	_ =	shalt  }
0x75: {  	_ =	shalt  }
0x76: {  	_ =	shalt  }
0x77: {  	_ =	shalt  }
0x78: {  	_ =	shalt  }
0x79: {  	_ =	shalt  }
0x7a: {  	_ =	shalt  }
0x7b: {  	_ =	shalt  }
0x7c: {  	_ =	shalt  }
0x7d: {  	_ =	shalt  }
0x7e: {  	_ =	shalt  }
0x7f: {  	_ =	shalt  }
0x80: {  	_ =	shalt  }
0x81: {  	_ =	shalt  }
0x82: {  	_ =	shalt  }
0x83: {  	_ =	shalt  }
0x84: {  	_ =	shalt  }
0x85: {  	_ =	shalt  }
0x86: {  	_ =	shalt  }
0x87: {  	_ =	shalt  }
.Lfunc_end0:
.L_simem_size_0:
called_computation.1_lowered:
.L_overlay_start_0:
0x88: {  	s2 =	sld [smem:$0x3FD9]  }
0x89: {  	s3 =	sld [smem:$0x3FFE];
	_ =	sdelay $0x1  }
0x8a: {  	s1 =	srdreg.scid  }
0x8b: {  	s0 =	sand.u32 $0x1, s1  }
0x8c: {  	s17 =	sshll.u32 s0, $0xA;
	s2 =	sadd.s32 s3, s2  }
0x8d: {  	s2 =	sadd.s32 s2, s17  }
0x8e: {  	[smem:$0x3FC4] =	sst s2  }
0x8f: {  	_ = 	snop  }
0x90: {  	s2 =	sld [smem:$0x3FD0];
	(tm) =	ssettm $0x1  }
0x91: {  	s18 =	sld [smem:$0x3FFB];
	_ =	sdelay $0x3  }
0x92: {  	_ =	strace s18  }
0x93: {  	s3 =	sld [smem:$0x3FFC];
	_ =	sdelay $0x3  }
0x94: {  	_ =	strace s3  }
0x95: {  	s3 =	sld [smem:$0x3FFD];
	_ =	sdelay $0x3  }
0x96: {  	_ =	strace s3  }
0x97: {  	_ =	strace $0x8FFFFFFF  }
0x98: {  	s19 =	sld [smem:$0x3FDB];
	_ =	sdelay $0x1  }
0x99: {  	s4 =	simm.s32 $_scs_section_size  }
0x9a: {  	s5 =	simm.s32 $_size__tile_overlayer_lowered;
	s6 =	simm.s32 $_tile_overlayer_lowered  }
0x9b: {  	s22 =	simm.s32 $0x1BFF;
	s21 =	sshll.u32 s6, $0x1;
	s3 =	sadd.s32 s4, s19  }
0x9c: {  	s7 =	simm.s32 $0x0;
	s20 =	sshll.u32 s5, $0x1;
	s5 =	sadd.s32 s21, s3  }
0x9d: {  	[timem:s7], [sflag:s22] =	dma.local [hbm:s5], s20  }
0x9e: {  	_ =	swait.ge [sflag:s22], s20  }
0x9f: {  	s4 =	ssub.s32 $0x0, s20;
	[sflag:s22] =	ssyncset.done $0x0  }
0xa0: {  	[sflag:s22] =	ssyncadd.s32 s4;
	_ =	sdelay $0x1  }
0xa1: {  	s23 =	simm.s32 $0x1B8B  }
0xa2: {  	_ =	swait.ge [sflag:s23], $0x1  }
0xa3: {  	[sflag:s23] =	ssyncset.done $0x0  }
0xa4: {  	s25 =	simm.s32 $0x1B8E;
	s24 =	sld [smem:$0x3FFE];
	[sflag:s23] =	ssyncadd.s32 $0xFFFFFFFF  }
0xa5: {  	s26 =	simm.s32 $execute0_lowered;
	[smem:$0x3FD2] =	sst s25  }
0xa6: {  	s5 =	sshll.u32 s26, $0x1;
	_ =	strace $0x80000046;
	[dreg:$0x1] =	wrdreg $0xFFFFFFFF  }
0xa7: {  	s28 =	simm.s32 $_size_execute0_lowered;
	s3 =	sadd.s32 s3, s5;
	[dreg:$0x0] =	wrdreg $0x0  }
0xa8: {  	s5 =	sshll.u32 s28, $0x1;
	[dreg:$0x2] =	wrdreg s3  }
0xa9: {  	[dreg:$0x3] =	wrdreg s5  }
0xaa: {  	[dreg:$0x4] =	wrdreg $0xC0  }
0xab: {  	_ =	task [dreg:s7], $0x5FFFF  }
0xac: {  	[dreg:$0x1] =	wrdreg $0xFFFFFFFF  }
0xad: {  	[dreg:$0x0] =	wrdreg $0x60  }
0xae: {  	[dreg:$0x2] =	wrdreg s24  }
0xaf: {  	[dreg:$0x3] =	wrdreg s2  }
0xb0: {  	[dreg:$0x4] =	wrdreg $0x9  }
0xb1: {  	_ =	task.clear_ibuf [dreg:s7], $0x5FFFF;
	_ =	strace $0x90000046  }
0xb2: {  	s29 =	simm.s32 $0x9;
	_ =	strace $0x80000048  }
0xb3: {  	_ =	swait.ge [sflag:s29], $0x1  }
0xb4: {  	[sflag:s29] =	ssyncadd.s32 $0xFFFFFFFF  }
0xb5: {  	_ =	strace $0x90000048  }
0xb6: {  	_ =	sfence  }
0xb7: {  	s30 =	sld [smem:$0x0];
	_ =	sdelay $0x2  }
0xb8: {  	s31 =	sshll.u32 s1, $0xD;
	s1 =	sshrl.u32 s1, $0x2  }
0xb9: {  	s3 =	sand.u32 $0x4000, s31;
	s1 =	sadd.s32 s1, s30  }
0xba: {  	s0 =	sor.u32 s3, s0;
	s1 =	sshll.u32 s1, $0x11  }
0xbb: {  	s0 =	sor.u32 s1, s0  }
0xbc: {  	s0 =	sadd.s32 $0x8F2B, s0  }
0xbd: {  	[sflag:s0] =	ssyncadd.remote.s32 $0x1  }
0xbe: {  	_ =	sfence.sel $0xFFFF  }
0xbf: {  	[dreg:$0x0] =	wrdreg $0xFFFFFFFF;
	(pc) =	sbr.abs _section_cstart, $3  }
0xc0: {  	[dreg:$0x1] =	wrdreg $0xFFFFFFFF  }
0xc1: {  	_ =	task.clear_ibuf [dreg:s7], $0x2FFFF;
	_ =	strace $0x9FFFFFFF  }
0xc2: {  	(tm) =	ssettm $0x7FFFFFFF  }
0xc3: {  	_ =	shalt  }
tec
execute0_lowered:
.L_overlay_start_1:
0x0: {  	(tag) =	ssettag $0x1  }
0x1: {  	s0 =	rddreg [dreg:$0x0]  }
0x2: {  	s1 =	rddreg [dreg:$0x1];
	s2 =	simm.s32 $0x0  }
0x3: {  	s3 =	srdreg.scid;
	s7 =	stileid.u32;
	s12 =	simm.s32 $0x880  }
0x4: {  	s13 =	simm.s32 $0x1080;
	s14 =	simm.s32 $0x2600;
	s15 =	simm.s32 $0x2180  }
0x5: {  	s16 =	simm.s32 $0x1100;
	s17 =	simm.s32 $0x2A80;
	s18 =	simm.s32 $0x3  }
0x6: {  	v42 =	vlaneseq.u32;
	s19 =	simm.s32 $0x4;
	s20 =	simm.s32 $0x1;
	s21 =	simm.s32 $0x0  }
0x7: {  	[smem:$0x7FF] =	sst s2;
	s3 =	sand.u32 $0x1, s3;
	s4 =	sadd.s32 $0x6C00, s0;
	v0 =	vmul.u32 $0x40, v42  }
0x8: {  	s5 =	sadd.s32 $0x88C00, s0;
	v62 =	vmul.u32 $0x2, v42;
	_ =	strace $0x80000047;
	s6 =	sshll.u32 s3, $0x4  }
0x9: {  	v6 =	vmul.u32 $0x41, v42;
	s3 =	ssub.s32 $0x2, s3;
	s8 =	sor.u32 s7, s6;
	s6 =	sadd.s32 $0x2C00, s0;
	[tilespmem:$0x1FFB0] =	vst v0  }
0xa: {  	v9 =	vmul.u32 $0x81, v42;
	s29 =	sshrl.u32 s3, $0x1;
	[tilespmem:$0x1FFC0] =	vst v62;
	s9 =	smul.u32 $0x4100, s8;
	s30 =	sshll.u32 s8, $0xE  }
0xb: {  	[tilespmem:$0x1FFE0] =	vst v6;
	s0 =	ssub.s32 s3, s29;
	s7 =	sshll.u32 s8, $0x7;
	s3 =	sadd.s32 s5, s30  }
0xc: {  	v63 =	vadd.s32 $0xFFFFFFFF, v6;
	[tilespmem:$0x1FFF0] =	vst v9;
	s31 =	sshll.u32 s8, $0x9;
	s9 =	sadd.s32 s4, s9;
	[dreg:$0x4] =	wrdreg s3  }
0xd: {  	v43 =	vimm.s32 $0x0;
	v36 =	vimm.s32 $0x1;
	v10 =	vor.u32 $0xFFFFFFF0, v42;
	[tilespmem:$0x1FFD0] =	vst v63;
	s10 =	sadd.s32 s6, s31;
	s11 =	smax.u32 s0, $0x1;
	[dreg:$0x3] =	wrdreg s9  }
.LBB2_1:
0xe: {  	[tilespmem:$0x2600] =	vst v43  }
0xf: {  	[tilespmem:$0x2610] =	vst v43  }
0x10: {  	[tilespmem:$0x2620] =	vst v43  }
0x11: {  	[tilespmem:$0x2630] =	vst v43  }
0x12: {  	[tilespmem:$0x2640] =	vst v43  }
0x13: {  	[tilespmem:$0x2650] =	vst v43  }
0x14: {  	[tilespmem:$0x2660] =	vst v43  }
0x15: {  	[tilespmem:$0x2670] =	vst v43  }
0x16: {  	[tilespmem:$0x2680] =	vst v43  }
0x17: {  	[tilespmem:$0x2690] =	vst v43  }
0x18: {  	[tilespmem:$0x26A0] =	vst v43  }
0x19: {  	[tilespmem:$0x26B0] =	vst v43  }
0x1a: {  	[tilespmem:$0x26C0] =	vst v43  }
0x1b: {  	[tilespmem:$0x26D0] =	vst v43  }
0x1c: {  	[tilespmem:$0x26E0] =	vst v43  }
0x1d: {  	[tilespmem:$0x26F0] =	vst v43  }
0x1e: {  	[tilespmem:$0x2700] =	vst v43  }
0x1f: {  	[tilespmem:$0x2710] =	vst v43  }
0x20: {  	[tilespmem:$0x2720] =	vst v43  }
0x21: {  	[tilespmem:$0x2730] =	vst v43  }
0x22: {  	[tilespmem:$0x2740] =	vst v43  }
0x23: {  	[tilespmem:$0x2750] =	vst v43  }
0x24: {  	[tilespmem:$0x2760] =	vst v43  }
0x25: {  	[tilespmem:$0x2770] =	vst v43  }
0x26: {  	[tilespmem:$0x2780] =	vst v43  }
0x27: {  	[tilespmem:$0x2790] =	vst v43  }
0x28: {  	[tilespmem:$0x27A0] =	vst v43  }
0x29: {  	[tilespmem:$0x27B0] =	vst v43  }
0x2a: {  	[tilespmem:$0x27C0] =	vst v43  }
0x2b: {  	[tilespmem:$0x27D0] =	vst v43  }
0x2c: {  	[tilespmem:$0x27E0] =	vst v43  }
0x2d: {  	[tilespmem:$0x27F0] =	vst v43  }
0x2e: {  	[tilespmem:$0x2800] =	vst v43  }
0x2f: {  	[tilespmem:$0x2810] =	vst v43  }
0x30: {  	[tilespmem:$0x2820] =	vst v43  }
0x31: {  	[tilespmem:$0x2830] =	vst v43  }
0x32: {  	[tilespmem:$0x2840] =	vst v43  }
0x33: {  	[tilespmem:$0x2850] =	vst v43  }
0x34: {  	[tilespmem:$0x2860] =	vst v43  }
0x35: {  	[tilespmem:$0x2870] =	vst v43  }
0x36: {  	[tilespmem:$0x2880] =	vst v43  }
0x37: {  	[tilespmem:$0x2890] =	vst v43  }
0x38: {  	[tilespmem:$0x28A0] =	vst v43  }
0x39: {  	[tilespmem:$0x28B0] =	vst v43  }
0x3a: {  	[tilespmem:$0x28C0] =	vst v43  }
0x3b: {  	[tilespmem:$0x28D0] =	vst v43  }
0x3c: {  	[tilespmem:$0x28E0] =	vst v43  }
0x3d: {  	[tilespmem:$0x28F0] =	vst v43  }
0x3e: {  	[tilespmem:$0x2900] =	vst v43  }
0x3f: {  	[tilespmem:$0x2910] =	vst v43  }
0x40: {  	[tilespmem:$0x2920] =	vst v43  }
0x41: {  	[tilespmem:$0x2930] =	vst v43  }
0x42: {  	[tilespmem:$0x2940] =	vst v43  }
0x43: {  	[tilespmem:$0x2950] =	vst v43  }
0x44: {  	[tilespmem:$0x2960] =	vst v43  }
0x45: {  	[tilespmem:$0x2970] =	vst v43  }
0x46: {  	[tilespmem:$0x2980] =	vst v43  }
0x47: {  	[tilespmem:$0x2990] =	vst v43  }
0x48: {  	[tilespmem:$0x29A0] =	vst v43  }
0x49: {  	[tilespmem:$0x29B0] =	vst v43  }
0x4a: {  	[tilespmem:$0x29C0] =	vst v43  }
0x4b: {  	[tilespmem:$0x29D0] =	vst v43  }
0x4c: {  	[tilespmem:$0x29E0] =	vst v43  }
0x4d: {  	[tilespmem:$0x29F0] =	vst v43  }
0x4e: {  	[tilespmem:$0x2A00] =	vst v43  }
0x4f: {  	[tilespmem:$0x2A80] =	vst v43  }
0x50: {  	[tilespmem:$0x2A90] =	vst v43  }
0x51: {  	[tilespmem:$0x2AA0] =	vst v43  }
0x52: {  	[tilespmem:$0x2AB0] =	vst v43  }
0x53: {  	[tilespmem:$0x2AC0] =	vst v43  }
0x54: {  	[tilespmem:$0x2AD0] =	vst v43  }
0x55: {  	[tilespmem:$0x2AE0] =	vst v43  }
0x56: {  	[tilespmem:$0x2AF0] =	vst v43  }
0x57: {  	[tilespmem:$0x2B00] =	vst v43  }
0x58: {  	[tilespmem:$0x2B10] =	vst v43  }
0x59: {  	[tilespmem:$0x2B20] =	vst v43  }
0x5a: {  	[tilespmem:$0x2B30] =	vst v43  }
0x5b: {  	[tilespmem:$0x2B40] =	vst v43  }
0x5c: {  	[tilespmem:$0x2B50] =	vst v43  }
0x5d: {  	[tilespmem:$0x2B60] =	vst v43  }
0x5e: {  	[tilespmem:$0x2B70] =	vst v43  }
0x5f: {  	[tilespmem:$0x2B80] =	vst v43  }
0x60: {  	[tilespmem:$0x2B90] =	vst v43  }
0x61: {  	[tilespmem:$0x2BA0] =	vst v43  }
0x62: {  	[tilespmem:$0x2BB0] =	vst v43  }
0x63: {  	[tilespmem:$0x2BC0] =	vst v43  }
0x64: {  	[tilespmem:$0x2BD0] =	vst v43  }
0x65: {  	[tilespmem:$0x2BE0] =	vst v43  }
0x66: {  	[tilespmem:$0x2BF0] =	vst v43  }
0x67: {  	[tilespmem:$0x2C00] =	vst v43  }
0x68: {  	[tilespmem:$0x2C10] =	vst v43  }
0x69: {  	[tilespmem:$0x2C20] =	vst v43  }
0x6a: {  	[tilespmem:$0x2C30] =	vst v43  }
0x6b: {  	[tilespmem:$0x2C40] =	vst v43  }
0x6c: {  	[tilespmem:$0x2C50] =	vst v43  }
0x6d: {  	[tilespmem:$0x2C60] =	vst v43  }
0x6e: {  	[tilespmem:$0x2C70] =	vst v43  }
0x6f: {  	[tilespmem:$0x2C80] =	vst v43  }
0x70: {  	[tilespmem:$0x2C90] =	vst v43  }
0x71: {  	[tilespmem:$0x2CA0] =	vst v43  }
0x72: {  	[tilespmem:$0x2CB0] =	vst v43  }
0x73: {  	[tilespmem:$0x2CC0] =	vst v43  }
0x74: {  	[tilespmem:$0x2CD0] =	vst v43  }
0x75: {  	[tilespmem:$0x2CE0] =	vst v43  }
0x76: {  	[tilespmem:$0x2CF0] =	vst v43  }
0x77: {  	[tilespmem:$0x2D00] =	vst v43  }
0x78: {  	[tilespmem:$0x2D10] =	vst v43  }
0x79: {  	[tilespmem:$0x2D20] =	vst v43  }
0x7a: {  	[tilespmem:$0x2D30] =	vst v43  }
0x7b: {  	[tilespmem:$0x2D40] =	vst v43  }
0x7c: {  	[tilespmem:$0x2D50] =	vst v43  }
0x7d: {  	[tilespmem:$0x2D60] =	vst v43  }
0x7e: {  	[tilespmem:$0x2D70] =	vst v43  }
0x7f: {  	[tilespmem:$0x2D80] =	vst v43  }
0x80: {  	[tilespmem:$0x2D90] =	vst v43  }
0x81: {  	[tilespmem:$0x2DA0] =	vst v43  }
0x82: {  	[tilespmem:$0x2DB0] =	vst v43  }
0x83: {  	[tilespmem:$0x2DC0] =	vst v43  }
0x84: {  	[tilespmem:$0x2DD0] =	vst v43  }
0x85: {  	[tilespmem:$0x2DE0] =	vst v43  }
0x86: {  	[tilespmem:$0x2DF0] =	vst v43  }
0x87: {  	[tilespmem:$0x2E00] =	vst v43  }
0x88: {  	[tilespmem:$0x2E10] =	vst v43  }
0x89: {  	[tilespmem:$0x2E20] =	vst v43  }
0x8a: {  	[tilespmem:$0x2E30] =	vst v43  }
0x8b: {  	[tilespmem:$0x2E40] =	vst v43  }
0x8c: {  	[tilespmem:$0x2E50] =	vst v43  }
0x8d: {  	[tilespmem:$0x2E60] =	vst v43  }
0x8e: {  	[tilespmem:$0x2E70] =	vst v43;
	v0 =	vimm.f32 $5.000000000e-01  }
0x8f: {  	s0 =	rddreg [dreg:$0x3];
	[tilespmem:$0x2180] =	vst v0  }
0x90: {  	[tilespmem:s2], [sflag:$0x1] =	stream.linear.gather [hbm4b:s0+s2], $0x410, $0x38;
	[tilespmem:$0x2F00] =	vst v63  }
0x91: {  	s31 =	rddreg [dreg:$0x4]  }
0x92: {  	[tilespmem:s12], [sflag:$0x1] =	stream.linear.gather [hbm4b:s31+s2], $0x400, $0x38;
	[tilespmem:$0x2F00] =	vst v63  }
0x93: {  	s22 =	simm.s32 $0x0  }
0x94: {  	[tilespmem:s13], [sflag:$0x1] =	stream.linear.gather [hbm4b:s10+s2], $0x20, $0x38;
	[tilespmem:$0x2F00] =	vst v63  }
.LBB2_2:
0x95: {  	s24 =	sand.u32 $0x1, s22  }
0x96: {  	p0 =	seq.s32 s24, $0x1  }
0x97: {  	s0 =	simm.s32 @!p0 $0x1  }
0x98: {  	_ =	swait.ge @!p0 [sflag:s0], $0x410  }
0x99: {  	[sflag:s0] =	ssyncset.done @!p0 $0x0  }
0x9a: {  	[sflag:s0] =	ssyncadd.s32 @!p0 $0xFFFFFBF0  }
0x9b: {  	s23 =	sadd.s32 $0x1, s22;
	_ =	swait.ge @!p0 [sflag:s0], $0x400  }
0x9c: {  	s3 =	smin.u32 s23, $0x7F;
	[sflag:s0] =	ssyncset.done @!p0 $0x0  }
0x9d: {  	s8 =	sor.u32 @!p0 s7, s3;
	[sflag:s0] =	ssyncadd.s32 @!p0 $0xFFFFFC00  }
0x9e: {  	s9 =	smul.u32 @!p0 $0x82, s8;
	_ =	swait.ge @!p0 [sflag:s0], $0x20  }
0x9f: {  	s25 =	simm.s32 @!p0 $0x410;
	[sflag:s0] =	ssyncset.done @!p0 $0x0  }
0xa0: {  	[sflag:s0] =	ssyncadd.s32 @!p0 $0xFFFFFFE0;
	s0 =	sadd.s32 @!p0 s4, s9;
	s9 =	simm.s32 @!p0 $0x0  }
0xa1: {  	[tilespmem:s25], [sflag:$0x2] =	stream.linear.gather @!p0 [hbm4b:s0+s9], $0x410, $0x38;
	[tilespmem:$0x2F00] =	vst v63  }
0xa2: {  	s0 =	sshll.u32 @!p0 s8, $0x7  }
0xa3: {  	s25 =	simm.s32 @!p0 $0xC80;
	s0 =	sadd.s32 @!p0 s5, s0  }
0xa4: {  	[tilespmem:s25], [sflag:$0x2] =	stream.linear.gather @!p0 [hbm4b:s0+s9], $0x400, $0x38;
	[tilespmem:$0x2F00] =	vst v63  }
0xa5: {  	s0 =	sshll.u32 @!p0 s8, $0x2  }
0xa6: {  	p1 =	seq.s32 s24, $0x0;
	s8 =	simm.s32 @!p0 $0x10A0;
	s0 =	sadd.s32 @!p0 s6, s0  }
0xa7: {  	[tilespmem:s8], [sflag:$0x2] =	stream.linear.gather @!p0 [hbm4b:s0+s9], $0x20, $0x38;
	[tilespmem:$0x2F00] =	vst v63  }
0xa8: {  	s0 =	simm.s32 @!p1 $0x2  }
0xa9: {  	_ =	swait.ge @!p1 [sflag:s0], $0x410  }
0xaa: {  	[sflag:s0] =	ssyncset.done @!p1 $0x0  }
0xab: {  	[sflag:s0] =	ssyncadd.s32 @!p1 $0xFFFFFBF0  }
0xac: {  	_ =	swait.ge @!p1 [sflag:s0], $0x400  }
0xad: {  	[sflag:s0] =	ssyncset.done @!p1 $0x0  }
0xae: {  	s3 =	sor.u32 @!p1 s7, s3;
	[sflag:s0] =	ssyncadd.s32 @!p1 $0xFFFFFC00  }
0xaf: {  	s8 =	smul.u32 @!p1 $0x82, s3;
	_ =	swait.ge @!p1 [sflag:s0], $0x20  }
0xb0: {  	[sflag:s0] =	ssyncset.done @!p1 $0x0  }
0xb1: {  	[sflag:s0] =	ssyncadd.s32 @!p1 $0xFFFFFFE0;
	s0 =	sadd.s32 @!p1 s4, s8;
	s8 =	simm.s32 @!p1 $0x0  }
0xb2: {  	[tilespmem:s8], [sflag:$0x1] =	stream.linear.gather @!p1 [hbm4b:s0+s8], $0x410, $0x38;
	[tilespmem:$0x2F00] =	vst v63  }
0xb3: {  	s0 =	sshll.u32 @!p1 s3, $0x7  }
0xb4: {  	s9 =	simm.s32 @!p1 $0x880;
	s0 =	sadd.s32 @!p1 s5, s0  }
0xb5: {  	[tilespmem:s9], [sflag:$0x1] =	stream.linear.gather @!p1 [hbm4b:s0+s8], $0x400, $0x38;
	[tilespmem:$0x2F00] =	vst v63  }
0xb6: {  	s0 =	sshll.u32 @!p1 s3, $0x2  }
0xb7: {  	s3 =	simm.s32 @!p1 $0x1080;
	s0 =	sadd.s32 @!p1 s6, s0  }
0xb8: {  	[tilespmem:s3], [sflag:$0x1] =	stream.linear.gather @!p1 [hbm4b:s0+s8], $0x20, $0x38;
	[tilespmem:$0x2F00] =	vst v63  }
0xb9: {  	p1 =	slt.u32 s22, $0x2  }
0xba: {  	p2 =	sne.s32 @!p1 s24, $0x0  }
0xbb: {  	p2 =	por p2, p1  }
0xbc: {  	s0 =	simm.s32 @!p2 $0x3  }
0xbd: {  	_ =	swait.ge @!p2 [sflag:s0], $0x810  }
0xbe: {  	v0 =	vld [tilespmem:$0x1FFB0];
	_ =	sdelay $0x1  }
0xbf: {  	p3 =	por !p0, !p0  }
0xc0: {  	p1 =	por p1, p3;
	[sflag:s0] =	ssyncset.done @!p2 $0x0  }
0xc1: {  	s30 =	sshll.u32 s24, $0xA;
	[sflag:s0] =	ssyncadd.s32 @!p2 $0xFFFFF7F0;
	s0 =	simm.s32 @!p1 $0x4  }
0xc2: {  	s31 =	simm.s32 $0x0;
	_ =	swait.ge @!p1 [sflag:s0], $0x810;
	v2 =	vor.u32 s30, v0  }
0xc3: {  	v0 =	vld [tilespmem:$0x1FFC0];
	v3 =	vor.u32 s31, v2  }
0xc4: {  	s8 =	simm.s32 $0x1  }
0xc5: {  	v4 =	vor.u32 s8, v2  }
0xc6: {  	s9 =	simm.s32 $0x2;
	[sflag:s0] =	ssyncset.done @!p1 $0x0  }
0xc7: {  	s25 =	sshll.u32 s24, $0x5;
	[sflag:s0] =	ssyncadd.s32 @!p1 $0xFFFFF7F0;
	v5 =	vor.u32 s9, v2  }
0xc8: {  	s0 =	sor.u32 $0x1, s25;
	v7 =	vor.u32 s25, v0;
	v3 =	vld.idx.msk [tilespmem:v3+s12+$0x0], $0xffff  }
0xc9: {  	s26 =	simm.s32 $0x3;
	v8 =	vor.u32 s0, v0  }
0xca: {  	v11 =	vor.u32 s26, v2;
	v4 =	vld.idx.msk [tilespmem:v4+s12+$0x0], $0xffff  }
0xcb: {  	s28 =	simm.s32 $0x4  }
0xcc: {  	s29 =	simm.s32 $0x5;
	v13 =	vimm.f32 $0.0e+00;
	v12 =	vor.u32 s28, v2;
	v5 =	vld.idx.msk [tilespmem:v5+s12+$0x0], $0xffff  }
0xcd: {  	v14 =	vor.u32 s29, v2;
	v1 =	vld.idx.msk [tilespmem:v7+s13+$0x0], $0xffff;
	v7 =	vadd.f32 v3, v13  }
0xce: {  	s30 =	simm.s32 $0x6;
	s0 =	simm.s32 $0x21C0;
	v13 =	vld.idx.msk [tilespmem:v8+s13+$0x0], $0xffff  }
0xcf: {  	v3 =	vld.idx.msk [tilespmem:v11+s12+$0x0], $0xffff;
	v11 =	vadd.f32 v4, v7;
	[tilespmem:s0+$0xFFFFFFD0] =	vst v7;
	v7 =	vor.u32 s30, v2  }
0xd0: {  	s31 =	simm.s32 $0x7  }
0xd1: {  	v8 =	vor.u32 s31, v2;
	v4 =	vld.idx.msk [tilespmem:v12+s12+$0x0], $0xffff  }
0xd2: {  	s3 =	simm.s32 $0x8;
	[tilespmem:s0+$0xFFFFFFE0] =	vst v11;
	v11 =	vadd.f32 v5, v11;
	v5 =	vld.idx.msk [tilespmem:v14+s12+$0x0], $0xffff  }
.LBB2_3:
0xd3: {  	v12 =	vor.u32 s3, v2;
	p1 =	slt.u32 s3, $0x38  }
0xd4: {  	s8 =	sadd.s32 $0x1, s3;
	[tilespmem:s0+$0xFFFFFFF0] =	vst v11;
	v3 =	vadd.f32 v3, v11;
	v7 =	vld.idx.msk [tilespmem:v7+s12+$0x0], $0xffff  }
0xd5: {  	v11 =	vor.u32 s8, v2  }
0xd6: {  	s8 =	sadd.s32 $0x2, s3;
	[tilespmem:s0+$0x0] =	vst v3;
	v3 =	vadd.f32 v4, v3;
	v4 =	vld.idx.msk [tilespmem:v8+s12+$0x0], $0xffff  }
0xd7: {  	v8 =	vor.u32 s8, v2  }
0xd8: {  	s8 =	sadd.s32 $0x3, s3;
	v12 =	vld.idx.msk [tilespmem:v12+s12+$0x0], $0xffff;
	[tilespmem:s0+$0x10] =	vst v3;
	v3 =	vadd.f32 v5, v3  }
0xd9: {  	v5 =	vor.u32 s8, v2  }
0xda: {  	s8 =	sadd.s32 $0x4, s3;
	v11 =	vld.idx.msk [tilespmem:v11+s12+$0x0], $0xffff;
	[tilespmem:s0+$0x20] =	vst v3;
	v3 =	vadd.f32 v7, v3  }
0xdb: {  	v14 =	vor.u32 s8, v2  }
0xdc: {  	s8 =	sadd.s32 $0x5, s3;
	v15 =	vld.idx.msk [tilespmem:v8+s12+$0x0], $0xffff;
	[tilespmem:s0+$0x30] =	vst v3;
	v4 =	vadd.f32 v4, v3  }
0xdd: {  	v16 =	vor.u32 s8, v2  }
.Ltmp0:
0xde: {  	s8 =	sadd.s32 $0x6, s3;
	v8 =	vadd.f32 v12, v4;
	v3 =	vld.idx.msk [tilespmem:v5+s12+$0x0], $0xffff;
	[tilespmem:s0+$0x40] =	vst v4;
	(pc) =	sbr.rel @p1 .LBB2_3-.Ltmp0, $4  }
0xdf: {  	v7 =	vor.u32 s8, v2;
	s0 =	sadd.s32 $0x80, s0  }
0xe0: {  	s8 =	sadd.s32 $0x7, s3;
	[tilespmem:s0+$0xFFFFFFD0] =	vst v8;
	v5 =	vadd.f32 v11, v8;
	v4 =	vld.idx.msk [tilespmem:v14+s12+$0x0], $0xffff  }
0xe1: {  	v8 =	vor.u32 s8, v2  }
0xe2: {  	s3 =	sadd.s32 $0x8, s3;
	[tilespmem:s0+$0xFFFFFFE0] =	vst v5;
	v11 =	vadd.f32 v15, v5;
	v5 =	vld.idx.msk [tilespmem:v16+s12+$0x0], $0xffff  }
0xe3: {  	_ =	sdelay $0x2  }
0xe4: {  	v2 =	vadd.f32 v3, v11  }
0xe5: {  	v3 =	vld.idx.msk [tilespmem:v7+s12+$0x0], $0xffff  }
0xe6: {  	v4 =	vadd.f32 v4, v2  }
0xe7: {  	v7 =	vld.idx.msk [tilespmem:v8+s12+$0x0], $0xffff  }
0xe8: {  	v5 =	vadd.f32 v5, v4;
	_ =	sdelay $0x1  }
0xe9: {  	v3 =	vadd.f32 v3, v5;
	_ =	sdelay $0x1  }
0xea: {  	v7 =	vadd.f32 v7, v3;
	_ =	sdelay $0x1  }
0xeb: {  	v8 =	vadd.f32 $6.399999860e-01, v7;
	_ =	sdelay $0x1  }
0xec: {  	v12 =	vsub.f32 $9.999999740e-06, v8;
	_ =	sdelay $0x1  }
0xed: {  	v12 =	vmax.f32 v12, $0.0e+00  }
0xee: {  	v8 =	vadd.f32 v12, v8  }
0xef: {  	[tilespmem:s0+$0xFFFFFFF0] =	vst v11  }
0xf0: {  	[tilespmem:s0+$0x0] =	vst v2;
	(erf) = vrcp.f32 v8  }
0xf1: {  	[tilespmem:s0+$0x10] =	vst v4  }
0xf2: {  	[tilespmem:s0+$0x20] =	vst v5  }
0xf3: {  	[tilespmem:s0+$0x30] =	vst v3  }
0xf4: {  	[tilespmem:s0+$0x40] =	vst v7  }
0xf5: {  	s25 =	simm.s32 $0x21C0;
	[tilespmem:$0x2600] =	vst v36  }
0xf6: {  	v3 =	vld [tilespmem:s25+$0xFFFFFFF0]  }
0xf7: {  	v5 =	vld [tilespmem:s25+$0x40]  }
0xf8: {  	v16 =	vld [tilespmem:s25+$0x20];
	v2 =	vmul.f32 $1.562500000e-02, v12  }
0xf9: {  	v21 =	vld [tilespmem:s25+$0xFFFFFFE0];
	v4 =	vpop (erf)  }
0xfa: {  	v2 =	vadd.f32 $9.999999770e-03, v2;
	v11 =	vmul.f32 $6.500000000e+01, v4  }
0xfb: {  	s29 =	simm.s32 $0x1  }
0xfc: {  	s3 =	simm.s32 $0x2;
	s8 =	simm.s32 $0x4;
	s9 =	simm.s32 $0x7;
	v12 =	vmul.f32 v11, v2  }
0xfd: {  	s26 =	simm.s32 $0x5;
	s3 =	scvt.s32.f32 s3;
	s0 =	scvt.s32.f32 s29;
	v2 =	vld [tilespmem:s25+$0x10];
	v5 =	vmul.f32 v5, v11;
	v3 =	vmul.f32 v3, v11  }
0xfe: {  	s31 =	simm.s32 $0x6;
	s8 =	scvt.s32.f32 s8;
	s30 =	scvt.s32.f32 s26;
	v16 =	vmul.f32 v16, v11;
	v21 =	vmul.f32 v21, v11  }
0xff: {  	s9 =	scvt.s32.f32 s9;
	s28 =	scvt.s32.f32 s31;
	v20 =	vld [tilespmem:s25+$0x0];
	v4 =	vmul.f32 s0, v12;
	v7 =	vmul.f32 s3, v12  }
0x100: {  	s29 =	simm.s32 $0x3;
	v14 =	vld [tilespmem:s25+$0x30];
	v8 =	vmul.f32 s8, v12;
	v15 =	vmul.f32 s30, v12  }
0x101: {  	v18 =	vld [tilespmem:s25+$0xFFFFFFD0];
	v17 =	vmul.f32 s9, v12;
	s30 =	scvt.s32.f32 s29;
	v19 =	vmul.f32 s28, v12;
	v4 =	vadd.f32 $5.000000000e-01, v4  }
0x102: {  	s31 =	simm.s32 $0x8;
	v7 =	vadd.f32 $5.000000000e-01, v7;
	v15 =	vadd.f32 $5.000000000e-01, v15;
	v2 =	vmul.f32 v2, v11  }
0x103: {  	s3 =	scvt.s32.f32 s31;
	v17 =	vadd.f32 $5.000000000e-01, v17;
	v19 =	vadd.f32 $5.000000000e-01, v19;
	v22 =	vmul.f32 s30, v12  }
0x104: {  	v20 =	vmul.f32 v20, v11;
	v8 =	vadd.f32 $5.000000000e-01, v8;
	v2 =	vadd.f32 v2, v15  }
0x105: {  	v22 =	vadd.f32 $5.000000000e-01, v22;
	v7 =	vadd.f32 v21, v7;
	v15 =	vmul.f32 s3, v12  }
0x106: {  	v23 =	vmin.f32 v2, $6.550000000e+01;
	v2 =	vmul.f32 v14, v11;
	v14 =	vmul.f32 v18, v11  }
0x107: {  	v18 =	vadd.f32 $5.000000000e-01, v15;
	v15 =	vadd.f32 v3, v22;
	v3 =	vtrunc.f32 v23  }
0x108: {  	v4 =	vadd.f32 v14, v4;
	v14 =	vadd.f32 v16, v19;
	v16 =	vcvt.f32.s32 v3  }
0x109: {  	v17 =	vadd.f32 v2, v17;
	v2 =	vmin.f32 v15, $6.550000000e+01;
	v15 =	vadd.f32 v20, v8  }
0x10a: {  	v5 =	vadd.f32 v5, v18;
	v3 =	vmin.f32 v4, $6.550000000e+01;
	v4 =	vtrunc.f32 v2  }
0x10b: {  	v8 =	vmin.f32 v17, $6.550000000e+01;
	v17 =	vcvt.f32.s32 v4;
	v4 =	vshll.u32 v16, $0x4  }
0x10c: {  	v18 =	vtrunc.f32 v3;
	v16 =	vtrunc.f32 v8;
	[tilespmem:s25+$0x30] =	vst v8;
	v8 =	vmin.f32 v7, $6.550000000e+01  }
0x10d: {  	[tilespmem:s25+$0x10] =	vst v23;
	v7 =	vmin.f32 v5, $6.550000000e+01;
	v4 =	vor.u32 v42, v4;
	v19 =	vshll.u32 v17, $0x4  }
0x10e: {  	s0 =	simm.s32 $0x0;
	s3 =	simm.s32 $0x2240;
	v5 =	vcvt.f32.s32 v18;
	[tilespmem:s25+$0xFFFFFFE0] =	vst v8;
	v17 =	vtrunc.f32 v8;
	v8 =	vor.u32 v42, v19  }
.LBB2_5:
0x10f: {  	s8 =	sadd.s32 $0x9, s0;
	s9 =	sadd.s32 $0xA, s0;
	s26 =	sadd.s32 $0xC, s0;
	v18 =	vld [tilespmem:s3+$0x10];
	v17 =	vcvt.f32.s32 v17;
	v14 =	vmin.f32 v14, $6.550000000e+01;
	v16 =	vcvt.f32.s32 v16;
	[tilespmem:s25+$0x40] =	vst v7  }
0x110: {  	s28 =	sadd.s32 $0xF, s0;
	v15 =	vmin.f32 v15, $6.550000000e+01;
	v7 =	vtrunc.f32 v7;
	s8 =	scvt.s32.f32 s8;
	s9 =	scvt.s32.f32 s9;
	v19 =	vld [tilespmem:s3+$0xFFFFFFF0];
	[tilespmem:s25+$0x20] =	vst v14;
	v14 =	vtrunc.f32 v14  }
0x111: {  	s29 =	sadd.s32 $0xB, s0;
	s30 =	sadd.s32 $0xD, s0;
	s26 =	scvt.s32.f32 s26;
	v5 =	vshll.u32 v5, $0x4;
	v20 =	vld [tilespmem:s3+$0x0];
	[tilespmem:s25+$0x0] =	vst v15;
	v15 =	vtrunc.f32 v15;
	v14 =	vcvt.f32.s32 v14  }
0x112: {  	v21 =	vmul.f32 s8, v12;
	v22 =	vmul.f32 s9, v12;
	s8 =	scvt.s32.f32 s30;
	s9 =	sadd.s32 $0xE, s0;
	v23 =	vld [tilespmem:s3+$0x40];
	s30 =	sadd.s32 $0x10, s0;
	[tilespmem:s25+$0xFFFFFFD0] =	vst v3;
	v3 =	vshll.u32 v16, $0x4  }
0x113: {  	v7 =	vcvt.f32.s32 v7;
	v24 =	vmul.f32 s26, v12;
	s26 =	scvt.s32.f32 s28;
	s0 =	sadd.s32 $0x8, s0;
	v16 =	vld [tilespmem:s3+$0xFFFFFFE0];
	s28 =	scvt.s32.f32 s30;
	v14 =	vshll.u32 v14, $0x4  }
0x114: {  	p1 =	slt.u32 s0, $0x38;
	v3 =	vor.u32 v42, v3;
	v21 =	vadd.f32 $5.000000000e-01, v21;
	v25 =	vmul.f32 s8, v12;
	s8 =	scvt.s32.f32 s9;
	v26 =	vld [tilespmem:s3+$0x30]  }
0x115: {  	v15 =	vcvt.f32.s32 v15;
	v22 =	vadd.f32 $5.000000000e-01, v22;
	v28 =	vmul.f32 s26, v12;
	v27 =	vld [tilespmem:s3+$0x20]  }
0x116: {  	v17 =	vshll.u32 v17, $0x4;
	s9 =	scvt.s32.f32 s29;
	v29 =	vld [tilespmem:s3+$0xFFFFFFD0];
	v25 =	vadd.f32 $5.000000000e-01, v25;
	v30 =	vmul.f32 s8, v12;
	[tilespmem:s25+$0xFFFFFFF0] =	vst v2;
	s25 =	smov.u32 s3  }
0x117: {  	v2 =	vmul.f32 v18, v11;
	v18 =	vadd.f32 $5.000000000e-01, v28;
	[tilespmem:v4+s14+$0x0] =	vst.idx.add.s32.msk $0xffff, v36;
	v4 =	vshll.u32 v7, $0x4  }
0x118: {  	v23 =	vmul.f32 v23, v11;
	v7 =	vadd.f32 $5.000000000e-01, v30;
	[tilespmem:v8+s14+$0x0] =	vst.idx.add.s32.msk $0xffff, v36;
	v8 =	vshll.u32 v15, $0x4  }
0x119: {  	v15 =	vmul.f32 v19, v11;
	v2 =	vadd.f32 v2, v25;
	v8 =	vor.u32 v42, v8  }
0x11a: {  	v24 =	vadd.f32 $5.000000000e-01, v24;
	v19 =	vmul.f32 s9, v12;
	v25 =	vmul.f32 s28, v12;
	[tilespmem:v3+s14+$0x0] =	vst.idx.add.s32.msk $0xffff, v36  }
0x11b: {  	v17 =	vor.u32 v42, v17;
	v2 =	vmin.f32 v2, $6.550000000e+01;
	v3 =	vmul.f32 v27, v11  }
0x11c: {  	v26 =	vmul.f32 v26, v11;
	v19 =	vadd.f32 $5.000000000e-01, v19;
	v25 =	vadd.f32 $5.000000000e-01, v25;
	[tilespmem:s3+$0x10] =	vst v2  }
0x11d: {  	v5 =	vor.u32 v42, v5;
	v27 =	vmul.f32 v29, v11;
	v2 =	vtrunc.f32 v2  }
0x11e: {  	v16 =	vmul.f32 v16, v11;
	v15 =	vadd.f32 v15, v19;
	v19 =	vor.u32 v42, v14  }
0x11f: {  	v20 =	vmul.f32 v20, v11;
	v14 =	vadd.f32 v3, v7;
	v21 =	vadd.f32 v27, v21  }
0x120: {  	v18 =	vadd.f32 v26, v18;
	v7 =	vcvt.f32.s32 v2;
	[tilespmem:v17+s14+$0x0] =	vst.idx.add.s32.msk $0xffff, v36;
	v17 =	vor.u32 v42, v4  }
0x121: {  	v2 =	vmin.f32 v15, $6.550000000e+01;
	v3 =	vmin.f32 v21, $6.550000000e+01;
	v21 =	vadd.f32 v16, v22;
	[tilespmem:v8+s14+$0x0] =	vst.idx.add.s32.msk $0xffff, v36  }
.Ltmp1:
0x122: {  	v15 =	vadd.f32 v20, v24;
	v4 =	vtrunc.f32 v2;
	v8 =	vmin.f32 v18, $6.550000000e+01;
	[tilespmem:v5+s14+$0x0] =	vst.idx.add.s32.msk $0xffff, v36;
	(pc) =	sbr.rel @p1 .LBB2_5-.Ltmp1, $4  }
0x123: {  	v5 =	vcvt.f32.s32 v4;
	v4 =	vshll.u32 v7, $0x4;
	v7 =	vadd.f32 v23, v25;
	[tilespmem:v19+s14+$0x0] =	vst.idx.add.s32.msk $0xffff, v36  }
0x124: {  	v18 =	vtrunc.f32 v3;
	v16 =	vtrunc.f32 v8;
	v4 =	vor.u32 v42, v4;
	[tilespmem:s3+$0x30] =	vst v8  }
0x125: {  	v8 =	vmin.f32 v21, $6.550000000e+01;
	v19 =	vshll.u32 v5, $0x4;
	v7 =	vmin.f32 v7, $6.550000000e+01;
	[tilespmem:v17+s14+$0x0] =	vst.idx.add.s32.msk $0xffff, v36  }
0x126: {  	v5 =	vcvt.f32.s32 v18;
	s3 =	sadd.s32 $0x80, s3;
	v17 =	vtrunc.f32 v8;
	[tilespmem:s25+$0xFFFFFFE0] =	vst v8;
	v8 =	vor.u32 v42, v19  }
0x127: {  	_ = 	snop  }
0x128: {  	v11 =	vcvt.f32.s32 v16;
	v12 =	vmin.f32 v15, $6.550000000e+01;
	[tilespmem:s25+$0x40] =	vst v7  }
0x129: {  	v15 =	vcvt.f32.s32 v17;
	v14 =	vmin.f32 v14, $6.550000000e+01;
	v7 =	vtrunc.f32 v7;
	[tilespmem:s25+$0x0] =	vst v12  }
0x12a: {  	v12 =	vtrunc.f32 v12;
	[tilespmem:s25+$0x20] =	vst v14;
	v14 =	vtrunc.f32 v14;
	v5 =	vshll.u32 v5, $0x4  }
0x12b: {  	[tilespmem:v4+s14+$0x0] =	vst.idx.add.s32.msk $0xffff, v36;
	v7 =	vcvt.f32.s32 v7;
	v11 =	vshll.u32 v11, $0x4;
	v4 =	vor.u32 v42, v5  }
0x12c: {  	v12 =	vcvt.f32.s32 v12;
	v15 =	vshll.u32 v15, $0x4;
	v11 =	vor.u32 v42, v11  }
0x12d: {  	[tilespmem:s25+$0xFFFFFFD0] =	vst v3;
	v14 =	vcvt.f32.s32 v14;
	v59 =	vor.u32 v42, v15;
	v5 =	vshll.u32 v7, $0x4  }
0x12e: {  	[tilespmem:s25+$0xFFFFFFF0] =	vst v2;
	v3 =	vshll.u32 v12, $0x4;
	v5 =	vor.u32 v42, v5  }
0x12f: {  	[tilespmem:v8+s14+$0x0] =	vst.idx.add.s32.msk $0xffff, v36;
	v2 =	vor.u32 v42, v3;
	v3 =	vshll.u32 v14, $0x4  }
0x130: {  	v3 =	vor.u32 v42, v3;
	[tilespmem:v4+s14+$0x0] =	vst.idx.add.s32.msk $0xffff, v36  }
0x131: {  	[tilespmem:v11+s14+$0x0] =	vst.idx.add.s32.msk $0xffff, v36  }
0x132: {  	[tilespmem:v59+s14+$0x0] =	vst.idx.add.s32.msk $0xffff, v36  }
0x133: {  	s0 =	smul.u32 $0x410, s24;
	[tilespmem:v5+s14+$0x0] =	vst.idx.add.s32.msk $0xffff, v36  }
0x134: {  	[tilespmem:v2+s14+$0x0] =	vst.idx.add.s32.msk $0xffff, v36  }
0x135: {  	s3 =	smul.u32 $0x810, s24;
	v0 =	vmov s0;
	[tilespmem:v3+s14+$0x0] =	vst.idx.add.s32.msk $0xffff, v36  }
0x136: {  	[tilespmem:$0x1FF60] =	vst v0;
	v0 =	vadd.s32 s0, v6  }
0x137: {  	[tilespmem:$0x1FF70] =	vst v0;
	v0 =	vmov s3  }
0x138: {  	[tilespmem:$0x1FF80] =	vst v0;
	v0 =	vsub.f32 v13, v1;
	_ =	sdelay $0x1  }
0x139: {  	[tilespmem:$0x1FF90] =	vst v0;
	v0 =	vld [tilespmem:$0x1FFD0];
	_ =	sdelay $0x4  }
0x13a: {  	v0 =	vadd.s32 s0, v0  }
0x13b: {  	s9 =	simm.s32 $0x2640;
	[tilespmem:$0x1FFA0] =	vst v0  }
0x13c: {  	v5 =	vld [tilespmem:s9+$0xFFFFFFC0]  }
0x13d: {  	v7 =	vld [tilespmem:s9+$0xFFFFFFD0]  }
0x13e: {  	s8 =	simm.s32 $0x0;
	v20 =	vadd.s32 s3, v9;
	v17 =	vld [tilespmem:s9+$0xFFFFFFE0]  }
0x13f: {  	s0 =	simm.s32 $0x1;
	v0 =	vadd.s32 s8, v20;
	v18 =	vld [tilespmem:s9+$0xFFFFFFF0]  }
0x140: {  	s3 =	simm.s32 $0x2;
	[tilespmem:$0x1FE30] =	vst v0;
	v0 =	vadd.s32 s0, v20;
	v9 =	vld [tilespmem:$0x1FFA0]  }
0x141: {  	s30 =	simm.s32 $0x3;
	[tilespmem:$0x1FE40] =	vst v0;
	v0 =	vadd.s32 s3, v20  }
0x142: {  	v19 =	vld [tilespmem:s9+$0x0];
	[tilespmem:$0x1FE20] =	vst v0;
	v0 =	vadd.s32 s30, v20  }
0x143: {  	v3 =	vimm.s32 $0x0;
	[tilespmem:$0x1FE10] =	vst v0  }
0x144: {  	v24 =	vadd.s32 v3, v5;
	v3 =	vld [tilespmem:s9+$0x10]  }
0x145: {  	v5 =	vshll.u32 v24, $0x4;
	v21 =	vadd.s32 v24, v9;
	v8 =	vadd.s32 v24, v7;
	v7 =	vld [tilespmem:s9+$0x20]  }
0x146: {  	v23 =	vld [tilespmem:s9+$0x30];
	v0 =	vadd.s32 v10, v5;
	v28 =	vshll.u32 v8, $0x4;
	v31 =	vadd.s32 v8, v17  }
0x147: {  	[tilespmem:s9+$0xFFFFFFC0] =	vst v43;
	v17 =	vmovc v0;
	v0 =	vadd.s32 v10, v28;
	v30 =	vshll.u32 v31, $0x4;
	v32 =	vadd.s32 v31, v18  }
0x148: {  	[tilespmem:s9+$0xFFFFFFD0] =	vst v43;
	v18 =	vmov v0;
	v0 =	vadd.s32 v10, v30;
	v35 =	vadd.s32 v32, v19  }
0x149: {  	[tilespmem:s9+$0xFFFFFFE0] =	vst v43;
	v19 =	vmov v0;
	v3 =	vadd.s32 v35, v3  }
0x14a: {  	[tilespmem:s9+$0xFFFFFFF0] =	vst v43;
	v7 =	vadd.s32 v3, v7  }
0x14b: {  	[tilespmem:s9+$0x0] =	vst v43;
	v33 =	vshll.u32 v32, $0x4;
	v12 =	vld.idx.msk [tilespmem:v21+s2+$0x0], $0xffff;
	v25 =	vadd.s32 v7, v23  }
0x14c: {  	[tilespmem:s9+$0x10] =	vst v43;
	v2 =	vadd.s32 v10, v33;
	v60 =	vshll.u32 v35, $0x4;
	v38 =	vld.idx.msk [tilespmem:v17+s15+$0x0], $0xffff;
	v40 =	vshll.u32 v25, $0x4  }
0x14d: {  	[tilespmem:s9+$0x20] =	vst v43;
	v21 =	vadd.s32 v10, v60;
	v37 =	vshll.u32 v3, $0x4;
	v0 =	vld.idx.msk [tilespmem:v18+s15+$0x0], $0xffff;
	v4 =	vadd.s32 v10, v40  }
0x14e: {  	v22 =	vadd.s32 v10, v37;
	v39 =	vshll.u32 v7, $0x4;
	v45 =	vld.idx.msk [tilespmem:v19+s15+$0x0], $0xffff;
	[tilespmem:$0x1FEB0] =	vst v4  }
0x14f: {  	v16 =	vadd.s32 v10, v39;
	[tilespmem:s9+$0x30] =	vst v43  }
0x150: {  	v39 =	vor.u32 v42, v39;
	[tilespmem:$0x1FE00] =	vst v2;
	v6 =	vld [tilespmem:$0x1FF70]  }
0x151: {  	v37 =	vor.u32 v42, v37;
	v47 =	vld.idx.msk [tilespmem:v2+s15+$0x0], $0xffff  }
0x152: {  	v48 =	vor.u32 v42, v30;
	v30 =	vor.u32 v42, v33;
	v36 =	vor.u32 v42, v60;
	v33 =	vld.idx.msk [tilespmem:v21+s15+$0x0], $0xffff  }
0x153: {  	v49 =	vld.idx.msk [tilespmem:v22+s15+$0x0], $0xffff  }
0x154: {  	v40 =	vor.u32 v42, v40;
	v53 =	vld.idx.msk [tilespmem:v16+s15+$0x0], $0xffff  }
0x155: {  	v39 =	vld.idx.msk [tilespmem:v39+s15+$0x0], $0xffff  }
0x156: {  	s29 =	simm.s32 $0x7;
	v37 =	vld.idx.msk [tilespmem:v37+s15+$0x0], $0xffff  }
0x157: {  	s28 =	simm.s32 $0x6;
	v46 =	vadd.s32 s29, v20;
	v28 =	vor.u32 v42, v28;
	v36 =	vld.idx.msk [tilespmem:v36+s15+$0x0], $0xffff  }
0x158: {  	s26 =	simm.s32 $0x5;
	v44 =	vadd.s32 s28, v20;
	v11 =	vmovc v1;
	v51 =	vadd.s32 v7, v9;
	v2 =	vadd.s32 v25, v46;
	v57 =	vld.idx.msk [tilespmem:v4+s15+$0x0], $0xffff  }
0x159: {  	v1 =	vadd.s32 s26, v20;
	v61 =	vld.idx.msk [tilespmem:v40+s15+$0x0], $0xffff;
	[tilespmem:$0x1FE60] =	vst v2;
	v52 =	vadd.s32 v6, v7;
	v7 =	vadd.s32 v7, v44  }
0x15a: {  	v5 =	vor.u32 v42, v5;
	v1 =	vadd.s32 v3, v1;
	v2 =	vld.idx.msk [tilespmem:v30+s15+$0x0], $0xffff;
	[tilespmem:$0x1FE70] =	vst v7  }
0x15b: {  	s31 =	simm.s32 $0x4;
	v50 =	vadd.s32 v25, v9;
	v44 =	vld.idx.msk [tilespmem:v48+s15+$0x0], $0xffff;
	[tilespmem:$0x1FE80] =	vst v1  }
0x15c: {  	v41 =	vadd.s32 s31, v20;
	v28 =	vld.idx.msk [tilespmem:v28+s15+$0x0], $0xffff  }
0x15d: {  	s3 =	scvt.s32.f32 s3;
	v1 =	vsub.f32 v39, v53;
	v39 =	vadd.s32 v35, v41  }
0x15e: {  	s8 =	scvt.s32.f32 s30;
	s30 =	scvt.s32.f32 s29;
	v54 =	vadd.s32 v6, v25;
	[tilespmem:$0x1FEA0] =	vst v39  }
0x15f: {  	s26 =	scvt.s32.f32 s26;
	v56 =	vadd.s32 v3, v9;
	v46 =	vsub.f32 s3, v0;
	v5 =	vld.idx.msk [tilespmem:v5+s15+$0x0], $0xffff  }
0x160: {  	v58 =	vadd.s32 v6, v3;
	v3 =	vsub.f32 s30, v53;
	v61 =	vsub.f32 v61, v57;
	v53 =	vld.idx.msk [tilespmem:v50+s2+$0x0], $0xffff  }
0x161: {  	s28 =	scvt.s32.f32 s28;
	v55 =	vadd.s32 v35, v9;
	v26 =	vsub.f32 s26, v33;
	v28 =	vsub.f32 v28, v0;
	v0 =	vld [tilespmem:$0x1FE10]  }
0x162: {  	v33 =	vsub.f32 v36, v33;
	v41 =	vsub.f32 v37, v49;
	v48 =	vmax.f32 v61, $1.000000000e-30;
	v36 =	vld.idx.msk [tilespmem:v51+s2+$0x0], $0xffff  }
0x163: {  	v4 =	vsub.f32 s28, v49;
	v49 =	vmax.f32 v1, $1.000000000e-30;
	(erf) = vrcp.f32 v48;
	v50 =	vld.idx.msk [tilespmem:v54+s2+$0x0], $0xffff  }
0x164: {  	v62 =	vadd.s32 v6, v35;
	v35 =	vmax.f32 v41, $1.000000000e-30;
	v54 =	vld.idx.msk [tilespmem:v52+s2+$0x0], $0xffff;
	(erf) = vrcp.f32 v49  }
0x165: {  	v33 =	vmax.f32 v33, $1.000000000e-30;
	v61 =	vld.idx.msk [tilespmem:v58+s2+$0x0], $0xffff;
	(erf) = vrcp.f32 v35  }
0x166: {  	(erf) = vrcp.f32 v33;
	v33 =	vld.idx.msk [tilespmem:v56+s2+$0x0], $0xffff;
	v0 =	vadd.s32 v32, v0  }
0x167: {  	[tilespmem:$0x1FEE0] =	vst v0;
	v0 =	vld [tilespmem:$0x1FE20];
	_ =	sdelay $0x4  }
0x168: {  	v13 =	vadd.s32 v31, v0;
	v0 =	vld [tilespmem:$0x1FE30];
	_ =	sdelay $0x4  }
0x169: {  	v23 =	vadd.s32 v24, v0;
	v0 =	vld [tilespmem:$0x1FE40]  }
0x16a: {  	v2 =	vsub.f32 v2, v47  }
0x16b: {  	v63 =	vadd.s32 v8, v9;
	v59 =	vadd.s32 v32, v9;
	v51 =	vsub.f32 v44, v45  }
0x16c: {  	v14 =	vadd.s32 v31, v9;
	v60 =	vadd.s32 v6, v32;
	v2 =	vmax.f32 v2, $1.000000000e-30  }
0x16d: {  	s25 =	scvt.s32.f32 s31;
	s0 =	scvt.s32.f32 s0;
	v15 =	vadd.s32 v6, v31;
	v56 =	vmax.f32 v51, $1.000000000e-30;
	(erf) = vrcp.f32 v2  }
0x16e: {  	s31 =	simm.s32 $0x8;
	v28 =	vmax.f32 v28, $1.000000000e-30;
	(erf) = vrcp.f32 v56;
	v32 =	vld.idx.msk [tilespmem:v55+s2+$0x0], $0xffff;
	v0 =	vadd.s32 v8, v0  }
0x16f: {  	v34 =	vsub.f32 s25, v47;
	v7 =	vsub.f32 s0, v38;
	s0 =	scvt.s32.f32 s31;
	s25 =	simm.s32 $0x8;
	(erf) = vrcp.f32 v28;
	v28 =	vld.idx.msk [tilespmem:v62+s2+$0x0], $0xffff;
	[tilespmem:$0x1FF20] =	vst v0  }
0x170: {  	v27 =	vadd.s32 v6, v8;
	s28 =	simm.s32 $0x9;
	v5 =	vsub.f32 v5, v38;
	v0 =	vadd.s32 s25, v20;
	v8 =	vld.idx.msk [tilespmem:v59+s2+$0x0], $0xffff  }
0x171: {  	s29 =	simm.s32 $0xA;
	v29 =	vsub.f32 s8, v45;
	v2 =	vsub.f32 s0, v57;
	v48 =	vld.idx.msk [tilespmem:v60+s2+$0x0], $0xffff;
	[tilespmem:$0x1FEF0] =	vst v0;
	v0 =	vadd.s32 s28, v20  }
0x172: {  	v40 =	vadd.s32 v6, v24;
	v5 =	vmax.f32 v5, $1.000000000e-30;
	v49 =	vpop (erf);
	[tilespmem:$0x1FF10] =	vst v0;
	v0 =	vadd.s32 s29, v20  }
0x173: {  	s8 =	simm.s32 $0xF;
	(erf) = vrcp.f32 v5;
	v2 =	vmul.f32 v49, v2;
	v31 =	vsub.f32 v50, v53;
	v50 =	vpop (erf);
	[tilespmem:$0x1FED0] =	vst v0  }
0x174: {  	v1 =	vadd.s32 s8, v20;
	v35 =	vsub.f32 v54, v36;
	v51 =	vpop (erf);
	v14 =	vld.idx.msk [tilespmem:v14+s2+$0x0], $0xffff  }
0x175: {  	v52 =	vsub.f32 v61, v33;
	v2 =	vmax.f32 v2, $0.0e+00;
	v3 =	vmul.f32 v50, v3;
	v57 =	vpop (erf);
	v15 =	vld.idx.msk [tilespmem:v15+s2+$0x0], $0xffff  }
0x176: {  	v2 =	vmin.f32 v2, $1.000000000e+00;
	v4 =	vmul.f32 v51, v4;
	v26 =	vmul.f32 v57, v26;
	v54 =	vld.idx.msk [tilespmem:v63+s2+$0x0], $0xffff  }
0x177: {  	v28 =	vsub.f32 v28, v32;
	v2 =	vmul.f32 v2, v31;
	v3 =	vmax.f32 v3, $0.0e+00;
	v58 =	vpop (erf);
	v27 =	vld.idx.msk [tilespmem:v27+s2+$0x0], $0xffff  }
0x178: {  	s26 =	simm.s32 $0x26C0;
	v34 =	vmul.f32 v58, v34;
	v4 =	vmax.f32 v4, $0.0e+00;
	v26 =	vmax.f32 v26, $0.0e+00;
	v40 =	vld.idx.msk [tilespmem:v40+s2+$0x0], $0xffff  }
0x179: {  	v3 =	vmin.f32 v3, $1.000000000e+00;
	v2 =	vadd.f32 v2, v53;
	v26 =	vmin.f32 v26, $1.000000000e+00;
	v59 =	vpop (erf);
	v49 =	vld [tilespmem:s26+$0xFFFFFFC0]  }
0x17a: {  	v3 =	vmul.f32 v3, v35;
	v34 =	vmax.f32 v34, $0.0e+00;
	v26 =	vmul.f32 v26, v28;
	v60 =	vpop (erf);
	v62 =	vld [tilespmem:s26+$0xFFFFFFD0]  }
0x17b: {  	v29 =	vmul.f32 v59, v29;
	v38 =	vmul.f32 v60, v46;
	v63 =	vmin.f32 v4, $1.000000000e+00;
	v4 =	vld [tilespmem:s26+$0xFFFFFFE0]  }
0x17c: {  	v34 =	vmin.f32 v34, $1.000000000e+00;
	v3 =	vadd.f32 v3, v36;
	v32 =	vadd.f32 v26, v32;
	v61 =	vpop (erf);
	v60 =	vld [tilespmem:s26+$0xFFFFFFF0]  }
0x17d: {  	v7 =	vmul.f32 v61, v7;
	v29 =	vmax.f32 v29, $0.0e+00;
	v61 =	vld [tilespmem:s26+$0x0];
	v38 =	vmax.f32 v38, $0.0e+00  }
0x17e: {  	v29 =	vmin.f32 v29, $1.000000000e+00;
	v31 =	vmul.f32 v63, v52;
	v50 =	vadd.s32 v25, v49;
	v25 =	vld [tilespmem:s26+$0x10]  }
0x17f: {  	v37 =	vsub.f32 v48, v8;
	v7 =	vmax.f32 v7, $0.0e+00;
	v49 =	vadd.s32 v50, v62;
	v62 =	vld [tilespmem:s26+$0x20]  }
0x180: {  	v7 =	vmin.f32 v7, $1.000000000e+00;
	v15 =	vsub.f32 v15, v14;
	v4 =	vadd.s32 v49, v4  }
0x181: {  	v28 =	vld [tilespmem:s26+$0x30];
	v27 =	vsub.f32 v27, v54;
	v40 =	vsub.f32 v40, v12;
	v46 =	vadd.s32 v4, v60  }
0x182: {  	v15 =	vmul.f32 v29, v15;
	v29 =	vmul.f32 v34, v37;
	v37 =	vadd.s32 v46, v61  }
0x183: {  	v7 =	vmul.f32 v7, v40;
	v40 =	vadd.s32 v37, v25;
	v36 =	vshll.u32 v37, $0x4  }
0x184: {  	v38 =	vmin.f32 v38, $1.000000000e+00;
	v52 =	vadd.s32 v40, v62;
	v0 =	vadd.s32 v10, v36  }
0x185: {  	v31 =	vadd.f32 v31, v33;
	v63 =	vmul.f32 v38, v27;
	v35 =	vshll.u32 v52, $0x4;
	v26 =	vmovc v0;
	v0 =	vld [tilespmem:$0x1FF90]  }
0x186: {  	v14 =	vadd.f32 v15, v14;
	v25 =	vadd.s32 v52, v28;
	v27 =	vadd.s32 v10, v35  }
0x187: {  	v8 =	vadd.f32 v29, v8;
	v45 =	vshll.u32 v25, $0x4;
	v51 =	vor.u32 v42, v35  }
0x188: {  	v7 =	vadd.f32 v7, v12;
	v34 =	vadd.f32 v63, v54;
	[tilespmem:s26+$0x0] =	vst v43;
	v24 =	vadd.s32 v10, v45  }
0x189: {  	v48 =	vshll.u32 v40, $0x4;
	v36 =	vor.u32 v42, v36;
	[tilespmem:s26+$0x20] =	vst v43;
	v15 =	vor.u32 v42, v45  }
0x18a: {  	v28 =	vadd.s32 v10, v48;
	v2 =	vmul.f32 v2, v0;
	v57 =	vld.idx.msk [tilespmem:v26+s15+$0x0], $0xffff;
	[tilespmem:$0x1FF30] =	vst v1  }
0x18b: {  	v54 =	vor.u32 v42, v48;
	v3 =	vmul.f32 v3, v0;
	v31 =	vmul.f32 v31, v0;
	v61 =	vld.idx.msk [tilespmem:v27+s15+$0x0], $0xffff  }
0x18c: {  	[tilespmem:s26+$0x30] =	vst v43;
	v38 =	vld.idx.msk [tilespmem:v51+s15+$0x0], $0xffff;
	v30 =	vadd.f32 v2, v11;
	v2 =	vmul.f32 v34, v0  }
0x18d: {  	v45 =	vmul.f32 v8, v0;
	v56 =	vmul.f32 v32, v0;
	[tilespmem:s26+$0x10] =	vst v43;
	v59 =	vld.idx.msk [tilespmem:v24+s15+$0x0], $0xffff  }
0x18e: {  	v63 =	vshll.u32 v46, $0x4;
	v48 =	vmul.f32 v14, v0;
	v15 =	vld.idx.msk [tilespmem:v15+s15+$0x0], $0xffff;
	v0 =	vmul.f32 v7, v0;
	[tilespmem:$0x1FF00] =	vst v2  }
0x18f: {  	v1 =	vadd.s32 v10, v63;
	v51 =	vld.idx.msk [tilespmem:v28+s15+$0x0], $0xffff;
	[tilespmem:s26+$0xFFFFFFF0] =	vst v43  }
0x190: {  	v54 =	vld.idx.msk [tilespmem:v54+s15+$0x0], $0xffff;
	[tilespmem:$0x1FF40] =	vst v0  }
0x191: {  	[tilespmem:s26+$0xFFFFFFE0] =	vst v43  }
0x192: {  	v36 =	vld.idx.msk [tilespmem:v36+s15+$0x0], $0xffff;
	[tilespmem:$0x1FE50] =	vst v1  }
0x193: {  	[tilespmem:s26+$0xFFFFFFD0] =	vst v43  }
0x194: {  	v7 =	vld.idx.msk [tilespmem:v1+s15+$0x0], $0xffff;
	[tilespmem:s26+$0xFFFFFFC0] =	vst v43  }
0x195: {  	v1 =	vld [tilespmem:$0x1FE60];
	_ =	sdelay $0x7  }
0x196: {  	[tilespmem:v1+s16+$0x0] =	vst.idx.msk $0xffff, v30  }
0x197: {  	v1 =	vld [tilespmem:$0x1FE70];
	_ =	sdelay $0x5  }
0x198: {  	v12 =	vshll.u32 v4, $0x4;
	v60 =	vor.u32 v42, v63;
	v8 =	vadd.f32 v3, v11  }
0x199: {  	v33 =	vadd.s32 v10, v12  }
0x19a: {  	v62 =	vor.u32 v42, v12;
	v14 =	vshll.u32 v49, $0x4;
	[tilespmem:v1+s16+$0x0] =	vst.idx.msk $0xffff, v8  }
0x19b: {  	v32 =	vadd.s32 v10, v14;
	v1 =	vld [tilespmem:$0x1FE80]  }
0x19c: {  	v34 =	vor.u32 v42, v14;
	v2 =	vshll.u32 v50, $0x4  }
0x19d: {  	v29 =	vadd.s32 v10, v2;
	v15 =	vsub.f32 v15, v59;
	v60 =	vld.idx.msk [tilespmem:v60+s15+$0x0], $0xffff  }
0x19e: {  	v2 =	vor.u32 v42, v2;
	v5 =	vld.idx.msk [tilespmem:v33+s15+$0x0], $0xffff  }
0x19f: {  	v15 =	vmax.f32 v15, $1.000000000e-30;
	v62 =	vld.idx.msk [tilespmem:v62+s15+$0x0], $0xffff  }
0x1a0: {  	(erf) = vrcp.f32 v15;
	v15 =	vld.idx.msk [tilespmem:v32+s15+$0x0], $0xffff  }
0x1a1: {  	s9 =	simm.s32 $0xD;
	v58 =	vadd.f32 v31, v11;
	v34 =	vld.idx.msk [tilespmem:v34+s15+$0x0], $0xffff  }
0x1a2: {  	v44 =	vadd.s32 s9, v20;
	v3 =	vld.idx.msk [tilespmem:v29+s15+$0x0], $0xffff  }
0x1a3: {  	v2 =	vld.idx.msk [tilespmem:v2+s15+$0x0], $0xffff;
	[tilespmem:v1+s16+$0x0] =	vst.idx.msk $0xffff, v58;
	v1 =	vadd.s32 v40, v44  }
0x1a4: {  	[tilespmem:$0x1FE90] =	vst v1;
	v1 =	vld [tilespmem:$0x1FEA0];
	_ =	sdelay $0x5  }
0x1a5: {  	v8 =	vadd.f32 v56, v11;
	_ =	sdelay $0x1  }
0x1a6: {  	v39 =	vadd.s32 v50, v9;
	[tilespmem:v1+s16+$0x0] =	vst.idx.msk $0xffff, v8  }
0x1a7: {  	v1 =	vld [tilespmem:$0x1FEB0];
	_ =	sdelay $0x1  }
0x1a8: {  	v38 =	vsub.f32 v38, v61  }
0x1a9: {  	v54 =	vsub.f32 v54, v51  }
0x1aa: {  	v38 =	vmax.f32 v38, $1.000000000e-30;
	v36 =	vsub.f32 v36, v57;
	v63 =	vld.idx.msk [tilespmem:v39+s2+$0x0], $0xffff  }
0x1ab: {  	v0 =	vadd.s32 v52, v9;
	(erf) = vrcp.f32 v38;
	v35 =	vmax.f32 v54, $1.000000000e-30  }
0x1ac: {  	(erf) = vrcp.f32 v35;
	v36 =	vmax.f32 v36, $1.000000000e-30;
	v30 =	vsub.f32 v60, v7  }
0x1ad: {  	s3 =	simm.s32 $0xB;
	v54 =	vsub.f32 v62, v5;
	(erf) = vrcp.f32 v36;
	v36 =	vimm.s32 $0x1  }
0x1ae: {  	v41 =	vadd.s32 s3, v20;
	v30 =	vmax.f32 v30, $1.000000000e-30;
	[tilespmem:v1+s17+$0x0] =	vst.idx.add.s32.msk $0xffff, v36  }
0x1af: {  	v35 =	vadd.s32 v46, v41;
	v62 =	vmax.f32 v54, $1.000000000e-30;
	(erf) = vrcp.f32 v30;
	[tilespmem:$0x1FEC0] =	vst v63  }
0x1b0: {  	(erf) = vrcp.f32 v62;
	v62 =	vadd.s32 v6, v46;
	v1 =	vadd.s32 v46, v9;
	v46 =	vld.idx.msk [tilespmem:v0+s2+$0x0], $0xffff  }
0x1b1: {  	v0 =	vld [tilespmem:$0x1FEE0];
	_ =	sdelay $0x3  }
0x1b2: {  	v56 =	vsub.f32 v34, v15  }
0x1b3: {  	v53 =	vadd.s32 v37, v9;
	v2 =	vsub.f32 v2, v3  }
0x1b4: {  	v14 =	vadd.s32 v25, v9;
	v34 =	vadd.f32 v45, v11;
	v12 =	vmax.f32 v56, $1.000000000e-30  }
0x1b5: {  	v2 =	vmax.f32 v2, $1.000000000e-30;
	v56 =	vadd.s32 v49, v9;
	(erf) = vrcp.f32 v12  }
0x1b6: {  	(erf) = vrcp.f32 v2;
	v2 =	vadd.s32 v4, v9;
	v58 =	vadd.s32 v40, v9;
	v9 =	vld [tilespmem:$0x1FED0];
	[tilespmem:v0+s16+$0x0] =	vst.idx.msk $0xffff, v34  }
0x1b7: {  	v0 =	vld [tilespmem:$0x1FEF0];
	_ =	sdelay $0x1  }
0x1b8: {  	s31 =	simm.s32 $0xE  }
0x1b9: {  	v55 =	vadd.s32 s31, v20  }
0x1ba: {  	v38 =	vadd.s32 v52, v55;
	v55 =	vadd.s32 v6, v52;
	v52 =	vadd.s32 v6, v25  }
0x1bb: {  	v45 =	vadd.s32 v50, v0;
	v0 =	vld [tilespmem:$0x1FF00];
	_ =	sdelay $0x1  }
0x1bc: {  	s30 =	simm.s32 $0xC;
	v63 =	vadd.s32 v6, v4;
	v30 =	vadd.s32 v4, v9;
	v4 =	vadd.f32 v48, v11  }
0x1bd: {  	v47 =	vadd.s32 s30, v20;
	s0 =	scvt.s32.f32 s3;
	v41 =	vadd.s32 v6, v37  }
0x1be: {  	v8 =	vadd.s32 v6, v40;
	v40 =	vadd.s32 v37, v47;
	v37 =	vld.idx.msk [tilespmem:v52+s2+$0x0], $0xffff;
	[tilespmem:v13+s16+$0x0] =	vst.idx.msk $0xffff, v4  }
0x1bf: {  	v52 =	vsub.f32 s0, v5;
	v5 =	vadd.f32 v0, v11;
	v0 =	vld [tilespmem:$0x1FF10];
	_ =	sdelay $0x4  }
0x1c0: {  	v34 =	vadd.s32 v49, v0;
	v0 =	vld [tilespmem:$0x1FF20];
	_ =	sdelay $0x7  }
0x1c1: {  	[tilespmem:v0+s16+$0x0] =	vst.idx.msk $0xffff, v5  }
0x1c2: {  	v0 =	vld [tilespmem:$0x1FF30];
	_ =	sdelay $0x2  }
0x1c3: {  	s30 =	scvt.s32.f32 s30;
	v44 =	vld.idx.msk [tilespmem:v14+s2+$0x0], $0xffff  }
0x1c4: {  	v5 =	vld.idx.msk [tilespmem:v41+s2+$0x0], $0xffff  }
0x1c5: {  	s3 =	scvt.s32.f32 s9;
	v54 =	vsub.f32 s30, v7;
	s30 =	scvt.s32.f32 s28;
	v41 =	vadd.s32 v25, v0;
	v0 =	vld [tilespmem:$0x1FF40]  }
0x1c6: {  	s8 =	scvt.s32.f32 s8;
	s29 =	scvt.s32.f32 s29;
	v47 =	vld.idx.msk [tilespmem:v55+s2+$0x0], $0xffff  }
0x1c7: {  	s9 =	scvt.s32.f32 s31;
	s31 =	simm.s32 $0x10;
	v60 =	vsub.f32 s3, v57;
	v57 =	vsub.f32 s30, v3;
	v48 =	vld.idx.msk [tilespmem:v58+s2+$0x0], $0xffff  }
0x1c8: {  	s3 =	scvt.s32.f32 s31;
	v3 =	vsub.f32 s8, v61;
	v55 =	vsub.f32 s29, v15;
	v58 =	vadd.s32 v6, v50;
	v50 =	vld.idx.msk [tilespmem:v8+s2+$0x0], $0xffff  }
0x1c9: {  	v31 =	vmovc v10;
	v61 =	vsub.f32 v37, v44;
	v37 =	vmov v11;
	v8 =	vsub.f32 s9, v51;
	v51 =	vld.idx.msk [tilespmem:v53+s2+$0x0], $0xffff  }
0x1ca: {  	v4 =	vadd.s32 v6, v49;
	v53 =	vld.idx.msk [tilespmem:v1+s2+$0x0], $0xffff;
	v49 =	vsub.f32 s3, v59;
	[tilespmem:$0x1FF50] =	vst v20;
	v7 =	vadd.f32 v0, v11  }
.LBB2_7:
0x1cb: {  	v6 =	vld [tilespmem:$0x1FF50];
	_ =	sdelay $0x2  }
0x1cc: {  	s28 =	sadd.s32 $0x9, s25;
	v0 =	vmov v45  }
0x1cd: {  	s30 =	sadd.s32 $0xA, s25;
	s29 =	smov.u32 s25;
	s25 =	sadd.s32 $0x8, s25;
	[tilespmem:$0x1FDA0] =	vst v0  }
0x1ce: {  	v14 =	vld.idx.msk [tilespmem:v62+s2+$0x0], $0xffff;
	[tilespmem:v23+s16+$0x0] =	vst.idx.msk $0xffff, v7;
	v7 =	vpop (erf);
	v0 =	vadd.s32 s25, v6  }
0x1cf: {  	v2 =	vld.idx.msk [tilespmem:v2+s2+$0x0], $0xffff;
	v45 =	vpop (erf);
	[tilespmem:$0x1FDD0] =	vst v0;
	v0 =	vadd.s32 s28, v6  }
0x1d0: {  	v59 =	vld.idx.msk [tilespmem:v63+s2+$0x0], $0xffff;
	s31 =	sadd.s32 $0xB, s29;
	v15 =	vsub.f32 v47, v46;
	v47 =	vpop (erf);
	[tilespmem:$0x1FDE0] =	vst v0;
	v0 =	vadd.s32 s30, v6  }
0x1d1: {  	v56 =	vld.idx.msk [tilespmem:v56+s2+$0x0], $0xffff;
	v12 =	vpop (erf);
	[tilespmem:$0x1FD40] =	vst v0;
	v0 =	vadd.s32 s31, v6  }
0x1d2: {  	v4 =	vld.idx.msk [tilespmem:v4+s2+$0x0], $0xffff;
	[tilespmem:$0x1FD30] =	vst v0;
	v0 =	vmul.f32 v12, v60  }
0x1d3: {  	v1 =	vld [tilespmem:$0x1FE50]  }
0x1d4: {  	v39 =	vmax.f32 v0, $0.0e+00;
	v0 =	vld [tilespmem:$0x1FE00]  }
0x1d5: {  	[tilespmem:v22+s17+$0x0] =	vst.idx.add.s32.msk $0xffff, v36  }
0x1d6: {  	v62 =	vsub.f32 v50, v48;
	[tilespmem:v21+s17+$0x0] =	vst.idx.add.s32.msk $0xffff, v36  }
0x1d7: {  	s0 =	sadd.s32 $0xD, s29;
	v5 =	vsub.f32 v5, v51;
	[tilespmem:v19+s17+$0x0] =	vst.idx.add.s32.msk $0xffff, v36;
	v7 =	vmul.f32 v7, v49  }
0x1d8: {  	[tilespmem:v18+s17+$0x0] =	vst.idx.add.s32.msk $0xffff, v36;
	v50 =	vadd.s32 s0, v6;
	v14 =	vsub.f32 v14, v53;
	v3 =	vmul.f32 v45, v3;
	v13 =	vpop (erf)  }
0x1d9: {  	[tilespmem:$0x1FD70] =	vst v35;
	v59 =	vsub.f32 v59, v2;
	v4 =	vsub.f32 v4, v56;
	v8 =	vmul.f32 v47, v8;
	v35 =	vpop (erf)  }
0x1da: {  	v58 =	vld.idx.msk [tilespmem:v58+s2+$0x0], $0xffff;
	v7 =	vmax.f32 v7, $0.0e+00;
	v3 =	vmax.f32 v3, $0.0e+00;
	v23 =	vmul.f32 v35, v52  }
0x1db: {  	[tilespmem:v17+s17+$0x0] =	vst.idx.add.s32.msk $0xffff, v36;
	v7 =	vmin.f32 v7, $1.000000000e+00;
	v54 =	vmul.f32 v13, v54;
	v8 =	vmax.f32 v8, $0.0e+00;
	v45 =	vpop (erf)  }
0x1dc: {  	s26 =	sadd.s32 $0x80, s26;
	v3 =	vmin.f32 v3, $1.000000000e+00;
	v47 =	vpop (erf);
	v23 =	vmax.f32 v23, $0.0e+00;
	[tilespmem:v0+s17+$0x0] =	vst.idx.add.s32.msk $0xffff, v36;
	v0 =	vmov v1  }
0x1dd: {  	v11 =	vmovc v29;
	v29 =	vld [tilespmem:s26+$0xFFFFFFD0];
	v7 =	vmul.f32 v7, v61;
	v21 =	vmul.f32 v47, v57;
	v47 =	vmin.f32 v23, $1.000000000e+00  }
0x1de: {  	v9 =	vmovc v28;
	v28 =	vld [tilespmem:s26+$0xFFFFFFC0];
	v8 =	vmin.f32 v8, $1.000000000e+00;
	v3 =	vmul.f32 v3, v15;
	v15 =	vmul.f32 v47, v59  }
0x1df: {  	v22 =	vmul.f32 v45, v55;
	v54 =	vmax.f32 v54, $0.0e+00;
	v8 =	vmul.f32 v8, v62;
	v1 =	vld [tilespmem:$0x1FEC0];
	[tilespmem:$0x1FE00] =	vst v0;
	v0 =	vmovc v33  }
0x1e0: {  	v7 =	vadd.f32 v7, v44;
	v63 =	vmin.f32 v54, $1.000000000e+00;
	v2 =	vadd.f32 v15, v2;
	v15 =	vld [tilespmem:s26+$0xFFFFFFE0]  }
0x1e1: {  	v35 =	vmin.f32 v39, $1.000000000e+00;
	v3 =	vadd.f32 v3, v46;
	v14 =	vmul.f32 v63, v14  }
0x1e2: {  	v22 =	vmax.f32 v22, $0.0e+00;
	v5 =	vmul.f32 v35, v5;
	v8 =	vadd.f32 v8, v48;
	[tilespmem:$0x1FD90] =	vst v0;
	v0 =	vmovc v27  }
0x1e3: {  	v21 =	vmax.f32 v21, $0.0e+00;
	v14 =	vadd.f32 v14, v53;
	v53 =	vadd.s32 v25, v28;
	[tilespmem:$0x1FD50] =	vst v0;
	v0 =	vld [tilespmem:$0x1FF90]  }
0x1e4: {  	v10 =	vmovc v26;
	[tilespmem:$0x1FD80] =	vst v11;
	v45 =	vmin.f32 v22, $1.000000000e+00;
	v59 =	vadd.s32 v53, v29;
	v33 =	vld [tilespmem:s26+$0xFFFFFFF0];
	v60 =	vsub.f32 v58, v1  }
0x1e5: {  	[tilespmem:$0x1FDB0] =	vst v10;
	v39 =	vmin.f32 v21, $1.000000000e+00;
	v4 =	vmul.f32 v45, v4;
	v15 =	vadd.s32 v59, v15  }
0x1e6: {  	[tilespmem:$0x1FDC0] =	vst v9;
	v5 =	vadd.f32 v5, v51;
	v63 =	vshll.u32 v15, $0x4;
	v27 =	vmul.f32 v39, v60;
	v39 =	vld [tilespmem:$0x1FFA0]  }
0x1e7: {  	[tilespmem:v16+s17+$0x0] =	vst.idx.add.s32.msk $0xffff, v36;
	v4 =	vadd.f32 v4, v56;
	v11 =	vadd.s32 v31, v63;
	v60 =	vshll.u32 v59, $0x4  }
0x1e8: {  	[tilespmem:s26+$0xFFFFFFD0] =	vst v43;
	v62 =	vld [tilespmem:s26+$0x30];
	v51 =	vor.u32 v42, v60;
	v27 =	vadd.f32 v27, v1;
	v3 =	vmul.f32 v3, v0  }
0x1e9: {  	[tilespmem:s26+$0xFFFFFFC0] =	vst v43;
	v1 =	vadd.s32 v15, v33;
	v7 =	vmul.f32 v7, v0;
	v44 =	vmul.f32 v14, v0;
	v14 =	vld [tilespmem:s26+$0x0]  }
0x1ea: {  	[tilespmem:s26+$0x30] =	vst v43;
	v47 =	vmul.f32 v4, v0;
	v48 =	vmul.f32 v2, v0;
	v2 =	vadd.f32 v3, v37;
	v3 =	vld [tilespmem:s26+$0x10]  }
0x1eb: {  	v28 =	vld [tilespmem:s26+$0x20];
	[tilespmem:s26+$0x20] =	vst v43;
	v4 =	vshll.u32 v53, $0x4;
	v25 =	vadd.s32 v53, v39;
	v7 =	vadd.f32 v7, v37  }
0x1ec: {  	[tilespmem:s26+$0xFFFFFFE0] =	vst v43;
	v8 =	vmul.f32 v8, v0;
	v35 =	vadd.s32 v31, v4;
	v21 =	vor.u32 v42, v4;
	v4 =	vld [tilespmem:$0x1FF70]  }
0x1ed: {  	v5 =	vmul.f32 v5, v0;
	v61 =	vmul.f32 v27, v0;
	[tilespmem:v41+s16+$0x0] =	vst.idx.msk $0xffff, v7;
	v7 =	vshll.u32 v1, $0x4  }
0x1ee: {  	v9 =	vld.idx.msk [tilespmem:v11+s15+$0x0], $0xffff;
	[tilespmem:v38+s16+$0x0] =	vst.idx.msk $0xffff, v2;
	v14 =	vadd.s32 v1, v14;
	v10 =	vadd.s32 v31, v7  }
0x1ef: {  	v12 =	vmov v32;
	[tilespmem:v24+s17+$0x0] =	vst.idx.add.s32.msk $0xffff, v36;
	v7 =	vor.u32 v42, v7;
	v3 =	vadd.s32 v14, v3  }
0x1f0: {  	[tilespmem:$0x1FD60] =	vst v12;
	v0 =	vld.idx.msk [tilespmem:v25+s2+$0x0], $0xffff;
	v2 =	vshll.u32 v3, $0x4;
	v38 =	vadd.s32 v3, v28;
	v12 =	vadd.s32 v3, v39  }
0x1f1: {  	v20 =	vadd.s32 v4, v3;
	v3 =	vadd.s32 v3, v50;
	v50 =	vld.idx.msk [tilespmem:v51+s15+$0x0], $0xffff;
	v33 =	vadd.s32 v31, v2  }
0x1f2: {  	s9 =	sadd.s32 $0xF, s29;
	[tilespmem:s26+$0xFFFFFFF0] =	vst v43;
	v13 =	vshll.u32 v14, $0x4;
	v51 =	vld [tilespmem:$0x1FD30];
	v16 =	vor.u32 v42, v2  }
0x1f3: {  	v55 =	vadd.s32 s9, v6;
	v32 =	vadd.s32 v31, v13;
	v25 =	vadd.s32 v38, v62;
	v18 =	vld.idx.msk [tilespmem:v10+s15+$0x0], $0xffff  }
0x1f4: {  	v19 =	vor.u32 v42, v13;
	v26 =	vshll.u32 v38, $0x4;
	v41 =	vadd.s32 v25, v55;
	v55 =	vld [tilespmem:$0x1FE90]  }
0x1f5: {  	[tilespmem:s26+$0x10] =	vst v43;
	v27 =	vadd.s32 v31, v26;
	v45 =	vshll.u32 v25, $0x4;
	v7 =	vld.idx.msk [tilespmem:v7+s15+$0x0], $0xffff  }
0x1f6: {  	[tilespmem:$0x1FE50] =	vst v10;
	v24 =	vadd.s32 v31, v45;
	v10 =	vld.idx.msk [tilespmem:v33+s15+$0x0], $0xffff  }
0x1f7: {  	s3 =	sadd.s32 $0xC, s29;
	[tilespmem:s26+$0x0] =	vst v43;
	v58 =	vor.u32 v42, v45;
	v16 =	vld.idx.msk [tilespmem:v16+s15+$0x0], $0xffff  }
0x1f8: {  	v49 =	vadd.s32 s3, v6;
	s3 =	scvt.s32.f32 s3;
	v46 =	vmov v40;
	v52 =	vor.u32 v42, v26;
	v22 =	vld.idx.msk [tilespmem:v32+s15+$0x0], $0xffff  }
0x1f9: {  	s8 =	sadd.s32 $0xE, s29;
	v17 =	vor.u32 v42, v63;
	v40 =	vadd.s32 v31, v60;
	v56 =	vadd.s32 v59, v39;
	v19 =	vld.idx.msk [tilespmem:v19+s15+$0x0], $0xffff  }
0x1fa: {  	v8 =	vadd.f32 v8, v37;
	v2 =	vadd.s32 v1, v39;
	v13 =	vld.idx.msk [tilespmem:v27+s15+$0x0], $0xffff;
	v54 =	vsub.f32 s3, v18;
	s3 =	scvt.s32.f32 s8  }
0x1fb: {  	v5 =	vadd.f32 v5, v37;
	v23 =	vadd.s32 v25, v39;
	[tilespmem:$0x1FDF0] =	vst v2;
	v28 =	vld.idx.msk [tilespmem:v24+s15+$0x0], $0xffff  }
0x1fc: {  	v26 =	vld.idx.msk [tilespmem:v58+s15+$0x0], $0xffff;
	[tilespmem:v55+s16+$0x0] =	vst.idx.msk $0xffff, v8;
	v8 =	vsub.f32 s3, v10;
	v10 =	vsub.f32 v16, v10  }
0x1fd: {  	v2 =	vadd.s32 v15, v39;
	v42 =	vadd.s32 v38, v39;
	v45 =	vadd.s32 v14, v39;
	v39 =	vld.idx.msk [tilespmem:v52+s15+$0x0], $0xffff  }
0x1fe: {  	[tilespmem:v46+s16+$0x0] =	vst.idx.msk $0xffff, v5;
	v5 =	vsub.f32 v7, v18;
	v7 =	vmax.f32 v10, $1.000000000e-30;
	v10 =	vld [tilespmem:$0x1FD70]  }
0x1ff: {  	s31 =	scvt.s32.f32 s31;
	v57 =	vadd.s32 s8, v6  }
0x200: {  	s29 =	sadd.s32 $0x10, s29;
	v17 =	vld.idx.msk [tilespmem:v17+s15+$0x0], $0xffff;
	v36 =	vadd.s32 v4, v14;
	v62 =	vadd.s32 v4, v1;
	v29 =	vadd.s32 v4, v25;
	s8 =	scvt.s32.f32 s28;
	s28 =	scvt.s32.f32 s9  }
0x201: {  	v1 =	vadd.s32 v1, v51;
	v52 =	vsub.f32 s31, v9;
	s31 =	scvt.s32.f32 s29;
	v51 =	vsub.f32 v26, v28  }
0x202: {  	v6 =	vld.idx.msk [tilespmem:v40+s15+$0x0], $0xffff;
	[tilespmem:$0x1FE90] =	vst v3;
	v14 =	vadd.s32 v14, v49;
	v3 =	vsub.f32 s28, v13;
	v13 =	vsub.f32 v39, v13  }
0x203: {  	v19 =	vsub.f32 v19, v22;
	v49 =	vsub.f32 s31, v28;
	v16 =	vmax.f32 v51, $1.000000000e-30  }
0x204: {  	v28 =	vadd.f32 v44, v37;
	v13 =	vmax.f32 v13, $1.000000000e-30;
	(erf) = vrcp.f32 v16  }
0x205: {  	s30 =	scvt.s32.f32 s30;
	v9 =	vsub.f32 v17, v9;
	(erf) = vrcp.f32 v13  }
0x206: {  	v5 =	vmax.f32 v5, $1.000000000e-30;
	(erf) = vrcp.f32 v7;
	[tilespmem:v10+s16+$0x0] =	vst.idx.msk $0xffff, v28;
	v10 =	vmax.f32 v19, $1.000000000e-30  }
0x207: {  	s0 =	scvt.s32.f32 s0;
	v21 =	vld.idx.msk [tilespmem:v21+s15+$0x0], $0xffff;
	v55 =	vsub.f32 s30, v6;
	v6 =	vsub.f32 v50, v6;
	(erf) = vrcp.f32 v10  }
0x208: {  	[tilespmem:$0x1FEC0] =	vst v0;
	v0 =	vld.idx.msk [tilespmem:v35+s15+$0x0], $0xffff;
	v7 =	vmax.f32 v9, $1.000000000e-30;
	(erf) = vrcp.f32 v5  }
0x209: {  	v60 =	vsub.f32 s0, v22;
	v22 =	vld.idx.msk [tilespmem:v29+s2+$0x0], $0xffff;
	v29 =	vmovc v35;
	v35 =	vmovc v1;
	v1 =	vmax.f32 v6, $1.000000000e-30;
	(erf) = vrcp.f32 v7  }
0x20a: {  	(erf) = vrcp.f32 v1;
	v1 =	vld [tilespmem:$0x1FDD0]  }
0x20b: {  	v18 =	vld [tilespmem:$0x1FD60]  }
0x20c: {  	v17 =	vld [tilespmem:$0x1FD80]  }
0x20d: {  	v44 =	vld [tilespmem:$0x1FD40]  }
0x20e: {  	v51 =	vld.idx.msk [tilespmem:v45+s2+$0x0], $0xffff  }
0x20f: {  	v45 =	vadd.s32 v53, v1;
	v1 =	vld [tilespmem:$0x1FDE0]  }
0x210: {  	v48 =	vadd.f32 v48, v37;
	v43 =	vadd.s32 v4, v38;
	v46 =	vld.idx.msk [tilespmem:v42+s2+$0x0], $0xffff  }
0x211: {  	v38 =	vadd.s32 v38, v57;
	v57 =	vsub.f32 s8, v0;
	v0 =	vsub.f32 v21, v0;
	v21 =	vld [tilespmem:$0x1FDB0]  }
0x212: {  	v63 =	vadd.s32 v4, v15;
	v15 =	vadd.s32 v15, v44;
	v44 =	vld.idx.msk [tilespmem:v23+s2+$0x0], $0xffff;
	v23 =	vadd.f32 v47, v37  }
0x213: {  	[tilespmem:v30+s16+$0x0] =	vst.idx.msk $0xffff, v48;
	v48 =	vld.idx.msk [tilespmem:v12+s2+$0x0], $0xffff  }
0x214: {  	[tilespmem:v34+s16+$0x0] =	vst.idx.msk $0xffff, v23;
	v34 =	vadd.s32 v59, v1;
	v1 =	vld [tilespmem:$0x1FDF0]  }
0x215: {  	v50 =	vld.idx.msk [tilespmem:v20+s2+$0x0], $0xffff  }
0x216: {  	v16 =	vld [tilespmem:$0x1FD50]  }
0x217: {  	p1 =	slt.u32 s25, $0x38;
	v47 =	vld.idx.msk [tilespmem:v43+s2+$0x0], $0xffff  }
.Ltmp2:
0x218: {  	v23 =	vld [tilespmem:$0x1FDA0];
	(pc) =	sbr.rel @p1 .LBB2_7-.Ltmp2, $4  }
0x219: {  	v58 =	vadd.s32 v4, v53;
	v19 =	vld [tilespmem:$0x1FD90]  }
0x21a: {  	v4 =	vadd.s32 v4, v59;
	v42 =	vlaneseq.u32;
	v0 =	vmax.f32 v0, $1.000000000e-30;
	v26 =	vmovc v32;
	v5 =	vld.idx.msk [tilespmem:v36+s2+$0x0], $0xffff  }
0x21b: {  	v32 =	vmovc v40;
	v40 =	vmovc v14;
	v43 =	vimm.s32 $0x0;
	v7 =	vadd.f32 v61, v37;
	v61 =	vsub.f32 v22, v44;
	v22 =	vld [tilespmem:$0x1FDC0]  }
0x21c: {  	v30 =	vmovc v15;
	v28 =	vmovc v33;
	v33 =	vmov v11;
	v36 =	vimm.s32 $0x1;
	(erf) = vrcp.f32 v0;
	v53 =	vld.idx.msk [tilespmem:v1+s2+$0x0], $0xffff  }
0x21d: {  	_ =	sdelay $0x3  }
0x21e: {  	[tilespmem:v23+s16+$0x0] =	vst.idx.msk $0xffff, v7  }
0x21f: {  	[tilespmem:v16+s17+$0x0] =	vst.idx.add.s32.msk $0xffff, v36  }
0x220: {  	[tilespmem:v21+s17+$0x0] =	vst.idx.add.s32.msk $0xffff, v36  }
0x221: {  	[tilespmem:v22+s17+$0x0] =	vst.idx.add.s32.msk $0xffff, v36  }
0x222: {  	v21 =	vld [tilespmem:$0x1FE00];
	_ =	sdelay $0x2  }
0x223: {  	v0 =	vld.idx.msk [tilespmem:v62+s2+$0x0], $0xffff;
	v1 =	vpop (erf)  }
0x224: {  	v2 =	vld.idx.msk [tilespmem:v2+s2+$0x0], $0xffff;
	v6 =	vpop (erf)  }
0x225: {  	v10 =	vld.idx.msk [tilespmem:v63+s2+$0x0], $0xffff;
	v3 =	vmul.f32 v6, v3;
	v6 =	vpop (erf)  }
0x226: {  	v12 =	vld.idx.msk [tilespmem:v56+s2+$0x0], $0xffff;
	v6 =	vmul.f32 v6, v8;
	v8 =	vpop (erf)  }
0x227: {  	v4 =	vld.idx.msk [tilespmem:v4+s2+$0x0], $0xffff;
	v13 =	vpop (erf)  }
0x228: {  	v15 =	vpop (erf);
	[tilespmem:v21+s17+$0x0] =	vst.idx.add.s32.msk $0xffff, v36  }
0x229: {  	v7 =	vmul.f32 v15, v52;
	v21 =	vld [tilespmem:$0x1FEC0]  }
0x22a: {  	v1 =	vmul.f32 v1, v49;
	[tilespmem:v19+s17+$0x0] =	vst.idx.add.s32.msk $0xffff, v36  }
0x22b: {  	v10 =	vsub.f32 v10, v2;
	v7 =	vmax.f32 v7, $0.0e+00;
	[tilespmem:v18+s17+$0x0] =	vst.idx.add.s32.msk $0xffff, v36  }
0x22c: {  	v9 =	vsub.f32 v47, v46;
	v1 =	vmax.f32 v1, $0.0e+00;
	v7 =	vmin.f32 v7, $1.000000000e+00;
	[tilespmem:v17+s17+$0x0] =	vst.idx.add.s32.msk $0xffff, v36  }
0x22d: {  	v3 =	vmax.f32 v3, $0.0e+00;
	v1 =	vmin.f32 v1, $1.000000000e+00;
	v7 =	vmul.f32 v7, v10;
	v10 =	vld [tilespmem:$0x1FF90]  }
0x22e: {  	v11 =	vsub.f32 v50, v48;
	v3 =	vmin.f32 v3, $1.000000000e+00;
	v1 =	vmul.f32 v1, v61  }
0x22f: {  	v5 =	vsub.f32 v5, v51;
	v8 =	vmul.f32 v8, v60;
	v3 =	vmul.f32 v3, v9  }
0x230: {  	v13 =	vmul.f32 v13, v54;
	v0 =	vsub.f32 v0, v53;
	v1 =	vadd.f32 v1, v44  }
0x231: {  	v6 =	vmax.f32 v6, $0.0e+00;
	v8 =	vmax.f32 v8, $0.0e+00;
	v3 =	vadd.f32 v3, v46  }
0x232: {  	v4 =	vsub.f32 v4, v12;
	v8 =	vmin.f32 v8, $1.000000000e+00;
	v1 =	vmul.f32 v1, v10  }
0x233: {  	v62 =	vpop (erf);
	v6 =	vmin.f32 v6, $1.000000000e+00;
	v5 =	vmul.f32 v8, v5;
	v3 =	vmul.f32 v3, v10  }
0x234: {  	v15 =	vmul.f32 v62, v55;
	v13 =	vmax.f32 v13, $0.0e+00;
	v1 =	vadd.f32 v1, v37  }
0x235: {  	v13 =	vmin.f32 v13, $1.000000000e+00;
	v5 =	vadd.f32 v5, v51;
	v3 =	vadd.f32 v3, v37  }
0x236: {  	v14 =	vld.idx.msk [tilespmem:v58+s2+$0x0], $0xffff;
	v6 =	vmul.f32 v6, v11;
	v63 =	vpop (erf);
	v0 =	vmul.f32 v13, v0;
	[tilespmem:v41+s16+$0x0] =	vst.idx.msk $0xffff, v1  }
0x237: {  	v16 =	vmul.f32 v63, v57;
	v5 =	vmul.f32 v5, v10;
	[tilespmem:v38+s16+$0x0] =	vst.idx.msk $0xffff, v3  }
0x238: {  	v15 =	vmax.f32 v15, $0.0e+00;
	v6 =	vadd.f32 v6, v48;
	v0 =	vadd.f32 v0, v53;
	[tilespmem:v24+s17+$0x0] =	vst.idx.add.s32.msk $0xffff, v36  }
0x239: {  	v8 =	vmin.f32 v15, $1.000000000e+00;
	v2 =	vadd.f32 v7, v2;
	v3 =	vadd.f32 v5, v37;
	v5 =	vld [tilespmem:$0x1FE90]  }
0x23a: {  	v16 =	vmax.f32 v16, $0.0e+00;
	v4 =	vmul.f32 v8, v4;
	v0 =	vmul.f32 v0, v10  }
0x23b: {  	v16 =	vmin.f32 v16, $1.000000000e+00;
	v14 =	vsub.f32 v14, v21;
	v2 =	vmul.f32 v2, v10  }
0x23c: {  	v4 =	vadd.f32 v4, v12;
	v6 =	vmul.f32 v6, v10;
	v0 =	vadd.f32 v0, v37  }
0x23d: {  	v9 =	vmul.f32 v16, v14;
	v2 =	vadd.f32 v2, v37;
	[tilespmem:v40+s16+$0x0] =	vst.idx.msk $0xffff, v3  }
0x23e: {  	v4 =	vmul.f32 v4, v10;
	[tilespmem:v35+s16+$0x0] =	vst.idx.msk $0xffff, v0  }
0x23f: {  	v7 =	vadd.f32 v9, v21;
	v1 =	vadd.f32 v6, v37;
	[tilespmem:v30+s16+$0x0] =	vst.idx.msk $0xffff, v2  }
0x240: {  	[tilespmem:v27+s17+$0x0] =	vst.idx.add.s32.msk $0xffff, v36  }
0x241: {  	v3 =	vadd.f32 v4, v37;
	[tilespmem:v5+s16+$0x0] =	vst.idx.msk $0xffff, v1;
	v1 =	vmul.f32 v7, v10  }
0x242: {  	[tilespmem:v26+s17+$0x0] =	vst.idx.add.s32.msk $0xffff, v36  }
0x243: {  	[tilespmem:v34+s16+$0x0] =	vst.idx.msk $0xffff, v3;
	v0 =	vadd.f32 v1, v37  }
0x244: {  	[tilespmem:v28+s17+$0x0] =	vst.idx.add.s32.msk $0xffff, v36  }
0x245: {  	[tilespmem:v45+s16+$0x0] =	vst.idx.msk $0xffff, v0  }
0x246: {  	v0 =	vld [tilespmem:$0x1FE50];
	_ =	sdelay $0x4  }
0x247: {  	[tilespmem:v33+s17+$0x0] =	vst.idx.add.s32.msk $0xffff, v36  }
0x248: {  	[tilespmem:v32+s17+$0x0] =	vst.idx.add.s32.msk $0xffff, v36  }
0x249: {  	[tilespmem:v29+s17+$0x0] =	vst.idx.add.s32.msk $0xffff, v36  }
0x24a: {  	[tilespmem:v0+s17+$0x0] =	vst.idx.add.s32.msk $0xffff, v36  }
0x24b: {  	v0 =	vld [tilespmem:$0x2A00];
	_ =	sdelay $0x4  }
0x24c: {  	v0 =	vadd.s32 v25, v0  }
0x24d: {  	v1 =	vadd.s32 $0xFFFFFFFF, v0;
	vm0 =	vlt.s32 v0, $0x40  }
0x24e: {  	v0 =	vnsel vm0, $0x40, v0;
	v2 =	vshll.u32 v1, $0x4  }
0x24f: {  	v3 =	vor.u32 v42, v2;
	v2 =	vshll.u32 v0, $0x4  }
0x250: {  	v4 =	vor.u32 v42, v2;
	_ =	sdelay $0x1  }
0x251: {  	v2 =	vimm.s32 $0x0  }
0x252: {  	[tilespmem:$0x2A00] =	vst v2  }
0x253: {  	v3 =	vld.idx.msk [tilespmem:v3+s15+$0x0], $0xffff  }
0x254: {  	v4 =	vld.idx.msk [tilespmem:v4+s15+$0x0], $0xffff;
	_ =	sdelay $0x4  }
0x255: {  	v4 =	vsub.f32 v4, v3;
	_ =	sdelay $0x1  }
0x256: {  	v4 =	vmax.f32 v4, $1.000000000e-30  }
0x257: {  	(erf) = vrcp.f32 v4;
	v4 =	vld [tilespmem:$0x1FF70];
	_ =	sdelay $0x4  }
0x258: {  	v1 =	vadd.s32 v4, v1  }
0x259: {  	v6 =	vld [tilespmem:$0x1FFE0];
	v0 =	vadd.s32 v4, v0  }
0x25a: {  	v5 =	vld [tilespmem:$0x1FF60];
	_ =	sdelay $0x1  }
0x25b: {  	s0 =	simm.s32 $0x0  }
0x25c: {  	v1 =	vld.idx.msk [tilespmem:v1+s0+$0x0], $0xffff  }
0x25d: {  	v4 =	vadd.s32 $0x40, v6;
	v0 =	vld.idx.msk [tilespmem:v0+s0+$0x0], $0xffff  }
0x25e: {  	v3 =	vsub.f32 $6.500000000e+01, v3;
	v4 =	vadd.s32 v4, v5  }
0x25f: {  	v5 =	vpop (erf)  }
0x260: {  	v3 =	vmul.f32 v5, v3;
	_ =	sdelay $0x1  }
0x261: {  	v9 =	vld [tilespmem:$0x1FFF0];
	v3 =	vmax.f32 v3, $0.0e+00;
	v0 =	vsub.f32 v0, v1  }
0x262: {  	v4 =	vld.idx.msk [tilespmem:v4+s0+$0x0], $0xffff;
	v3 =	vmin.f32 v3, $1.000000000e+00  }
0x263: {  	v0 =	vmul.f32 v3, v0;
	v3 =	vld [tilespmem:$0x1FF80];
	_ =	sdelay $0x2  }
0x264: {  	v0 =	vadd.f32 v0, v1  }
0x265: {  	v1 =	vadd.s32 $0x80, v9  }
0x266: {  	v0 =	vmax.f32 v4, v0;
	v1 =	vadd.s32 v1, v3  }
0x267: {  	v0 =	vmul.f32 v0, v10;
	_ =	sdelay $0x1  }
0x268: {  	v0 =	vadd.f32 v0, v37;
	_ =	sdelay $0x1  }
0x269: {  	s3 =	simm.s32 $0x2AC0;
	v20 =	vld [tilespmem:$0x1FF50];
	[tilespmem:v1+s16+$0x0] =	vst.idx.msk $0xffff, v0  }
.LBB2_9:
0x26a: {  	v4 =	vld [tilespmem:$0x1FF70];
	_ =	sdelay $0x4  }
0x26b: {  	v0 =	vadd.s32 s0, v4;
	_ =	sdelay $0x3  }
0x26c: {  	v5 =	vld [tilespmem:$0x1FF90]  }
0x26d: {  	v0 =	vld.idx.msk [tilespmem:v0+s2+$0x0], $0xffff;
	_ =	sdelay $0x2  }
0x26e: {  	v1 =	vadd.s32 v20, v2  }
0x26f: {  	v1 =	vadd.s32 s0, v1  }
0x270: {  	v0 =	vmul.f32 v0, v5  }
0x271: {  	s8 =	sadd.s32 $0x1, s0  }
0x272: {  	v3 =	vadd.s32 s8, v4;
	v0 =	vadd.f32 v0, v37;
	_ =	sdelay $0x1  }
0x273: {  	[tilespmem:v1+s16+$0x0] =	vst.idx.msk $0xffff, v0  }
0x274: {  	v0 =	vld [tilespmem:s3+$0xFFFFFFC0];
	_ =	sdelay $0x1  }
0x275: {  	v1 =	vld.idx.msk [tilespmem:v3+s2+$0x0], $0xffff;
	_ =	sdelay $0x2  }
0x276: {  	v0 =	vadd.s32 v2, v0;
	v2 =	vadd.s32 s8, v20  }
0x277: {  	v2 =	vadd.s32 v0, v2  }
0x278: {  	v1 =	vmul.f32 v1, v5  }
0x279: {  	s25 =	sadd.s32 $0x2, s0  }
0x27a: {  	v3 =	vadd.s32 s25, v4;
	v1 =	vadd.f32 v1, v37;
	_ =	sdelay $0x1  }
0x27b: {  	[tilespmem:v2+s16+$0x0] =	vst.idx.msk $0xffff, v1  }
0x27c: {  	v1 =	vld [tilespmem:s3+$0xFFFFFFD0];
	_ =	sdelay $0x1  }
0x27d: {  	v2 =	vld.idx.msk [tilespmem:v3+s2+$0x0], $0xffff;
	_ =	sdelay $0x2  }
0x27e: {  	v0 =	vadd.s32 v0, v1;
	v1 =	vadd.s32 s25, v20  }
0x27f: {  	v1 =	vadd.s32 v0, v1  }
0x280: {  	v2 =	vmul.f32 v2, v5  }
0x281: {  	s26 =	sadd.s32 $0x3, s0  }
0x282: {  	v3 =	vadd.s32 s26, v4;
	v2 =	vadd.f32 v2, v37;
	_ =	sdelay $0x1  }
0x283: {  	[tilespmem:v1+s16+$0x0] =	vst.idx.msk $0xffff, v2  }
0x284: {  	v1 =	vld [tilespmem:s3+$0xFFFFFFE0];
	_ =	sdelay $0x1  }
0x285: {  	v2 =	vld.idx.msk [tilespmem:v3+s2+$0x0], $0xffff;
	_ =	sdelay $0x2  }
0x286: {  	v0 =	vadd.s32 v0, v1;
	v1 =	vadd.s32 s26, v20  }
0x287: {  	v1 =	vadd.s32 v0, v1  }
0x288: {  	v2 =	vmul.f32 v2, v5  }
0x289: {  	s28 =	sadd.s32 $0x4, s0  }
0x28a: {  	v3 =	vadd.s32 s28, v4;
	v2 =	vadd.f32 v2, v37;
	_ =	sdelay $0x1  }
0x28b: {  	[tilespmem:v1+s16+$0x0] =	vst.idx.msk $0xffff, v2  }
0x28c: {  	v1 =	vld [tilespmem:s3+$0xFFFFFFF0];
	_ =	sdelay $0x1  }
0x28d: {  	v2 =	vld.idx.msk [tilespmem:v3+s2+$0x0], $0xffff;
	_ =	sdelay $0x2  }
0x28e: {  	v0 =	vadd.s32 v0, v1;
	v1 =	vadd.s32 s28, v20  }
0x28f: {  	v1 =	vadd.s32 v0, v1  }
0x290: {  	v2 =	vmul.f32 v2, v5  }
0x291: {  	s29 =	sadd.s32 $0x5, s0  }
0x292: {  	v3 =	vadd.s32 s29, v4;
	v2 =	vadd.f32 v2, v37;
	_ =	sdelay $0x1  }
0x293: {  	[tilespmem:v1+s16+$0x0] =	vst.idx.msk $0xffff, v2  }
0x294: {  	v1 =	vld [tilespmem:s3+$0x0];
	_ =	sdelay $0x1  }
0x295: {  	v2 =	vld.idx.msk [tilespmem:v3+s2+$0x0], $0xffff;
	_ =	sdelay $0x2  }
0x296: {  	v0 =	vadd.s32 v0, v1;
	v1 =	vadd.s32 s29, v20  }
0x297: {  	v1 =	vadd.s32 v0, v1  }
0x298: {  	v2 =	vmul.f32 v2, v5  }
0x299: {  	s30 =	sadd.s32 $0x6, s0  }
0x29a: {  	v3 =	vadd.s32 s30, v4;
	v2 =	vadd.f32 v2, v37;
	_ =	sdelay $0x1  }
0x29b: {  	[tilespmem:v1+s16+$0x0] =	vst.idx.msk $0xffff, v2  }
0x29c: {  	v1 =	vld [tilespmem:s3+$0x10];
	_ =	sdelay $0x1  }
0x29d: {  	v2 =	vld.idx.msk [tilespmem:v3+s2+$0x0], $0xffff;
	_ =	sdelay $0x2  }
0x29e: {  	v0 =	vadd.s32 v0, v1;
	v1 =	vadd.s32 s30, v20  }
0x29f: {  	v1 =	vadd.s32 v0, v1  }
0x2a0: {  	v2 =	vmul.f32 v2, v5  }
0x2a1: {  	s31 =	sadd.s32 $0x7, s0  }
0x2a2: {  	v3 =	vadd.s32 s31, v4;
	v2 =	vadd.f32 v2, v37;
	_ =	sdelay $0x1  }
0x2a3: {  	[tilespmem:v1+s16+$0x0] =	vst.idx.msk $0xffff, v2  }
0x2a4: {  	v1 =	vld [tilespmem:s3+$0x20];
	_ =	sdelay $0x1  }
0x2a5: {  	v2 =	vld.idx.msk [tilespmem:v3+s2+$0x0], $0xffff;
	_ =	sdelay $0x2  }
0x2a6: {  	v0 =	vadd.s32 v0, v1;
	v1 =	vadd.s32 s31, v20  }
0x2a7: {  	v1 =	vadd.s32 v0, v1  }
0x2a8: {  	v2 =	vmul.f32 v2, v5;
	_ =	sdelay $0x1  }
0x2a9: {  	[tilespmem:s3+$0xFFFFFFC0] =	vst v43;
	v2 =	vadd.f32 v2, v37  }
0x2aa: {  	[tilespmem:s3+$0xFFFFFFD0] =	vst v43  }
0x2ab: {  	[tilespmem:v1+s16+$0x0] =	vst.idx.msk $0xffff, v2  }
0x2ac: {  	p1 =	slt.u32 s0, $0x38;
	[tilespmem:s3+$0xFFFFFFE0] =	vst v43;
	v1 =	vld [tilespmem:s3+$0x30]  }
.Ltmp3:
0x2ad: {  	[tilespmem:s3+$0xFFFFFFF0] =	vst v43;
	(pc) =	sbr.rel @p1 .LBB2_9-.Ltmp3, $4  }
0x2ae: {  	[tilespmem:s3+$0x0] =	vst v43  }
0x2af: {  	[tilespmem:s3+$0x10] =	vst v43  }
0x2b0: {  	[tilespmem:s3+$0x20] =	vst v43  }
0x2b1: {  	s0 =	sadd.s32 $0x8, s0;
	[tilespmem:s3+$0x30] =	vst v43;
	s3 =	sadd.s32 $0x80, s3;
	v2 =	vadd.s32 v0, v1  }
0x2b2: {  	p1 =	sne.s32 s24, $0x0  }
0x2b3: {  	s0 =	sadd.s32 @!p1 s7, s22  }
0x2b4: {  	s0 =	smul.u32 @!p1 $0x102, s0  }
0x2b5: {  	s3 =	sadd.s32 @p0 s7, s22;
	s8 =	simm.s32 @!p1 $0x0  }
0x2b6: {  	s9 =	simm.s32 @!p1 $0x1100;
	s3 =	smul.u32 @p0 $0x102, s3;
	s0 =	sadd.s32 @!p1 s1, s0  }
0x2b7: {  	[hbm4b:s0+s8] =	stream.linear.scatter @!p1 [tilespmem:s9], [sflag:$0x3], $0x810, $0x38;
	[tilespmem:$0x2F00] =	vst v63  }
0x2b8: {  	s0 =	sadd.s32 @p0 s1, s3;
	s3 =	simm.s32 @p0 $0x0;
	s8 =	simm.s32 @p0 $0x1910  }
0x2b9: {  	[hbm4b:s0+s3] =	stream.linear.scatter @p0 [tilespmem:s8], [sflag:$0x4], $0x810, $0x38;
	[tilespmem:$0x2F00] =	vst v63  }
0x2ba: {  	p0 =	sne.s32 s23, $0x80  }
.Ltmp4:
0x2bb: {  	_ = 	snop;
	(pc) =	sbr.rel @p0 .LBB2_2-.Ltmp4, $2  }
0x2bc: {  	_ =	sdelay $0x2  }
0x2bd: {  	v10 =	vmov v31;
	s22 =	smov.u32 s23  }
0x2be: {  	_ =	swait.ge [sflag:s18], $0x810  }
0x2bf: {  	[sflag:s18] =	ssyncset.done $0x0  }
0x2c0: {  	[sflag:s18] =	ssyncadd.s32 $0xFFFFF7F0  }
0x2c1: {  	_ =	swait.ge [sflag:s19], $0x810  }
0x2c2: {  	[sflag:s19] =	ssyncset.done $0x0  }
0x2c3: {  	[sflag:s19] =	ssyncadd.s32 $0xFFFFF7F0  }
0x2c4: {  	_ =	swait.ge [sflag:s20], $0x410  }
0x2c5: {  	[sflag:s20] =	ssyncset.done $0x0  }
0x2c6: {  	s21 =	sadd.s32 $0x1, s21;
	[sflag:s20] =	ssyncadd.s32 $0xFFFFFBF0  }
0x2c7: {  	p0 =	sne.s32 s21, s11;
	_ =	swait.ge [sflag:s20], $0x400  }
.Ltmp5:
0x2c8: {  	[sflag:s20] =	ssyncset.done $0x0;
	(pc) =	sbr.rel @p0 .LBB2_1-.Ltmp5, $4  }
0x2c9: {  	[sflag:s20] =	ssyncadd.s32 $0xFFFFFC00  }
0x2ca: {  	_ =	swait.ge [sflag:s20], $0x20  }
0x2cb: {  	[sflag:s20] =	ssyncset.done $0x0  }
0x2cc: {  	[sflag:s20] =	ssyncadd.s32 $0xFFFFFFE0  }
0x2cd: {  	_ =	sfence.sel $0x180000  }
0x2ce: {  	[bflag:$0x0] =	sbarrier.arrive $0xFFFF  }
0x2cf: {  	_ =	strace $0x90000047  }
0x2d0: {  	s0 =	stileid.u32;
	[bflag:$0x2] =	sbarrier.arrive $0xFFFF  }
0x2d1: {  	p0 =	sne.s32 s0, $0x0;
	s0 =	rddreg [dreg:$0x2]  }
0x2d2: {  	s0 =	sadd.s32 @!p0 $0x100000, s0  }
0x2d3: {  	[sflag:s0] =	ssyncadd.tile.s32 @!p0 $0x1;
	_ =	shalt  }
.Lfunc_end2:
_tile_overlayer_lowered:
.L_overlay_start_2:
0x2d4: {  	(tag) =	ssettag $0x2  }
0x2d5: {  	s0 =	rddreg [dreg:$0x0];
	s2 =	stileid.u32  }
0x2d6: {  	s1 =	rddreg [dreg:$0x1];
	p0 =	sne.s32 s2, $0x0  }
0x2d7: {  	s3 =	rddreg [dreg:$0x2];
	[bflag:$0x3] =	sbarrier.arrive $0xFFFF;
	s2 =	simm.s32 @!p0 $0x1C05  }
0x2d8: {  	[timem:s3], [sflag:s2] =	dma.local @!p0 [hbm:s0], s1  }
0x2d9: {  	s0 =	simm.s32 @!p0 $0x5  }
0x2da: {  	_ =	swait.ge @!p0 [sflag:s0], s1  }
0x2db: {  	s1 =	ssub.s32 @!p0 $0x0, s1;
	[sflag:s0] =	ssyncset.done @!p0 $0x0  }
0x2dc: {  	[sflag:s0] =	ssyncadd.s32 @!p0 s1  }
0x2dd: {  	[bflag:$0x3] =	sbarrier.arrive $0xFFFF  }
0x2de: {  	_ =	shalt  }

// kernel: sparse-core-data-format-call.cloned.1.call-start
scs
called_computation_lowered:
.L_overlay_start_0:
0x0: {  	s2 =	sld [smem:$0x3FD9]  }
0x1: {  	s3 =	sld [smem:$0x3FFE];
	_ =	sdelay $0x1  }
0x2: {  	s1 =	srdreg.scid  }
0x3: {  	s0 =	sand.u32 $0x1, s1  }
0x4: {  	s18 =	sshll.u32 s0, $0xA;
	s2 =	sadd.s32 s3, s2  }
0x5: {  	s2 =	sadd.s32 s2, s18  }
0x6: {  	[smem:$0x3FC4] =	sst s2  }
0x7: {  	_ = 	snop  }
0x8: {  	s2 =	sld [smem:$0x3FD0];
	(tm) =	ssettm $0x1  }
0x9: {  	s19 =	sld [smem:$0x3FFB];
	_ =	sdelay $0x3  }
0xa: {  	_ =	strace s19  }
0xb: {  	s3 =	sld [smem:$0x3FFC];
	_ =	sdelay $0x3  }
0xc: {  	_ =	strace s3  }
0xd: {  	s3 =	sld [smem:$0x3FFD];
	_ =	sdelay $0x3  }
0xe: {  	_ =	strace s3  }
0xf: {  	_ =	strace $0x8FFFFFFF  }
0x10: {  	s20 =	sld [smem:$0x3FDB];
	_ =	sdelay $0x1  }
0x11: {  	s4 =	simm.s32 $_scs_section_size  }
0x12: {  	s5 =	simm.s32 $_size__tile_overlayer_lowered;
	s6 =	simm.s32 $_tile_overlayer_lowered  }
0x13: {  	s23 =	simm.s32 $0x1BFF;
	s22 =	sshll.u32 s6, $0x1;
	s3 =	sadd.s32 s4, s20  }
0x14: {  	s7 =	simm.s32 $0x0;
	s21 =	sshll.u32 s5, $0x1;
	s5 =	sadd.s32 s22, s3  }
0x15: {  	[timem:s7], [sflag:s23] =	dma.local [hbm:s5], s21  }
0x16: {  	_ =	swait.ge [sflag:s23], s21  }
0x17: {  	s4 =	ssub.s32 $0x0, s21;
	[sflag:s23] =	ssyncset.done $0x0  }
0x18: {  	[sflag:s23] =	ssyncadd.s32 s4;
	_ =	sdelay $0x1  }
0x19: {  	s24 =	simm.s32 $0x1B8B  }
0x1a: {  	_ =	swait.ge [sflag:s24], $0x1  }
0x1b: {  	[sflag:s24] =	ssyncset.done $0x0  }
0x1c: {  	s26 =	simm.s32 $0x1B8E;
	s25 =	sld [smem:$0x3FFE];
	[sflag:s24] =	ssyncadd.s32 $0xFFFFFFFF  }
0x1d: {  	s27 =	simm.s32 $execute0_lowered;
	[smem:$0x3FD2] =	sst s26  }
0x1e: {  	s5 =	sshll.u32 s27, $0x1;
	_ =	strace $0x80000049;
	[dreg:$0x1] =	wrdreg $0xFFFFFFFF  }
0x1f: {  	s28 =	simm.s32 $_size_execute0_lowered;
	s3 =	sadd.s32 s3, s5;
	[dreg:$0x0] =	wrdreg $0x0  }
0x20: {  	s5 =	sshll.u32 s28, $0x1;
	[dreg:$0x2] =	wrdreg s3  }
0x21: {  	[dreg:$0x3] =	wrdreg s5  }
0x22: {  	[dreg:$0x4] =	wrdreg $0xC0  }
0x23: {  	_ =	task [dreg:s7], $0x5FFFF  }
0x24: {  	[dreg:$0x1] =	wrdreg $0xFFFFFFFF  }
0x25: {  	[dreg:$0x0] =	wrdreg $0x60  }
0x26: {  	[dreg:$0x2] =	wrdreg s25  }
0x27: {  	[dreg:$0x3] =	wrdreg s2  }
0x28: {  	[dreg:$0x4] =	wrdreg $0x9  }
0x29: {  	_ =	task.clear_ibuf [dreg:s7], $0x5FFFF;
	_ =	strace $0x90000049  }
0x2a: {  	s29 =	simm.s32 $0x9;
	_ =	strace $0x8000004B  }
0x2b: {  	_ =	swait.ge [sflag:s29], $0x1  }
0x2c: {  	[sflag:s29] =	ssyncadd.s32 $0xFFFFFFFF  }
0x2d: {  	_ =	strace $0x9000004B  }
0x2e: {  	_ =	sfence  }
0x2f: {  	s30 =	sld [smem:$0x0];
	_ =	sdelay $0x2  }
0x30: {  	s31 =	sshll.u32 s1, $0xD;
	s1 =	sshrl.u32 s1, $0x2  }
0x31: {  	s3 =	sand.u32 $0x4000, s31;
	s1 =	sadd.s32 s1, s30  }
0x32: {  	s0 =	sor.u32 s3, s0;
	s1 =	sshll.u32 s1, $0x11  }
0x33: {  	s0 =	sor.u32 s1, s0  }
0x34: {  	s0 =	sadd.s32 $0x8F2B, s0  }
0x35: {  	[sflag:s0] =	ssyncadd.remote.s32 $0x1  }
0x36: {  	_ =	sfence.sel $0xFFFF  }
0x37: {  	[dreg:$0x0] =	wrdreg $0xFFFFFFFF;
	(pc) =	sbr.abs _section_cstart, $3  }
0x38: {  	[dreg:$0x1] =	wrdreg $0xFFFFFFFF  }
0x39: {  	_ =	task.clear_ibuf [dreg:s7], $0x2FFFF;
	_ =	strace $0x9FFFFFFF  }
0x3a: {  	(tm) =	ssettm $0x7FFFFFFF  }
0x3b: {  	_ =	shalt  }
tec
execute0_lowered:
.L_overlay_start_1:
0x0: {  	(tag) =	ssettag $0x1  }
0x1: {  	s5 =	rddreg [dreg:$0x0]  }
0x2: {  	s0 =	srdreg.scid;
	s3 =	rddreg [dreg:$0x1];
	s7 =	simm.s32 $0x1  }
0x3: {  	s8 =	simm.s32 $0x2;
	s15 =	simm.s32 $0x0;
	s1 =	sshll.u32 s0, $0x4  }
0x4: {  	s14 =	simm.s32 $0x0;
	s0 =	stileid.u32;
	s1 =	sand.u32 $0x10, s1  }
0x5: {  	s9 =	simm.s32 $0x0;
	s10 =	simm.s32 $0x0;
	s1 =	sor.u32 s0, s1  }
0x6: {  	s11 =	simm.s32 $0x0;
	s13 =	simm.s32 $0x0;
	s2 =	sshll.u32 s1, $0x7  }
0x7: {  	s5 =	sadd.s32 $0x2C00, s5;
	s1 =	rddreg [dreg:$0x2];
	s6 =	ssub.s32 $0x10000, s2  }
.Ltmp0:
0x8: {  	_ =	strace $0x8000004A;
	s4 =	sand.u32 $0xF80, s6;
	(pc) =	sbr.rel .LBB1_1-.Ltmp0, $4  }
0x9: {  	s12 =	smov.u32 s2;
	p0 =	sne.s32 s4, $0x0;
	s4 =	simm.s32 $0x1  }
0xa: {  	s6 =	sshrl.u32 s6, $0xC;
	s7 =	simm.s32 @!p0 $0x0;
	[sflag:s4] =	ssyncpa.u1 $0x0  }
0xb: {  	p0 =	por $0x0, $0x0;
	s7 =	sadd.s32 s7, s6;
	[sflag:s8] =	ssyncpa.u1 $0x0  }
0xc: {  	s8 =	simm.s32 $0x80000;
	s6 =	sshll.u32 s7, $0x1;
	s7 =	sshllo.u32 s7, $0x1  }
.LBB1_4:
0xd: {  	s21 =	sshll.u32 s9, $0x10;
	s22 =	sshll.u32 s10, $0x3;
	s20 =	sshra.s32 s20, $0x2  }
0xe: {  	s28 =	sand.u32 $0x78, s10;
	s29 =	sshll.u32 s9, $0x7;
	p1 =	sgt.s32 s9, $0x8  }
0xf: {  	s25 =	sshra.s32 s9, $0x1F;
	s31 =	sshra.s32 s10, $0x1F;
	s21 =	sand.u32 $0xFFF80000, s21  }
0x10: {  	s23 =	sand.u32 $0xFFFFFC00, s22;
	s19 =	sadd.s32 s20, s19;
	s22 =	sand.u32 $0xFC00, s22  }
0x11: {  	v5 =	vld [tilespmem:s17+$0xFFFFFFD0];
	[tilespmem:s18+$0x2040 ss:$0x81] =	vst.msk $0xffff, v4;
	s25 =	sand.u32 s25, s9;
	s27 =	sadd.s32 s23, s21;
	s23 =	sand.u32 $0x380, s29  }
0x12: {  	v58 =	vld [tilespmem:s17+$0xFFFFFFE0];
	[tilespmem:s18+$0x2850 ss:$0x81] =	vst.msk $0xffff, v3;
	s21 =	sor.u32 s28, s22;
	s22 =	smov.u32 s9;
	s20 =	sshrl.u32 s27, $0x10  }
0x13: {  	v59 =	vld [tilespmem:s17+$0xFFFFFFF0];
	[tilespmem:s18+$0x3060 ss:$0x81] =	vst.msk $0xffff, v2;
	s22 =	simm.s32 @!p1 $0x8;
	p1 =	sgt.s32 s10, $0xFF80;
	s24 =	smul.u32 $0xF0F1, s20  }
0x14: {  	v60 =	vld [tilespmem:s17+$0x0];
	[tilespmem:s18+$0x0 ss:$0x81] =	vst.msk $0xffff, v1;
	s21 =	sor.u32 s23, s21;
	s30 =	ssub.s32 s22, s25;
	s22 =	smov.u32 s10  }
0x15: {  	v61 =	vld [tilespmem:s17+$0x10];
	[tilespmem:s19+$0x3870 ss:$0x81] =	vst.msk $0xffff, v0;
	s25 =	sand.u32 s31, s10;
	s22 =	simm.s32 @!p1 $0xFF80;
	s24 =	sshrl.u32 s24, $0x17  }
0x16: {  	v62 =	vld [tilespmem:s17+$0x20];
	[tilespmem:s19+$0x810 ss:$0x81] =	vst.msk $0xffff, v5;
	s26 =	sadd.s32 $0xFFFFFFF8, s30;
	s22 =	ssub.s32 s22, s25;
	s24 =	smul.u32 $0x88, s24  }
0x17: {  	v63 =	vld [tilespmem:s17+$0xFFFFFFC0];
	[tilespmem:s19+$0x1020 ss:$0x81] =	vst.msk $0xffff, v58;
	s18 =	ssub.s32 $0x88, s30;
	p1 =	sgt.s32 s26, $0x7F;
	s28 =	sadd.s32 $0xFFFF0080, s22  }
0x18: {  	[tilespmem:s19+$0x1830 ss:$0x81] =	vst.msk $0xffff, v59;
	p2 =	sgt.s32 s28, $0x7F;
	s27 =	ssub.s32 s20, s24;
	s20 =	ssub.s32 $0x10000, s22  }
0x19: {  	s29 =	sshrl.u32 s21, $0x3;
	[tilespmem:s19+$0x2040 ss:$0x81] =	vst.msk $0xffff, v60;
	s18 =	simm.s32 @p1 $0x0;
	s20 =	simm.s32 @p2 $0x0  }
0x1a: {  	[tilespmem:s19+$0x2850 ss:$0x81] =	vst.msk $0xffff, v61;
	s30 =	sand.u32 $0x7, s10;
	s17 =	sand.u32 $0xFFFF, s27;
	s18 =	smul.u32 s20, s18  }
0x1b: {  	[tilespmem:s19+$0x3060 ss:$0x81] =	vst.msk $0xffff, v62;
	s21 =	sshll.u32 s30, $0x12;
	s17 =	sshll.u32 s17, $0xD;
	s20 =	sadd.s32 s3, s29  }
0x1c: {  	[tilespmem:s19+$0x0 ss:$0x81] =	vst.msk $0xffff, v63;
	s31 =	sor.u32 $0x400, s21;
	s17 =	sadd.s32 s17, s20;
	s18 =	sand.u32 $0x3FFFFFFF, s18  }
0x1d: {  	[hbm4b:s17+s31] =	stream.strided.scatter [tilespmem:s16], [sflag:$0x2], s18, s8, s31, $0x20;
	[tilespmem:$0x10100] =	vst v63  }
.LBB1_5:
0x1e: {  	p1 =	slt.u32 s13, $0x2  }
0x1f: {  	s17 =	smov.u32 s15;
	p2 =	sgt.s32 @!p1 s15, $0x8;
	s16 =	sshra.s32 @!p1 s15, $0x1F  }
0x20: {  	p3 =	sgt.s32 @!p1 s14, $0xFF80;
	s18 =	sshra.s32 @!p1 s14, $0x1F;
	p2 =	por !p2, p1  }
0x21: {  	s15 =	sand.u32 @!p1 s16, s15;
	p3 =	por !p3, p1;
	s16 =	smov.u32 s14  }
0x22: {  	s14 =	sand.u32 @!p1 s18, s14;
	s17 =	simm.s32 @p2 $0x8;
	s16 =	simm.s32 @p3 $0xFF80  }
0x23: {  	s15 =	ssub.s32 @!p1 s17, s15;
	s14 =	ssub.s32 @!p1 s16, s14  }
0x24: {  	s18 =	smov.u32 s12;
	s16 =	sadd.s32 @!p1 $0xFFFFFFF8, s15;
	s17 =	sadd.s32 @!p1 $0xFFFF0080, s14  }
0x25: {  	s15 =	ssub.s32 @!p1 $0x88, s15;
	p2 =	sgt.s32 @!p1 s16, $0x7F;
	p3 =	sgt.s32 @!p1 s17, $0x7F  }
0x26: {  	s14 =	ssub.s32 @!p1 $0x10000, s14;
	p2 =	por !p2, p1;
	p3 =	por !p3, p1  }
0x27: {  	s16 =	sadd.s32 $0x80, s11;
	s15 =	simm.s32 @!p2 $0x0;
	s14 =	simm.s32 @!p3 $0x0  }
0x28: {  	p2 =	sgt.s32 s16, $0x80;
	s14 =	smul.u32 @!p1 s14, s15;
	s15 =	sadd.s32 $0x1000, s12  }
0x29: {  	s18 =	smov.u32 @p2 s15  }
0x2a: {  	s16 =	simm.s32 @p2 $0x0;
	p2 =	sgt.s32 s18, $0xFFFF  }
0x2b: {  	s18 =	smov.u32 @p2 s2;
	p2 =	sne.s32 s13, s7  }
.Ltmp1:
0x2c: {  	p0 =	por !p0, !p0;
	s17 =	simm.s32 @!p1 $0x2;
	(pc) =	sbr.rel @!p2 .LBB1_6-.Ltmp1, $4  }
0x2d: {  	s15 =	smov.u32 s9;
	s9 =	smov.u32 s11;
	s14 =	sand.u32 @!p1 $0x3FFFFFFF, s14  }
0x2e: {  	s11 =	smov.u32 s16;
	_ =	swait.ge @!p1 [sflag:s17], s14;
	s19 =	ssub.s32 @!p1 $0x0, s14  }
0x2f: {  	s14 =	smov.u32 s10;
	s13 =	sadd.s32 $0x1, s13;
	[sflag:s17] =	ssyncset.done @!p1 $0x0  }
0x30: {  	s10 =	smov.u32 s12;
	s12 =	smov.u32 s18;
	[sflag:s17] =	ssyncadd.s32 @!p1 s19  }
.LBB1_1:
0x31: {  	p1 =	sge.u32 s13, s6  }
0x32: {  	s31 =	sadd.s32 $0xFFFFFFFF, s13;
	s16 =	sshll.u32 @!p1 s12, $0x8  }
0x33: {  	s17 =	sshll.u32 @!p1 s11, $0x3;
	s18 =	sshll.u32 @!p1 s12, $0x7;
	s16 =	sand.u32 @!p1 $0xFFF800, s16  }
0x34: {  	s19 =	sand.u32 @!p1 $0x78, s11;
	s16 =	sadd.s32 @!p1 s16, s17;
	s17 =	sand.u32 @!p1 $0x380, s18  }
0x35: {  	s18 =	sxor.u32 @!p1 $0xFFFFFFFF, s13;
	s16 =	sand.u32 @!p1 $0xFFFC00, s16;
	s17 =	sor.u32 @!p1 s17, s19  }
0x36: {  	s18 =	sshll.u32 @!p1 s18, $0xE;
	s16 =	sor.u32 @!p1 s16, s17;
	s17 =	sand.u32 @!p1 $0x7, s11  }
0x37: {  	s19 =	simm.s32 @!p1 $0x800;
	s16 =	sshrl.u32 @!p1 s16, $0x3;
	s17 =	sshll.u32 @!p1 s17, $0x12  }
0x38: {  	s18 =	sand.u32 @!p1 $0x4000, s18;
	s16 =	sadd.s32 @!p1 s5, s16;
	s17 =	sor.u32 @!p1 $0x400, s17  }
0x39: {  	[tilespmem:s18], [sflag:$0x1] =	stream.strided.gather @!p1 [hbm4b:s16+s17], $0x4000, s19, s17, $0x38;
	[tilespmem:$0x10100] =	vst v63  }
0x3a: {  	p1 =	sge.u32 s31, s6  }
.Ltmp2:
0x3b: {  	_ = 	snop;
	(pc) =	sbr.rel @p1 .LBB1_5-.Ltmp2, $1  }
0x3c: {  	_ =	sdelay $0x3  }
0x3d: {  	s16 =	simm.s32 $0x1  }
0x3e: {  	_ =	swait.ge [sflag:s4], $0x4000;
	s16 =	simm.s32 @!p0 $0x0  }
0x3f: {  	[sflag:s4] =	ssyncset.done $0x0;
	s17 =	sshll.u32 s16, $0xE  }
0x40: {  	[sflag:s4] =	ssyncadd.s32 $0xFFFFC000;
	s17 =	sor.u32 $0x40, s17  }
0x41: {  	s16 =	smul.u32 $0x10200, s16;
	v0 =	vld [tilespmem:s17+$0x30]  }
0x42: {  	v1 =	vld [tilespmem:s17+$0xFFFFFFD0]  }
0x43: {  	s16 =	sshrl.u32 s16, $0x2;
	v5 =	vld [tilespmem:s17+$0xFFFFFFE0]  }
0x44: {  	v6 =	vld [tilespmem:s17+$0xFFFFFFF0];
	s19 =	sor.u32 $0x8000, s16  }
0x45: {  	s31 =	sand.u32 $0x1, s13;
	v4 =	vld [tilespmem:s17+$0x0];
	s18 =	sadd.s32 $0x0, s19  }
0x46: {  	v3 =	vld [tilespmem:s17+$0x10];
	s16 =	smul.u32 $0x10200, s31;
	[tilespmem:s18+$0x3870 ss:$0x81] =	vst.msk $0xffff, v0  }
0x47: {  	v2 =	vld [tilespmem:s17+$0x20];
	[tilespmem:s18+$0x810 ss:$0x81] =	vst.msk $0xffff, v1  }
0x48: {  	s16 =	sshrl.u32 s16, $0x2;
	v1 =	vld [tilespmem:s17+$0xFFFFFFC0];
	[tilespmem:s18+$0x1020 ss:$0x81] =	vst.msk $0xffff, v5;
	s17 =	sadd.s32 $0x80, s17  }
0x49: {  	s20 =	simm.s32 $0x4;
	s21 =	simm.s32 $0x8;
	s16 =	sor.u32 $0x8000, s16;
	[tilespmem:s18+$0x1830 ss:$0x81] =	vst.msk $0xffff, v6;
	v0 =	vld [tilespmem:s17+$0x30]  }
.LBB1_3:
0x4a: {  	p1 =	sne.s32 s21, $0x1FC;
	v5 =	vld [tilespmem:s17+$0xFFFFFFD0];
	[tilespmem:s18+$0x2040 ss:$0x81] =	vst.msk $0xffff, v4  }
0x4b: {  	v6 =	vld [tilespmem:s17+$0xFFFFFFE0];
	[tilespmem:s18+$0x2850 ss:$0x81] =	vst.msk $0xffff, v3  }
0x4c: {  	s22 =	sshra.s32 s20, $0x2;
	s20 =	smov.u32 s21;
	v7 =	vld [tilespmem:s17+$0xFFFFFFF0];
	[tilespmem:s18+$0x3060 ss:$0x81] =	vst.msk $0xffff, v2  }
.Ltmp3:
0x4d: {  	v4 =	vld [tilespmem:s17+$0x0];
	[tilespmem:s18+$0x0 ss:$0x81] =	vst.msk $0xffff, v1;
	s18 =	sadd.s32 s22, s19;
	(pc) =	sbr.rel @p1 .LBB1_3-.Ltmp3, $4  }
0x4e: {  	v3 =	vld [tilespmem:s17+$0x10];
	[tilespmem:s18+$0x3870 ss:$0x81] =	vst.msk $0xffff, v0  }
0x4f: {  	[tilespmem:s18+$0x810 ss:$0x81] =	vst.msk $0xffff, v5;
	v2 =	vld [tilespmem:s17+$0x20]  }
0x50: {  	v1 =	vld [tilespmem:s17+$0xFFFFFFC0];
	[tilespmem:s18+$0x1020 ss:$0x81] =	vst.msk $0xffff, v6;
	s17 =	sadd.s32 $0x80, s17  }
0x51: {  	s21 =	sadd.s32 $0x4, s21;
	v0 =	vld [tilespmem:s17+$0x30];
	[tilespmem:s18+$0x1830 ss:$0x81] =	vst.msk $0xffff, v7  }
.Ltmp4:
0x52: {  	_ = 	snop;
	(pc) =	sbr.rel .LBB1_4-.Ltmp4, $1  }
0x53: {  	_ =	sdelay $0x3  }
.LBB1_6:
0x54: {  	_ =	sfence.sel $0x180000  }
0x55: {  	s2 =	simm.s32 $0x1;
	[bflag:$0x0] =	sbarrier.arrive $0xFFFF  }
0x56: {  	s31 =	simm.s32 $0x2;
	[sflag:s2] =	ssyncpa.u1 $0x1  }
0x57: {  	[sflag:s31] =	ssyncpa.u1 $0x1  }
0x58: {  	p0 =	sne.s32 s0, $0x0;
	_ =	strace $0x9000004A  }
0x59: {  	s0 =	sadd.s32 @!p0 $0x100000, s1;
	[bflag:$0x2] =	sbarrier.arrive $0xFFFF  }
0x5a: {  	[sflag:s0] =	ssyncadd.tile.s32 @!p0 $0x1;
	_ =	shalt  }
.Lfunc_end1:
_tile_overlayer_lowered:
.L_overlay_start_2:
0x5b: {  	(tag) =	ssettag $0x2  }
0x5c: {  	s0 =	rddreg [dreg:$0x0];
	s2 =	stileid.u32  }
0x5d: {  	s1 =	rddreg [dreg:$0x1];
	p0 =	sne.s32 s2, $0x0  }
0x5e: {  	s3 =	rddreg [dreg:$0x2];
	[bflag:$0x3] =	sbarrier.arrive $0xFFFF;
	s2 =	simm.s32 @!p0 $0x1C01  }
0x5f: {  	[timem:s3], [sflag:s2] =	dma.local @!p0 [hbm:s0], s1  }
0x60: {  	s0 =	simm.s32 @!p0 $0x1  }
0x61: {  	_ =	swait.ge @!p0 [sflag:s0], s1  }
0x62: {  	s1 =	ssub.s32 @!p0 $0x0, s1;
	[sflag:s0] =	ssyncset.done @!p0 $0x0  }
0x63: {  	[sflag:s0] =	ssyncadd.s32 @!p0 s1  }
0x64: {  	[bflag:$0x3] =	sbarrier.arrive $0xFFFF  }
0x65: {  	_ =	shalt  }

</sc_bundles>
